<compile_context>
chip_gen: v7x
topology: tpu7x:2x2x1
jax: 0.10.2.dev20260603
libtpu: 0.0.44.dev20260713+nightly
codegen_flags: <defaults>
</compile_context>

<pallas_src>
import functools

import jax
import jax.numpy as jnp
from jax import lax
from jax.experimental import pallas as pl
from jax.experimental.pallas import tpu as pltpu
from jax.experimental.pallas import tpu_sc as plsc

_EPS = 1e-6
_MARGIN = 1.0


def _tc_transpose128(xt, chunk=8192, n_out=None):
    D, N = xt.shape
    if n_out is not None:
        N = n_out
    G = 128 // D
    C = min(chunk, ((N + 127) // 128) * 128)
    NB = (N + C - 1) // C
    Cf = C // G
    eye = jnp.eye(128, dtype=jnp.float32)

    def body(in_ref, eye_ref, out_ref):
        n = pl.program_id(0)

        def compute(mask_tail):
            in4 = jnp.concatenate(
                [in_ref[:, a * Cf:(a + 1) * Cf] for a in range(G)], axis=0)
            if mask_tail:
                base = N - (NB - 1) * C
                srow = lax.broadcasted_iota(jnp.int32, (128, Cf), 0)
                scol = lax.broadcasted_iota(jnp.int32, (128, Cf), 1)
                src = (srow // D) * Cf + scol
                in4 = jnp.where(src < base, in4, 0.0)
            t = lax.dot_general(
                in4, eye_ref[...], (((0,), (0,)), ((), ())),
                preferred_element_type=jnp.float32)
            out_ref[...] = t.astype(jnp.bfloat16)

        if N % C == 0:
            compute(False)
        else:
            @pl.when(n < NB - 1)
            def _():
                compute(False)

            @pl.when(n == NB - 1)
            def _():
                compute(True)

    return pl.pallas_call(
        body,
        grid=(NB,),
        in_specs=[
            pl.BlockSpec((D, C), lambda n: (0, n)),
            pl.BlockSpec((128, 128), lambda n: (0, 0)),
        ],
        out_specs=pl.BlockSpec((Cf, 128), lambda n: (n, 0)),
        out_shape=jax.ShapeDtypeStruct((NB * Cf, 128), jnp.bfloat16),
    )(xt, eye)


def _sc_gather(T_ut, T_u2, T_v, T_da, users, pos, negT, das, B, NNEG, DA):
    info = plsc.get_sparse_core_info()
    NC, NS = info.num_cores, info.num_subcores
    NW = NC * NS
    bw = B // NW
    nn = (B * NNEG) // NW
    half = nn // 2
    mesh = plsc.VectorSubcoreMesh(core_axis_name="c", subcore_axis_name="s")

    @functools.partial(
        pl.kernel,
        mesh=mesh,
        out_type=[
            jax.ShapeDtypeStruct((B, 32), jnp.bfloat16),
            jax.ShapeDtypeStruct((B, 32), jnp.bfloat16),
            jax.ShapeDtypeStruct((B, 32), jnp.bfloat16),
            jax.ShapeDtypeStruct((B, 32), jnp.bfloat16),
            jax.ShapeDtypeStruct((B, 32), jnp.bfloat16),
            jax.ShapeDtypeStruct((B * NNEG, 32), jnp.bfloat16),
        ],
        scratch_types=[
            pltpu.VMEM((bw,), jnp.int32),
            pltpu.VMEM((bw,), jnp.int32),
            pltpu.VMEM((bw,), jnp.int32),
            pltpu.VMEM((bw,), jnp.int32),
            pltpu.VMEM((bw,), jnp.int32),
            pltpu.VMEM((half,), jnp.int32),
            pltpu.VMEM((5 * bw, 32), jnp.bfloat16),
            pltpu.VMEM((half, 32), jnp.bfloat16),
            pltpu.SemaphoreType.DMA,
        ],
        compiler_params=pltpu.CompilerParams(use_tc_tiling_on_sc=False),
    )
    def k(ut_hbm, u2_hbm, v_hbm, da_hbm, users_hbm, pos_hbm, negT_hbm,
          das_hbm, ut_out, g0_out, g1_out, i_out, da_out, j_out,
          idxA, idxB, idxC, idxP, idxD, idxN, rows_v, j_v, sem):
        wid = lax.axis_index("s") * NC + lax.axis_index("c")
        base = wid * bw
        pltpu.sync_copy(users_hbm.at[pl.ds(base, bw)], idxA)
        pltpu.sync_copy(pos_hbm.at[pl.ds(base, bw)], idxP)
        pltpu.sync_copy(das_hbm.at[pl.ds(base, bw)], idxD)

        LC = 16
        LC2 = 15

        def v32(r):
            return (jnp.right_shift(r, LC) * (1 << LC)
                    + (r & ((1 << (LC - 2)) - 1)) * 4
                    + (jnp.right_shift(r, LC - 2) & 3))

        def xform(t, _):
            s = pl.ds(t * 16, 16)
            u = idxA[s]
            v0 = (jnp.right_shift(u, LC2) * (2 << LC2)
                  + (u & ((1 << (LC2 - 1)) - 1)) * 4
                  + (jnp.right_shift(u, LC2 - 1) & 1) * 2)
            idxB[s] = v0
            idxC[s] = v0 + 1
            idxA[s] = v32(u)
            idxP[s] = v32(idxP[s])
            d = jnp.minimum(jnp.maximum(idxD[s], 0), DA)
            idxD[s] = (d & 31) * 4 + jnp.right_shift(d, 5)
            return _

        lax.fori_loop(0, bw // 16, xform, 0, unroll=4)

        c1 = pltpu.async_copy(ut_hbm.at[idxA], rows_v.at[pl.ds(0, bw)], sem)
        c2 = pltpu.async_copy(u2_hbm.at[idxB], rows_v.at[pl.ds(bw, bw)], sem)
        c3 = pltpu.async_copy(u2_hbm.at[idxC], rows_v.at[pl.ds(2 * bw, bw)],
                              sem)
        c4 = pltpu.async_copy(v_hbm.at[idxP], rows_v.at[pl.ds(3 * bw, bw)],
                              sem)
        c5 = pltpu.async_copy(da_hbm.at[idxD], rows_v.at[pl.ds(4 * bw, bw)],
                              sem)
        c1.wait()
        c2.wait()
        c3.wait()
        c4.wait()
        c5.wait()
        pltpu.sync_copy(rows_v.at[pl.ds(0, bw)], ut_out.at[pl.ds(base, bw)])
        pltpu.sync_copy(rows_v.at[pl.ds(bw, bw)], g0_out.at[pl.ds(base, bw)])
        pltpu.sync_copy(rows_v.at[pl.ds(2 * bw, bw)],
                        g1_out.at[pl.ds(base, bw)])
        pltpu.sync_copy(rows_v.at[pl.ds(3 * bw, bw)],
                        i_out.at[pl.ds(base, bw)])
        pltpu.sync_copy(rows_v.at[pl.ds(4 * bw, bw)],
                        da_out.at[pl.ds(base, bw)])

        nbase = wid * nn
        for c in range(2):
            off = nbase + c * half
            pltpu.sync_copy(negT_hbm.at[pl.ds(off, half)], idxN)

            def nxform(t, _):
                s = pl.ds(t * 16, 16)
                idxN[s] = v32(idxN[s])
                return _

            lax.fori_loop(0, half // 16, nxform, 0, unroll=4)
            pltpu.async_copy(v_hbm.at[idxN], j_v, sem).wait()
            pltpu.sync_copy(j_v, j_out.at[pl.ds(off, half)])

    return k(T_ut, T_u2, T_v, T_da, users, pos, negT, das)


def _tc_loss(ut_p, g0_p, g1_p, i_p, da_p, j_p, W128, b128, B, NNEG):
    Bp = B // 4
    Rp = 512
    NB = Bp // Rp

    def body(ut_ref, g0_ref, g1_ref, i_ref, da_ref, j_ref, w_ref, b_ref,
             out_ref):
        step = pl.program_id(0)
        f32 = lambda x: x.astype(jnp.float32)
        s = 2.0 * f32(ut_ref[...]) + f32(g0_ref[...]) + f32(g1_ref[...])
        u = (jnp.dot(s, w_ref[...], preferred_element_type=jnp.float32)
             + b_ref[...] + f32(da_ref[...]))
        up = u + _EPS
        gsel = (lax.broadcasted_iota(jnp.int32, (128, 4), 0) // 32
                == lax.broadcasted_iota(jnp.int32, (128, 4), 1)
                ).astype(jnp.float32)
        d0 = up - f32(i_ref[...])
        dp = jnp.sqrt(jnp.dot(d0 * d0, gsel,
                              preferred_element_type=jnp.float32))
        acc = jnp.zeros((), jnp.float32)
        for k in range(NNEG):
            dk = up - f32(j_ref[k])
            dn = jnp.sqrt(jnp.dot(dk * dk, gsel,
                                  preferred_element_type=jnp.float32))
            acc = acc + jnp.sum(jnp.maximum(dp - dn + _MARGIN, 0.0))

        @pl.when(step == 0)
        def _():
            out_ref[...] = jnp.zeros_like(out_ref[...])

        out_ref[...] = out_ref[...] + acc * (1.0 / B)

    out = pl.pallas_call(
        body,
        grid=(NB,),
        in_specs=[
            pl.BlockSpec((Rp, 128), lambda n: (n, 0)),
            pl.BlockSpec((Rp, 128), lambda n: (n, 0)),
            pl.BlockSpec((Rp, 128), lambda n: (n, 0)),
            pl.BlockSpec((Rp, 128), lambda n: (n, 0)),
            pl.BlockSpec((Rp, 128), lambda n: (n, 0)),
            pl.BlockSpec((NNEG, Rp, 128), lambda n: (0, n, 0)),
            pl.BlockSpec((128, 128), lambda n: (0, 0)),
            pl.BlockSpec((1, 128), lambda n: (0, 0)),
        ],
        out_specs=pl.BlockSpec((1, 1), lambda n: (0, 0)),
        out_shape=jax.ShapeDtypeStruct((1, 1), jnp.float32),
        compiler_params=pltpu.CompilerParams(
            dimension_semantics=("arbitrary",)),
    )(ut_p, g0_p, g1_p, i_p, da_p, j_p, W128, b128)
    return out[0, 0]


def kernel(phase, users, pos_job_ids, behavior_ids, das, neg_job_id_lists,
           U_true, U, V, da_tab, W, b):
    B = users.shape[0]
    DIM = U_true.shape[1]
    NNEG = neg_job_id_lists.shape[1]
    DA = da_tab.shape[0] - 1
    USER_SIZE = U.shape[0]
    JOB_SIZE = V.shape[0]

    user_cap = ((USER_SIZE + 127) // 128) * 128
    T_ut = _tc_transpose128(U_true.T, n_out=user_cap, chunk=65536)
    T_u2 = _tc_transpose128(U.reshape(USER_SIZE, 2 * DIM).T, chunk=32768)
    T_v = _tc_transpose128(V.T, chunk=65536)
    da_padT = jnp.pad(da_tab, ((0, 128 - (DA + 1)), (0, 0))).T
    T_da = _tc_transpose128(da_padT, chunk=128)

    T_ut4 = T_ut.reshape(-1, 32)
    T_u24 = T_u2.reshape(-1, 32)
    T_v4 = T_v.reshape(-1, 32)
    T_da4 = T_da.reshape(-1, 32)

    negT = neg_job_id_lists.T.reshape(-1)
    ut, g0, g1, i_rows, da_rows, j_rows = _sc_gather(
        T_ut4, T_u24, T_v4, T_da4, users, pos_job_ids, negT, das,
        B, NNEG, DA)

    Bp = B // 4
    ut_p = ut.reshape(Bp, 128)
    g0_p = g0.reshape(Bp, 128)
    g1_p = g1.reshape(Bp, 128)
    i_p = i_rows.reshape(Bp, 128)
    da_p = da_rows.reshape(Bp, 128)
    j_p = j_rows.reshape(NNEG, Bp, 128)

    W128 = jnp.kron(jnp.eye(4, dtype=jnp.float32), W.T)
    b128 = jnp.tile(b, 4).reshape(1, 128)
    return _tc_loss(ut_p, g0_p, g1_p, i_p, da_p, j_p, W128, b128, B, NNEG)

# --- scband reference (transcript-rebuilt; emitter-appended) ---
"""Pipeline reference for scband-model-3229815407317 (READ-ONLY COPY).

The authoritative reference and input builder live on the scoring server;
editing this copy changes nothing except your own understanding.
"""

import jax, jax.numpy as jnp
import numpy as np

USER_SIZE = 100000
JOB_SIZE = 1000000
BEH = 3
DIM = 32
DA = 100
B = 16384
NNEG = 5


def setup_inputs(seed: int = 0) -> dict:
    key = jax.random.key(seed)
    ks = jax.random.split(key, 12)
    xav_tab = (2.0 / (JOB_SIZE + DIM)) ** 0.5
    xav_lin = (2.0 / (DIM + DIM)) ** 0.5
    return {
        "phase": 1,
        "users": jax.random.randint(ks[0], (B,), 0, USER_SIZE, dtype=jnp.int64 if jax.config.jax_enable_x64 else jnp.int32).astype(jnp.int32),
        "pos_job_ids": jax.random.randint(ks[1], (B,), 0, JOB_SIZE).astype(jnp.int32),
        "behavior_ids": jax.random.randint(ks[2], (B,), 0, BEH - 1).astype(jnp.int32),
        "das": jax.random.randint(ks[3], (B,), 0, DA).astype(jnp.int32),
        "neg_job_id_lists": jax.random.randint(ks[4], (B, NNEG), 0, JOB_SIZE).astype(jnp.int32),
        "U_true": jax.random.normal(ks[5], (JOB_SIZE, DIM), dtype=jnp.float32) * xav_tab,
        "U": jax.random.normal(ks[6], (USER_SIZE, BEH - 1, DIM), dtype=jnp.float32) * 0.02,
        "V": jax.random.normal(ks[7], (JOB_SIZE, DIM), dtype=jnp.float32) * xav_tab,
        "da_tab": jax.random.normal(ks[8], (DA + 1, DIM), dtype=jnp.float32) * 0.1,
        "W": jax.random.normal(ks[9], (DIM, DIM), dtype=jnp.float32) * xav_lin,
        "b": jnp.zeros((DIM,), dtype=jnp.float32),
    }


def _triplet(anchor, pos, neg, margin=1.0, eps=1e-6):
    # matches torch.nn.TripletMarginLoss(reduction='none'): pairwise_distance adds eps to diff
    dp = jnp.linalg.norm(anchor - pos + eps, axis=-1)
    dn = jnp.linalg.norm(anchor - neg + eps, axis=-1)
    return jnp.maximum(dp - dn + margin, 0.0)


def reference(phase, users, pos_job_ids, behavior_ids, das, neg_job_id_lists,
              U_true, U, V, da_tab, W, b):
    # phase == 1: _target_loss path
    ut = jnp.take(U_true, users, axis=0)          # [B, DIM]
    uu = jnp.take(U, users, axis=0)               # [B, BEH-1, DIM]
    u_v = ut + uu[:, 0]
    u_f = ut + uu[:, 1]
    u = u_v + u_f
    u = u @ W.T + b                               # linear_target
    das_c = jnp.clip(das, 0, DA)
    u = u + jnp.take(da_tab, das_c, axis=0)
    i = jnp.take(V, pos_job_ids, axis=0)          # [B, DIM]
    j = jnp.take(V, neg_job_id_lists, axis=0)     # [B, NNEG, DIM]
    loss = 0.0
    for idx in range(j.shape[1]):
        loss = loss + _triplet(u, i, j[:, idx, :]).mean()
    return loss

if __name__ == "__main__":
    import jax
    _d = setup_inputs()
    print(jax.jit(kernel)(*tuple(_d.values())))

</pallas_src>

<mosaic_0001>
#map = affine_map<(d0, d1) -> (0, 0)>
#map1 = affine_map<(d0, d1) -> (0)>
module attributes {stable_mosaic.version = 14 : i64} {
  func.func @k(%arg0: i32, %arg1: i32, %arg2: memref<131072x32xbf16, #tpu.memory_space<hbm>>, %arg3: memref<262144x32xbf16, #tpu.memory_space<hbm>>, %arg4: memref<1048576x32xbf16, #tpu.memory_space<hbm>>, %arg5: memref<128x32xbf16, #tpu.memory_space<hbm>>, %arg6: memref<16384xi32, #tpu.memory_space<hbm>>, %arg7: memref<16384xi32, #tpu.memory_space<hbm>>, %arg8: memref<81920xi32, #tpu.memory_space<hbm>>, %arg9: memref<16384xi32, #tpu.memory_space<hbm>>, %arg10: memref<16384x32xbf16, #tpu.memory_space<hbm>>, %arg11: memref<16384x32xbf16, #tpu.memory_space<hbm>>, %arg12: memref<16384x32xbf16, #tpu.memory_space<hbm>>, %arg13: memref<16384x32xbf16, #tpu.memory_space<hbm>>, %arg14: memref<16384x32xbf16, #tpu.memory_space<hbm>>, %arg15: memref<81920x32xbf16, #tpu.memory_space<hbm>>, %arg16: memref<512xi32, #tpu.memory_space<vmem>>, %arg17: memref<512xi32, #tpu.memory_space<vmem>>, %arg18: memref<512xi32, #tpu.memory_space<vmem>>, %arg19: memref<512xi32, #tpu.memory_space<vmem>>, %arg20: memref<512xi32, #tpu.memory_space<vmem>>, %arg21: memref<1280xi32, #tpu.memory_space<vmem>>, %arg22: memref<2560x32xbf16, #tpu.memory_space<vmem>>, %arg23: memref<1280x32xbf16, #tpu.memory_space<vmem>>, %arg24: memref<!tpu.dma_semaphore, #tpu.memory_space<semaphore_mem>>) attributes {dimension_semantics = [#tpu.dimension_semantics<core_parallel>, #tpu.dimension_semantics<subcore_parallel>], iteration_bounds = array<i64: 2, 16>, scalar_prefetch = 0 : i64, scratch_operands = 9 : i64, tpu.core_type = #tpu.core_type<sc_vector_subcore>, window_params = [{transform_indices = #map}, {transform_indices = #map}, {transform_indices = #map}, {transform_indices = #map}, {transform_indices = #map1}, {transform_indices = #map1}, {transform_indices = #map1}, {transform_indices = #map1}, {transform_indices = #map}, {transform_indices = #map}, {transform_indices = #map}, {transform_indices = #map}, {transform_indices = #map}, {transform_indices = #map}]} {
    %mul3A = arith.constant 2 : i32
    %mul3A_0 = arith.muli %arg1, %mul3A : i32
    %add3A = arith.addi %mul3A_0, %arg0 : i32
    %mul3A_1 = arith.constant 512 : i32
    %mul3A_2 = arith.muli %add3A, %mul3A_1 : i32
    "tpu.region"() ({
      %run_scoped3A = tpu.sem_alloc : memref<!tpu.dma_semaphore, #tpu.memory_space<semaphore_mem>>
      %dma_start3A_96 = tpu.memref_slice %arg6[%mul3A_2] : memref<16384xi32, #tpu.memory_space<hbm>> -> memref<512xi32, #tpu.memory_space<hbm>>
      %dma_start3A_97 = tpu.memref_slice %arg6[%mul3A_2] : memref<16384xi32, #tpu.memory_space<hbm>> -> memref<512xi32, #tpu.memory_space<hbm>>
      tpu.enqueue_dma source(%dma_start3A_97 : memref<512xi32, #tpu.memory_space<hbm>>) target(%arg16 : memref<512xi32, #tpu.memory_space<vmem>>) target_semaphore(%run_scoped3A : memref<!tpu.dma_semaphore, #tpu.memory_space<semaphore_mem>>)
      %dma_wait3A_98 = tpu.memref_slice %arg6[%mul3A_2] : memref<16384xi32, #tpu.memory_space<hbm>> -> memref<512xi32, #tpu.memory_space<hbm>>
      %dma_wait3A_99 = tpu.memref_slice %arg6[%mul3A_2] : memref<16384xi32, #tpu.memory_space<hbm>> -> memref<512xi32, #tpu.memory_space<hbm>>
      tpu.wait_dma2 semaphore(%run_scoped3A : memref<!tpu.dma_semaphore, #tpu.memory_space<semaphore_mem>>) src(%dma_wait3A_99 : memref<512xi32, #tpu.memory_space<hbm>>) dst(%arg16 : memref<512xi32, #tpu.memory_space<vmem>>)
      tpu.yield
    }) : () -> ()
    "tpu.region"() ({
      %run_scoped3A = tpu.sem_alloc : memref<!tpu.dma_semaphore, #tpu.memory_space<semaphore_mem>>
      %dma_start3A_96 = tpu.memref_slice %arg7[%mul3A_2] : memref<16384xi32, #tpu.memory_space<hbm>> -> memref<512xi32, #tpu.memory_space<hbm>>
      %dma_start3A_97 = tpu.memref_slice %arg7[%mul3A_2] : memref<16384xi32, #tpu.memory_space<hbm>> -> memref<512xi32, #tpu.memory_space<hbm>>
      tpu.enqueue_dma source(%dma_start3A_97 : memref<512xi32, #tpu.memory_space<hbm>>) target(%arg19 : memref<512xi32, #tpu.memory_space<vmem>>) target_semaphore(%run_scoped3A : memref<!tpu.dma_semaphore, #tpu.memory_space<semaphore_mem>>)
      %dma_wait3A_98 = tpu.memref_slice %arg7[%mul3A_2] : memref<16384xi32, #tpu.memory_space<hbm>> -> memref<512xi32, #tpu.memory_space<hbm>>
      %dma_wait3A_99 = tpu.memref_slice %arg7[%mul3A_2] : memref<16384xi32, #tpu.memory_space<hbm>> -> memref<512xi32, #tpu.memory_space<hbm>>
      tpu.wait_dma2 semaphore(%run_scoped3A : memref<!tpu.dma_semaphore, #tpu.memory_space<semaphore_mem>>) src(%dma_wait3A_99 : memref<512xi32, #tpu.memory_space<hbm>>) dst(%arg19 : memref<512xi32, #tpu.memory_space<vmem>>)
      tpu.yield
    }) : () -> ()
    "tpu.region"() ({
      %run_scoped3A = tpu.sem_alloc : memref<!tpu.dma_semaphore, #tpu.memory_space<semaphore_mem>>
      %dma_start3A_96 = tpu.memref_slice %arg9[%mul3A_2] : memref<16384xi32, #tpu.memory_space<hbm>> -> memref<512xi32, #tpu.memory_space<hbm>>
      %dma_start3A_97 = tpu.memref_slice %arg9[%mul3A_2] : memref<16384xi32, #tpu.memory_space<hbm>> -> memref<512xi32, #tpu.memory_space<hbm>>
      tpu.enqueue_dma source(%dma_start3A_97 : memref<512xi32, #tpu.memory_space<hbm>>) target(%arg20 : memref<512xi32, #tpu.memory_space<vmem>>) target_semaphore(%run_scoped3A : memref<!tpu.dma_semaphore, #tpu.memory_space<semaphore_mem>>)
      %dma_wait3A_98 = tpu.memref_slice %arg9[%mul3A_2] : memref<16384xi32, #tpu.memory_space<hbm>> -> memref<512xi32, #tpu.memory_space<hbm>>
      %dma_wait3A_99 = tpu.memref_slice %arg9[%mul3A_2] : memref<16384xi32, #tpu.memory_space<hbm>> -> memref<512xi32, #tpu.memory_space<hbm>>
      tpu.wait_dma2 semaphore(%run_scoped3A : memref<!tpu.dma_semaphore, #tpu.memory_space<semaphore_mem>>) src(%dma_wait3A_99 : memref<512xi32, #tpu.memory_space<hbm>>) dst(%arg20 : memref<512xi32, #tpu.memory_space<vmem>>)
      tpu.yield
    }) : () -> ()
    %scan3A = arith.constant 0 : i32
    %scan3A_3 = arith.constant 0 : i32
    %scan3A_4 = arith.constant 32 : i32
    %scan3A_5 = arith.addi %scan3A_3, %scan3A_4 : i32
    %scan3A_6 = arith.constant 4 : i32
    scf.for %scan3A_96 = %scan3A_3 to %scan3A_5 step %scan3A_6  : i32 {
      %mul3A_97 = arith.constant 16 : i32
      %mul3A_98 = arith.muli %scan3A_96, %mul3A_97 : i32
      %get3A = arith.index_cast %mul3A_98 : i32 to index
      %get3A_99 = tpu.vector_load %arg16[%get3A] {strides = array<i32>} : memref<512xi32, #tpu.memory_space<vmem>>, vector<16xi32>,
      %get3A_100 = vector.shape_cast %get3A_99 : vector<16xi32> to vector<16xi32>
      %shift_right_arithmetic3A = arith.constant 15 : i32
      %shift_right_arithmetic3A_101 = vector.broadcast %shift_right_arithmetic3A : i32 to vector<16xi32>
      %shift_right_arithmetic3A_102 = arith.shrsi %get3A_100, %shift_right_arithmetic3A_101 : vector<16xi32>
      %mul3A_103 = arith.constant 65536 : i32
      %mul3A_104 = vector.broadcast %mul3A_103 : i32 to vector<16xi32>
      %mul3A_105 = arith.muli %shift_right_arithmetic3A_102, %mul3A_104 : vector<16xi32>
      %and3A = arith.constant 16383 : i32
      %and3A_106 = vector.broadcast %and3A : i32 to vector<16xi32>
      %and3A_107 = arith.andi %get3A_100, %and3A_106 : vector<16xi32>
      %mul3A_108 = arith.constant 4 : i32
      %mul3A_109 = vector.broadcast %mul3A_108 : i32 to vector<16xi32>
      %mul3A_110 = arith.muli %and3A_107, %mul3A_109 : vector<16xi32>
      %add3A_111 = arith.addi %mul3A_105, %mul3A_110 : vector<16xi32>
      %shift_right_arithmetic3A_112 = arith.constant 14 : i32
      %shift_right_arithmetic3A_113 = vector.broadcast %shift_right_arithmetic3A_112 : i32 to vector<16xi32>
      %shift_right_arithmetic3A_114 = arith.shrsi %get3A_100, %shift_right_arithmetic3A_113 : vector<16xi32>
      %and3A_115 = arith.constant 1 : i32
      %and3A_116 = vector.broadcast %and3A_115 : i32 to vector<16xi32>
      %and3A_117 = arith.andi %shift_right_arithmetic3A_114, %and3A_116 : vector<16xi32>
      %mul3A_118 = arith.constant 2 : i32
      %mul3A_119 = vector.broadcast %mul3A_118 : i32 to vector<16xi32>
      %mul3A_120 = arith.muli %and3A_117, %mul3A_119 : vector<16xi32>
      %add3A_121 = arith.addi %add3A_111, %mul3A_120 : vector<16xi32>
      %swap3A = arith.index_cast %mul3A_98 : i32 to index
      %swap3A_122 = tpu.vector_load %arg17[%swap3A] {strides = array<i32>} : memref<512xi32, #tpu.memory_space<vmem>>, vector<16xi32>,
      %swap3A_123 = vector.shape_cast %swap3A_122 : vector<16xi32> to vector<16xi32>
      %swap3A_124 = vector.shape_cast %add3A_121 : vector<16xi32> to vector<16xi32>
      tpu.vector_store %arg17[%swap3A], %swap3A_124 {strides = array<i32>} : memref<512xi32, #tpu.memory_space<vmem>>, vector<16xi32>,
      %add3A_125 = arith.constant 1 : i32
      %add3A_126 = vector.broadcast %add3A_125 : i32 to vector<16xi32>
      %add3A_127 = arith.addi %add3A_121, %add3A_126 : vector<16xi32>
      %swap3A_128 = arith.index_cast %mul3A_98 : i32 to index
      %swap3A_129 = tpu.vector_load %arg18[%swap3A_128] {strides = array<i32>} : memref<512xi32, #tpu.memory_space<vmem>>, vector<16xi32>,
      %swap3A_130 = vector.shape_cast %swap3A_129 : vector<16xi32> to vector<16xi32>
      %swap3A_131 = vector.shape_cast %add3A_127 : vector<16xi32> to vector<16xi32>
      tpu.vector_store %arg18[%swap3A_128], %swap3A_131 {strides = array<i32>} : memref<512xi32, #tpu.memory_space<vmem>>, vector<16xi32>,
      %shift_right_arithmetic3A_132 = arith.constant 16 : i32
      %shift_right_arithmetic3A_133 = vector.broadcast %shift_right_arithmetic3A_132 : i32 to vector<16xi32>
      %shift_right_arithmetic3A_134 = arith.shrsi %get3A_100, %shift_right_arithmetic3A_133 : vector<16xi32>
      %mul3A_135 = arith.constant 65536 : i32
      %mul3A_136 = vector.broadcast %mul3A_135 : i32 to vector<16xi32>
      %mul3A_137 = arith.muli %shift_right_arithmetic3A_134, %mul3A_136 : vector<16xi32>
      %and3A_138 = arith.constant 16383 : i32
      %and3A_139 = vector.broadcast %and3A_138 : i32 to vector<16xi32>
      %and3A_140 = arith.andi %get3A_100, %and3A_139 : vector<16xi32>
      %mul3A_141 = arith.constant 4 : i32
      %mul3A_142 = vector.broadcast %mul3A_141 : i32 to vector<16xi32>
      %mul3A_143 = arith.muli %and3A_140, %mul3A_142 : vector<16xi32>
      %add3A_144 = arith.addi %mul3A_137, %mul3A_143 : vector<16xi32>
      %shift_right_arithmetic3A_145 = arith.constant 14 : i32
      %shift_right_arithmetic3A_146 = vector.broadcast %shift_right_arithmetic3A_145 : i32 to vector<16xi32>
      %shift_right_arithmetic3A_147 = arith.shrsi %get3A_100, %shift_right_arithmetic3A_146 : vector<16xi32>
      %and3A_148 = arith.constant 3 : i32
      %and3A_149 = vector.broadcast %and3A_148 : i32 to vector<16xi32>
      %and3A_150 = arith.andi %shift_right_arithmetic3A_147, %and3A_149 : vector<16xi32>
      %add3A_151 = arith.addi %add3A_144, %and3A_150 : vector<16xi32>
      %swap3A_152 = arith.index_cast %mul3A_98 : i32 to index
      %swap3A_153 = tpu.vector_load %arg16[%swap3A_152] {strides = array<i32>} : memref<512xi32, #tpu.memory_space<vmem>>, vector<16xi32>,
      %swap3A_154 = vector.shape_cast %swap3A_153 : vector<16xi32> to vector<16xi32>
      %swap3A_155 = vector.shape_cast %add3A_151 : vector<16xi32> to vector<16xi32>
      tpu.vector_store %arg16[%swap3A_152], %swap3A_155 {strides = array<i32>} : memref<512xi32, #tpu.memory_space<vmem>>, vector<16xi32>,
      %get3A_156 = arith.index_cast %mul3A_98 : i32 to index
      %get3A_157 = tpu.vector_load %arg19[%get3A_156] {strides = array<i32>} : memref<512xi32, #tpu.memory_space<vmem>>, vector<16xi32>,
      %get3A_158 = vector.shape_cast %get3A_157 : vector<16xi32> to vector<16xi32>
      %shift_right_arithmetic3A_159 = arith.constant 16 : i32
      %shift_right_arithmetic3A_160 = vector.broadcast %shift_right_arithmetic3A_159 : i32 to vector<16xi32>
      %shift_right_arithmetic3A_161 = arith.shrsi %get3A_158, %shift_right_arithmetic3A_160 : vector<16xi32>
      %mul3A_162 = arith.constant 65536 : i32
      %mul3A_163 = vector.broadcast %mul3A_162 : i32 to vector<16xi32>
      %mul3A_164 = arith.muli %shift_right_arithmetic3A_161, %mul3A_163 : vector<16xi32>
      %and3A_165 = arith.constant 16383 : i32
      %and3A_166 = vector.broadcast %and3A_165 : i32 to vector<16xi32>
      %and3A_167 = arith.andi %get3A_158, %and3A_166 : vector<16xi32>
      %mul3A_168 = arith.constant 4 : i32
      %mul3A_169 = vector.broadcast %mul3A_168 : i32 to vector<16xi32>
      %mul3A_170 = arith.muli %and3A_167, %mul3A_169 : vector<16xi32>
      %add3A_171 = arith.addi %mul3A_164, %mul3A_170 : vector<16xi32>
      %shift_right_arithmetic3A_172 = arith.constant 14 : i32
      %shift_right_arithmetic3A_173 = vector.broadcast %shift_right_arithmetic3A_172 : i32 to vector<16xi32>
      %shift_right_arithmetic3A_174 = arith.shrsi %get3A_158, %shift_right_arithmetic3A_173 : vector<16xi32>
      %and3A_175 = arith.constant 3 : i32
      %and3A_176 = vector.broadcast %and3A_175 : i32 to vector<16xi32>
      %and3A_177 = arith.andi %shift_right_arithmetic3A_174, %and3A_176 : vector<16xi32>
      %add3A_178 = arith.addi %add3A_171, %and3A_177 : vector<16xi32>
      %swap3A_179 = arith.index_cast %mul3A_98 : i32 to index
      %swap3A_180 = tpu.vector_load %arg19[%swap3A_179] {strides = array<i32>} : memref<512xi32, #tpu.memory_space<vmem>>, vector<16xi32>,
      %swap3A_181 = vector.shape_cast %swap3A_180 : vector<16xi32> to vector<16xi32>
      %swap3A_182 = vector.shape_cast %add3A_178 : vector<16xi32> to vector<16xi32>
      tpu.vector_store %arg19[%swap3A_179], %swap3A_182 {strides = array<i32>} : memref<512xi32, #tpu.memory_space<vmem>>, vector<16xi32>,
      %get3A_183 = arith.index_cast %mul3A_98 : i32 to index
      %get3A_184 = tpu.vector_load %arg20[%get3A_183] {strides = array<i32>} : memref<512xi32, #tpu.memory_space<vmem>>, vector<16xi32>,
      %get3A_185 = vector.shape_cast %get3A_184 : vector<16xi32> to vector<16xi32>
      %max3A = arith.constant 0 : i32
      %max3A_186 = vector.broadcast %max3A : i32 to vector<16xi32>
      %max3A_187 = arith.maxsi %get3A_185, %max3A_186 : vector<16xi32>
      %min3A = arith.constant 100 : i32
      %min3A_188 = vector.broadcast %min3A : i32 to vector<16xi32>
      %min3A_189 = arith.minsi %max3A_187, %min3A_188 : vector<16xi32>
      %and3A_190 = arith.constant 31 : i32
      %and3A_191 = vector.broadcast %and3A_190 : i32 to vector<16xi32>
      %and3A_192 = arith.andi %min3A_189, %and3A_191 : vector<16xi32>
      %mul3A_193 = arith.constant 4 : i32
      %mul3A_194 = vector.broadcast %mul3A_193 : i32 to vector<16xi32>
      %mul3A_195 = arith.muli %and3A_192, %mul3A_194 : vector<16xi32>
      %shift_right_arithmetic3A_196 = arith.constant 5 : i32
      %shift_right_arithmetic3A_197 = vector.broadcast %shift_right_arithmetic3A_196 : i32 to vector<16xi32>
      %shift_right_arithmetic3A_198 = arith.shrsi %min3A_189, %shift_right_arithmetic3A_197 : vector<16xi32>
      %add3A_199 = arith.addi %mul3A_195, %shift_right_arithmetic3A_198 : vector<16xi32>
      %swap3A_200 = arith.index_cast %mul3A_98 : i32 to index
      %swap3A_201 = tpu.vector_load %arg20[%swap3A_200] {strides = array<i32>} : memref<512xi32, #tpu.memory_space<vmem>>, vector<16xi32>,
      %swap3A_202 = vector.shape_cast %swap3A_201 : vector<16xi32> to vector<16xi32>
      %swap3A_203 = vector.shape_cast %add3A_199 : vector<16xi32> to vector<16xi32>
      tpu.vector_store %arg20[%swap3A_200], %swap3A_203 {strides = array<i32>} : memref<512xi32, #tpu.memory_space<vmem>>, vector<16xi32>,
      %scan3A_204 = arith.constant 1 : i32
      %scan3A_205 = arith.addi %scan3A_96, %scan3A_204 : i32
      %mul3A_206 = arith.constant 16 : i32
      %mul3A_207 = arith.muli %scan3A_205, %mul3A_206 : i32
      %get3A_208 = arith.index_cast %mul3A_207 : i32 to index
      %get3A_209 = tpu.vector_load %arg16[%get3A_208] {strides = array<i32>} : memref<512xi32, #tpu.memory_space<vmem>>, vector<16xi32>,
      %get3A_210 = vector.shape_cast %get3A_209 : vector<16xi32> to vector<16xi32>
      %shift_right_arithmetic3A_211 = arith.constant 15 : i32
      %shift_right_arithmetic3A_212 = vector.broadcast %shift_right_arithmetic3A_211 : i32 to vector<16xi32>
      %shift_right_arithmetic3A_213 = arith.shrsi %get3A_210, %shift_right_arithmetic3A_212 : vector<16xi32>
      %mul3A_214 = arith.constant 65536 : i32
      %mul3A_215 = vector.broadcast %mul3A_214 : i32 to vector<16xi32>
      %mul3A_216 = arith.muli %shift_right_arithmetic3A_213, %mul3A_215 : vector<16xi32>
      %and3A_217 = arith.constant 16383 : i32
      %and3A_218 = vector.broadcast %and3A_217 : i32 to vector<16xi32>
      %and3A_219 = arith.andi %get3A_210, %and3A_218 : vector<16xi32>
      %mul3A_220 = arith.constant 4 : i32
      %mul3A_221 = vector.broadcast %mul3A_220 : i32 to vector<16xi32>
      %mul3A_222 = arith.muli %and3A_219, %mul3A_221 : vector<16xi32>
      %add3A_223 = arith.addi %mul3A_216, %mul3A_222 : vector<16xi32>
      %shift_right_arithmetic3A_224 = arith.constant 14 : i32
      %shift_right_arithmetic3A_225 = vector.broadcast %shift_right_arithmetic3A_224 : i32 to vector<16xi32>
      %shift_right_arithmetic3A_226 = arith.shrsi %get3A_210, %shift_right_arithmetic3A_225 : vector<16xi32>
      %and3A_227 = arith.constant 1 : i32
      %and3A_228 = vector.broadcast %and3A_227 : i32 to vector<16xi32>
      %and3A_229 = arith.andi %shift_right_arithmetic3A_226, %and3A_228 : vector<16xi32>
      %mul3A_230 = arith.constant 2 : i32
      %mul3A_231 = vector.broadcast %mul3A_230 : i32 to vector<16xi32>
      %mul3A_232 = arith.muli %and3A_229, %mul3A_231 : vector<16xi32>
      %add3A_233 = arith.addi %add3A_223, %mul3A_232 : vector<16xi32>
      %swap3A_234 = arith.index_cast %mul3A_207 : i32 to index
      %swap3A_235 = tpu.vector_load %arg17[%swap3A_234] {strides = array<i32>} : memref<512xi32, #tpu.memory_space<vmem>>, vector<16xi32>,
      %swap3A_236 = vector.shape_cast %swap3A_235 : vector<16xi32> to vector<16xi32>
      %swap3A_237 = vector.shape_cast %add3A_233 : vector<16xi32> to vector<16xi32>
      tpu.vector_store %arg17[%swap3A_234], %swap3A_237 {strides = array<i32>} : memref<512xi32, #tpu.memory_space<vmem>>, vector<16xi32>,
      %add3A_238 = arith.constant 1 : i32
      %add3A_239 = vector.broadcast %add3A_238 : i32 to vector<16xi32>
      %add3A_240 = arith.addi %add3A_233, %add3A_239 : vector<16xi32>
      %swap3A_241 = arith.index_cast %mul3A_207 : i32 to index
      %swap3A_242 = tpu.vector_load %arg18[%swap3A_241] {strides = array<i32>} : memref<512xi32, #tpu.memory_space<vmem>>, vector<16xi32>,
      %swap3A_243 = vector.shape_cast %swap3A_242 : vector<16xi32> to vector<16xi32>
      %swap3A_244 = vector.shape_cast %add3A_240 : vector<16xi32> to vector<16xi32>
      tpu.vector_store %arg18[%swap3A_241], %swap3A_244 {strides = array<i32>} : memref<512xi32, #tpu.memory_space<vmem>>, vector<16xi32>,
      %shift_right_arithmetic3A_245 = arith.constant 16 : i32
      %shift_right_arithmetic3A_246 = vector.broadcast %shift_right_arithmetic3A_245 : i32 to vector<16xi32>
      %shift_right_arithmetic3A_247 = arith.shrsi %get3A_210, %shift_right_arithmetic3A_246 : vector<16xi32>
      %mul3A_248 = arith.constant 65536 : i32
      %mul3A_249 = vector.broadcast %mul3A_248 : i32 to vector<16xi32>
      %mul3A_250 = arith.muli %shift_right_arithmetic3A_247, %mul3A_249 : vector<16xi32>
      %and3A_251 = arith.constant 16383 : i32
      %and3A_252 = vector.broadcast %and3A_251 : i32 to vector<16xi32>
      %and3A_253 = arith.andi %get3A_210, %and3A_252 : vector<16xi32>
      %mul3A_254 = arith.constant 4 : i32
      %mul3A_255 = vector.broadcast %mul3A_254 : i32 to vector<16xi32>
      %mul3A_256 = arith.muli %and3A_253, %mul3A_255 : vector<16xi32>
      %add3A_257 = arith.addi %mul3A_250, %mul3A_256 : vector<16xi32>
      %shift_right_arithmetic3A_258 = arith.constant 14 : i32
      %shift_right_arithmetic3A_259 = vector.broadcast %shift_right_arithmetic3A_258 : i32 to vector<16xi32>
      %shift_right_arithmetic3A_260 = arith.shrsi %get3A_210, %shift_right_arithmetic3A_259 : vector<16xi32>
      %and3A_261 = arith.constant 3 : i32
      %and3A_262 = vector.broadcast %and3A_261 : i32 to vector<16xi32>
      %and3A_263 = arith.andi %shift_right_arithmetic3A_260, %and3A_262 : vector<16xi32>
      %add3A_264 = arith.addi %add3A_257, %and3A_263 : vector<16xi32>
      %swap3A_265 = arith.index_cast %mul3A_207 : i32 to index
      %swap3A_266 = tpu.vector_load %arg16[%swap3A_265] {strides = array<i32>} : memref<512xi32, #tpu.memory_space<vmem>>, vector<16xi32>,
      %swap3A_267 = vector.shape_cast %swap3A_266 : vector<16xi32> to vector<16xi32>
      %swap3A_268 = vector.shape_cast %add3A_264 : vector<16xi32> to vector<16xi32>
      tpu.vector_store %arg16[%swap3A_265], %swap3A_268 {strides = array<i32>} : memref<512xi32, #tpu.memory_space<vmem>>, vector<16xi32>,
      %get3A_269 = arith.index_cast %mul3A_207 : i32 to index
      %get3A_270 = tpu.vector_load %arg19[%get3A_269] {strides = array<i32>} : memref<512xi32, #tpu.memory_space<vmem>>, vector<16xi32>,
      %get3A_271 = vector.shape_cast %get3A_270 : vector<16xi32> to vector<16xi32>
      %shift_right_arithmetic3A_272 = arith.constant 16 : i32
      %shift_right_arithmetic3A_273 = vector.broadcast %shift_right_arithmetic3A_272 : i32 to vector<16xi32>
      %shift_right_arithmetic3A_274 = arith.shrsi %get3A_271, %shift_right_arithmetic3A_273 : vector<16xi32>
      %mul3A_275 = arith.constant 65536 : i32
      %mul3A_276 = vector.broadcast %mul3A_275 : i32 to vector<16xi32>
      %mul3A_277 = arith.muli %shift_right_arithmetic3A_274, %mul3A_276 : vector<16xi32>
      %and3A_278 = arith.constant 16383 : i32
      %and3A_279 = vector.broadcast %and3A_278 : i32 to vector<16xi32>
      %and3A_280 = arith.andi %get3A_271, %and3A_279 : vector<16xi32>
      %mul3A_281 = arith.constant 4 : i32
      %mul3A_282 = vector.broadcast %mul3A_281 : i32 to vector<16xi32>
      %mul3A_283 = arith.muli %and3A_280, %mul3A_282 : vector<16xi32>
      %add3A_284 = arith.addi %mul3A_277, %mul3A_283 : vector<16xi32>
      %shift_right_arithmetic3A_285 = arith.constant 14 : i32
      %shift_right_arithmetic3A_286 = vector.broadcast %shift_right_arithmetic3A_285 : i32 to vector<16xi32>
      %shift_right_arithmetic3A_287 = arith.shrsi %get3A_271, %shift_right_arithmetic3A_286 : vector<16xi32>
      %and3A_288 = arith.constant 3 : i32
      %and3A_289 = vector.broadcast %and3A_288 : i32 to vector<16xi32>
      %and3A_290 = arith.andi %shift_right_arithmetic3A_287, %and3A_289 : vector<16xi32>
      %add3A_291 = arith.addi %add3A_284, %and3A_290 : vector<16xi32>
      %swap3A_292 = arith.index_cast %mul3A_207 : i32 to index
      %swap3A_293 = tpu.vector_load %arg19[%swap3A_292] {strides = array<i32>} : memref<512xi32, #tpu.memory_space<vmem>>, vector<16xi32>,
      %swap3A_294 = vector.shape_cast %swap3A_293 : vector<16xi32> to vector<16xi32>
      %swap3A_295 = vector.shape_cast %add3A_291 : vector<16xi32> to vector<16xi32>
      tpu.vector_store %arg19[%swap3A_292], %swap3A_295 {strides = array<i32>} : memref<512xi32, #tpu.memory_space<vmem>>, vector<16xi32>,
      %get3A_296 = arith.index_cast %mul3A_207 : i32 to index
      %get3A_297 = tpu.vector_load %arg20[%get3A_296] {strides = array<i32>} : memref<512xi32, #tpu.memory_space<vmem>>, vector<16xi32>,
      %get3A_298 = vector.shape_cast %get3A_297 : vector<16xi32> to vector<16xi32>
      %max3A_299 = arith.constant 0 : i32
      %max3A_300 = vector.broadcast %max3A_299 : i32 to vector<16xi32>
      %max3A_301 = arith.maxsi %get3A_298, %max3A_300 : vector<16xi32>
      %min3A_302 = arith.constant 100 : i32
      %min3A_303 = vector.broadcast %min3A_302 : i32 to vector<16xi32>
      %min3A_304 = arith.minsi %max3A_301, %min3A_303 : vector<16xi32>
      %and3A_305 = arith.constant 31 : i32
      %and3A_306 = vector.broadcast %and3A_305 : i32 to vector<16xi32>
      %and3A_307 = arith.andi %min3A_304, %and3A_306 : vector<16xi32>
      %mul3A_308 = arith.constant 4 : i32
      %mul3A_309 = vector.broadcast %mul3A_308 : i32 to vector<16xi32>
      %mul3A_310 = arith.muli %and3A_307, %mul3A_309 : vector<16xi32>
      %shift_right_arithmetic3A_311 = arith.constant 5 : i32
      %shift_right_arithmetic3A_312 = vector.broadcast %shift_right_arithmetic3A_311 : i32 to vector<16xi32>
      %shift_right_arithmetic3A_313 = arith.shrsi %min3A_304, %shift_right_arithmetic3A_312 : vector<16xi32>
      %add3A_314 = arith.addi %mul3A_310, %shift_right_arithmetic3A_313 : vector<16xi32>
      %swap3A_315 = arith.index_cast %mul3A_207 : i32 to index
      %swap3A_316 = tpu.vector_load %arg20[%swap3A_315] {strides = array<i32>} : memref<512xi32, #tpu.memory_space<vmem>>, vector<16xi32>,
      %swap3A_317 = vector.shape_cast %swap3A_316 : vector<16xi32> to vector<16xi32>
      %swap3A_318 = vector.shape_cast %add3A_314 : vector<16xi32> to vector<16xi32>
      tpu.vector_store %arg20[%swap3A_315], %swap3A_318 {strides = array<i32>} : memref<512xi32, #tpu.memory_space<vmem>>, vector<16xi32>,
      %scan3A_319 = arith.constant 2 : i32
      %scan3A_320 = arith.addi %scan3A_96, %scan3A_319 : i32
      %mul3A_321 = arith.constant 16 : i32
      %mul3A_322 = arith.muli %scan3A_320, %mul3A_321 : i32
      %get3A_323 = arith.index_cast %mul3A_322 : i32 to index
      %get3A_324 = tpu.vector_load %arg16[%get3A_323] {strides = array<i32>} : memref<512xi32, #tpu.memory_space<vmem>>, vector<16xi32>,
      %get3A_325 = vector.shape_cast %get3A_324 : vector<16xi32> to vector<16xi32>
      %shift_right_arithmetic3A_326 = arith.constant 15 : i32
      %shift_right_arithmetic3A_327 = vector.broadcast %shift_right_arithmetic3A_326 : i32 to vector<16xi32>
      %shift_right_arithmetic3A_328 = arith.shrsi %get3A_325, %shift_right_arithmetic3A_327 : vector<16xi32>
      %mul3A_329 = arith.constant 65536 : i32
      %mul3A_330 = vector.broadcast %mul3A_329 : i32 to vector<16xi32>
      %mul3A_331 = arith.muli %shift_right_arithmetic3A_328, %mul3A_330 : vector<16xi32>
      %and3A_332 = arith.constant 16383 : i32
      %and3A_333 = vector.broadcast %and3A_332 : i32 to vector<16xi32>
      %and3A_334 = arith.andi %get3A_325, %and3A_333 : vector<16xi32>
      %mul3A_335 = arith.constant 4 : i32
      %mul3A_336 = vector.broadcast %mul3A_335 : i32 to vector<16xi32>
      %mul3A_337 = arith.muli %and3A_334, %mul3A_336 : vector<16xi32>
      %add3A_338 = arith.addi %mul3A_331, %mul3A_337 : vector<16xi32>
      %shift_right_arithmetic3A_339 = arith.constant 14 : i32
      %shift_right_arithmetic3A_340 = vector.broadcast %shift_right_arithmetic3A_339 : i32 to vector<16xi32>
      %shift_right_arithmetic3A_341 = arith.shrsi %get3A_325, %shift_right_arithmetic3A_340 : vector<16xi32>
      %and3A_342 = arith.constant 1 : i32
      %and3A_343 = vector.broadcast %and3A_342 : i32 to vector<16xi32>
      %and3A_344 = arith.andi %shift_right_arithmetic3A_341, %and3A_343 : vector<16xi32>
      %mul3A_345 = arith.constant 2 : i32
      %mul3A_346 = vector.broadcast %mul3A_345 : i32 to vector<16xi32>
      %mul3A_347 = arith.muli %and3A_344, %mul3A_346 : vector<16xi32>
      %add3A_348 = arith.addi %add3A_338, %mul3A_347 : vector<16xi32>
      %swap3A_349 = arith.index_cast %mul3A_322 : i32 to index
      %swap3A_350 = tpu.vector_load %arg17[%swap3A_349] {strides = array<i32>} : memref<512xi32, #tpu.memory_space<vmem>>, vector<16xi32>,
      %swap3A_351 = vector.shape_cast %swap3A_350 : vector<16xi32> to vector<16xi32>
      %swap3A_352 = vector.shape_cast %add3A_348 : vector<16xi32> to vector<16xi32>
      tpu.vector_store %arg17[%swap3A_349], %swap3A_352 {strides = array<i32>} : memref<512xi32, #tpu.memory_space<vmem>>, vector<16xi32>,
      %add3A_353 = arith.constant 1 : i32
      %add3A_354 = vector.broadcast %add3A_353 : i32 to vector<16xi32>
      %add3A_355 = arith.addi %add3A_348, %add3A_354 : vector<16xi32>
      %swap3A_356 = arith.index_cast %mul3A_322 : i32 to index
      %swap3A_357 = tpu.vector_load %arg18[%swap3A_356] {strides = array<i32>} : memref<512xi32, #tpu.memory_space<vmem>>, vector<16xi32>,
      %swap3A_358 = vector.shape_cast %swap3A_357 : vector<16xi32> to vector<16xi32>
      %swap3A_359 = vector.shape_cast %add3A_355 : vector<16xi32> to vector<16xi32>
      tpu.vector_store %arg18[%swap3A_356], %swap3A_359 {strides = array<i32>} : memref<512xi32, #tpu.memory_space<vmem>>, vector<16xi32>,
      %shift_right_arithmetic3A_360 = arith.constant 16 : i32
      %shift_right_arithmetic3A_361 = vector.broadcast %shift_right_arithmetic3A_360 : i32 to vector<16xi32>
      %shift_right_arithmetic3A_362 = arith.shrsi %get3A_325, %shift_right_arithmetic3A_361 : vector<16xi32>
      %mul3A_363 = arith.constant 65536 : i32
      %mul3A_364 = vector.broadcast %mul3A_363 : i32 to vector<16xi32>
      %mul3A_365 = arith.muli %shift_right_arithmetic3A_362, %mul3A_364 : vector<16xi32>
      %and3A_366 = arith.constant 16383 : i32
      %and3A_367 = vector.broadcast %and3A_366 : i32 to vector<16xi32>
      %and3A_368 = arith.andi %get3A_325, %and3A_367 : vector<16xi32>
      %mul3A_369 = arith.constant 4 : i32
      %mul3A_370 = vector.broadcast %mul3A_369 : i32 to vector<16xi32>
      %mul3A_371 = arith.muli %and3A_368, %mul3A_370 : vector<16xi32>
      %add3A_372 = arith.addi %mul3A_365, %mul3A_371 : vector<16xi32>
      %shift_right_arithmetic3A_373 = arith.constant 14 : i32
      %shift_right_arithmetic3A_374 = vector.broadcast %shift_right_arithmetic3A_373 : i32 to vector<16xi32>
      %shift_right_arithmetic3A_375 = arith.shrsi %get3A_325, %shift_right_arithmetic3A_374 : vector<16xi32>
      %and3A_376 = arith.constant 3 : i32
      %and3A_377 = vector.broadcast %and3A_376 : i32 to vector<16xi32>
      %and3A_378 = arith.andi %shift_right_arithmetic3A_375, %and3A_377 : vector<16xi32>
      %add3A_379 = arith.addi %add3A_372, %and3A_378 : vector<16xi32>
      %swap3A_380 = arith.index_cast %mul3A_322 : i32 to index
      %swap3A_381 = tpu.vector_load %arg16[%swap3A_380] {strides = array<i32>} : memref<512xi32, #tpu.memory_space<vmem>>, vector<16xi32>,
      %swap3A_382 = vector.shape_cast %swap3A_381 : vector<16xi32> to vector<16xi32>
      %swap3A_383 = vector.shape_cast %add3A_379 : vector<16xi32> to vector<16xi32>
      tpu.vector_store %arg16[%swap3A_380], %swap3A_383 {strides = array<i32>} : memref<512xi32, #tpu.memory_space<vmem>>, vector<16xi32>,
      %get3A_384 = arith.index_cast %mul3A_322 : i32 to index
      %get3A_385 = tpu.vector_load %arg19[%get3A_384] {strides = array<i32>} : memref<512xi32, #tpu.memory_space<vmem>>, vector<16xi32>,
      %get3A_386 = vector.shape_cast %get3A_385 : vector<16xi32> to vector<16xi32>
      %shift_right_arithmetic3A_387 = arith.constant 16 : i32
      %shift_right_arithmetic3A_388 = vector.broadcast %shift_right_arithmetic3A_387 : i32 to vector<16xi32>
      %shift_right_arithmetic3A_389 = arith.shrsi %get3A_386, %shift_right_arithmetic3A_388 : vector<16xi32>
      %mul3A_390 = arith.constant 65536 : i32
      %mul3A_391 = vector.broadcast %mul3A_390 : i32 to vector<16xi32>
      %mul3A_392 = arith.muli %shift_right_arithmetic3A_389, %mul3A_391 : vector<16xi32>
      %and3A_393 = arith.constant 16383 : i32
      %and3A_394 = vector.broadcast %and3A_393 : i32 to vector<16xi32>
      %and3A_395 = arith.andi %get3A_386, %and3A_394 : vector<16xi32>
      %mul3A_396 = arith.constant 4 : i32
      %mul3A_397 = vector.broadcast %mul3A_396 : i32 to vector<16xi32>
      %mul3A_398 = arith.muli %and3A_395, %mul3A_397 : vector<16xi32>
      %add3A_399 = arith.addi %mul3A_392, %mul3A_398 : vector<16xi32>
      %shift_right_arithmetic3A_400 = arith.constant 14 : i32
      %shift_right_arithmetic3A_401 = vector.broadcast %shift_right_arithmetic3A_400 : i32 to vector<16xi32>
      %shift_right_arithmetic3A_402 = arith.shrsi %get3A_386, %shift_right_arithmetic3A_401 : vector<16xi32>
      %and3A_403 = arith.constant 3 : i32
      %and3A_404 = vector.broadcast %and3A_403 : i32 to vector<16xi32>
      %and3A_405 = arith.andi %shift_right_arithmetic3A_402, %and3A_404 : vector<16xi32>
      %add3A_406 = arith.addi %add3A_399, %and3A_405 : vector<16xi32>
      %swap3A_407 = arith.index_cast %mul3A_322 : i32 to index
      %swap3A_408 = tpu.vector_load %arg19[%swap3A_407] {strides = array<i32>} : memref<512xi32, #tpu.memory_space<vmem>>, vector<16xi32>,
      %swap3A_409 = vector.shape_cast %swap3A_408 : vector<16xi32> to vector<16xi32>
      %swap3A_410 = vector.shape_cast %add3A_406 : vector<16xi32> to vector<16xi32>
      tpu.vector_store %arg19[%swap3A_407], %swap3A_410 {strides = array<i32>} : memref<512xi32, #tpu.memory_space<vmem>>, vector<16xi32>,
      %get3A_411 = arith.index_cast %mul3A_322 : i32 to index
      %get3A_412 = tpu.vector_load %arg20[%get3A_411] {strides = array<i32>} : memref<512xi32, #tpu.memory_space<vmem>>, vector<16xi32>,
      %get3A_413 = vector.shape_cast %get3A_412 : vector<16xi32> to vector<16xi32>
      %max3A_414 = arith.constant 0 : i32
      %max3A_415 = vector.broadcast %max3A_414 : i32 to vector<16xi32>
      %max3A_416 = arith.maxsi %get3A_413, %max3A_415 : vector<16xi32>
      %min3A_417 = arith.constant 100 : i32
      %min3A_418 = vector.broadcast %min3A_417 : i32 to vector<16xi32>
      %min3A_419 = arith.minsi %max3A_416, %min3A_418 : vector<16xi32>
      %and3A_420 = arith.constant 31 : i32
      %and3A_421 = vector.broadcast %and3A_420 : i32 to vector<16xi32>
      %and3A_422 = arith.andi %min3A_419, %and3A_421 : vector<16xi32>
      %mul3A_423 = arith.constant 4 : i32
      %mul3A_424 = vector.broadcast %mul3A_423 : i32 to vector<16xi32>
      %mul3A_425 = arith.muli %and3A_422, %mul3A_424 : vector<16xi32>
      %shift_right_arithmetic3A_426 = arith.constant 5 : i32
      %shift_right_arithmetic3A_427 = vector.broadcast %shift_right_arithmetic3A_426 : i32 to vector<16xi32>
      %shift_right_arithmetic3A_428 = arith.shrsi %min3A_419, %shift_right_arithmetic3A_427 : vector<16xi32>
      %add3A_429 = arith.addi %mul3A_425, %shift_right_arithmetic3A_428 : vector<16xi32>
      %swap3A_430 = arith.index_cast %mul3A_322 : i32 to index
      %swap3A_431 = tpu.vector_load %arg20[%swap3A_430] {strides = array<i32>} : memref<512xi32, #tpu.memory_space<vmem>>, vector<16xi32>,
      %swap3A_432 = vector.shape_cast %swap3A_431 : vector<16xi32> to vector<16xi32>
      %swap3A_433 = vector.shape_cast %add3A_429 : vector<16xi32> to vector<16xi32>
      tpu.vector_store %arg20[%swap3A_430], %swap3A_433 {strides = array<i32>} : memref<512xi32, #tpu.memory_space<vmem>>, vector<16xi32>,
      %scan3A_434 = arith.constant 3 : i32
      %scan3A_435 = arith.addi %scan3A_96, %scan3A_434 : i32
      %mul3A_436 = arith.constant 16 : i32
      %mul3A_437 = arith.muli %scan3A_435, %mul3A_436 : i32
      %get3A_438 = arith.index_cast %mul3A_437 : i32 to index
      %get3A_439 = tpu.vector_load %arg16[%get3A_438] {strides = array<i32>} : memref<512xi32, #tpu.memory_space<vmem>>, vector<16xi32>,
      %get3A_440 = vector.shape_cast %get3A_439 : vector<16xi32> to vector<16xi32>
      %shift_right_arithmetic3A_441 = arith.constant 15 : i32
      %shift_right_arithmetic3A_442 = vector.broadcast %shift_right_arithmetic3A_441 : i32 to vector<16xi32>
      %shift_right_arithmetic3A_443 = arith.shrsi %get3A_440, %shift_right_arithmetic3A_442 : vector<16xi32>
      %mul3A_444 = arith.constant 65536 : i32
      %mul3A_445 = vector.broadcast %mul3A_444 : i32 to vector<16xi32>
      %mul3A_446 = arith.muli %shift_right_arithmetic3A_443, %mul3A_445 : vector<16xi32>
      %and3A_447 = arith.constant 16383 : i32
      %and3A_448 = vector.broadcast %and3A_447 : i32 to vector<16xi32>
      %and3A_449 = arith.andi %get3A_440, %and3A_448 : vector<16xi32>
      %mul3A_450 = arith.constant 4 : i32
      %mul3A_451 = vector.broadcast %mul3A_450 : i32 to vector<16xi32>
      %mul3A_452 = arith.muli %and3A_449, %mul3A_451 : vector<16xi32>
      %add3A_453 = arith.addi %mul3A_446, %mul3A_452 : vector<16xi32>
      %shift_right_arithmetic3A_454 = arith.constant 14 : i32
      %shift_right_arithmetic3A_455 = vector.broadcast %shift_right_arithmetic3A_454 : i32 to vector<16xi32>
      %shift_right_arithmetic3A_456 = arith.shrsi %get3A_440, %shift_right_arithmetic3A_455 : vector<16xi32>
      %and3A_457 = arith.constant 1 : i32
      %and3A_458 = vector.broadcast %and3A_457 : i32 to vector<16xi32>
      %and3A_459 = arith.andi %shift_right_arithmetic3A_456, %and3A_458 : vector<16xi32>
      %mul3A_460 = arith.constant 2 : i32
      %mul3A_461 = vector.broadcast %mul3A_460 : i32 to vector<16xi32>
      %mul3A_462 = arith.muli %and3A_459, %mul3A_461 : vector<16xi32>
      %add3A_463 = arith.addi %add3A_453, %mul3A_462 : vector<16xi32>
      %swap3A_464 = arith.index_cast %mul3A_437 : i32 to index
      %swap3A_465 = tpu.vector_load %arg17[%swap3A_464] {strides = array<i32>} : memref<512xi32, #tpu.memory_space<vmem>>, vector<16xi32>,
      %swap3A_466 = vector.shape_cast %swap3A_465 : vector<16xi32> to vector<16xi32>
      %swap3A_467 = vector.shape_cast %add3A_463 : vector<16xi32> to vector<16xi32>
      tpu.vector_store %arg17[%swap3A_464], %swap3A_467 {strides = array<i32>} : memref<512xi32, #tpu.memory_space<vmem>>, vector<16xi32>,
      %add3A_468 = arith.constant 1 : i32
      %add3A_469 = vector.broadcast %add3A_468 : i32 to vector<16xi32>
      %add3A_470 = arith.addi %add3A_463, %add3A_469 : vector<16xi32>
      %swap3A_471 = arith.index_cast %mul3A_437 : i32 to index
      %swap3A_472 = tpu.vector_load %arg18[%swap3A_471] {strides = array<i32>} : memref<512xi32, #tpu.memory_space<vmem>>, vector<16xi32>,
      %swap3A_473 = vector.shape_cast %swap3A_472 : vector<16xi32> to vector<16xi32>
      %swap3A_474 = vector.shape_cast %add3A_470 : vector<16xi32> to vector<16xi32>
      tpu.vector_store %arg18[%swap3A_471], %swap3A_474 {strides = array<i32>} : memref<512xi32, #tpu.memory_space<vmem>>, vector<16xi32>,
      %shift_right_arithmetic3A_475 = arith.constant 16 : i32
      %shift_right_arithmetic3A_476 = vector.broadcast %shift_right_arithmetic3A_475 : i32 to vector<16xi32>
      %shift_right_arithmetic3A_477 = arith.shrsi %get3A_440, %shift_right_arithmetic3A_476 : vector<16xi32>
      %mul3A_478 = arith.constant 65536 : i32
      %mul3A_479 = vector.broadcast %mul3A_478 : i32 to vector<16xi32>
      %mul3A_480 = arith.muli %shift_right_arithmetic3A_477, %mul3A_479 : vector<16xi32>
      %and3A_481 = arith.constant 16383 : i32
      %and3A_482 = vector.broadcast %and3A_481 : i32 to vector<16xi32>
      %and3A_483 = arith.andi %get3A_440, %and3A_482 : vector<16xi32>
      %mul3A_484 = arith.constant 4 : i32
      %mul3A_485 = vector.broadcast %mul3A_484 : i32 to vector<16xi32>
      %mul3A_486 = arith.muli %and3A_483, %mul3A_485 : vector<16xi32>
      %add3A_487 = arith.addi %mul3A_480, %mul3A_486 : vector<16xi32>
      %shift_right_arithmetic3A_488 = arith.constant 14 : i32
      %shift_right_arithmetic3A_489 = vector.broadcast %shift_right_arithmetic3A_488 : i32 to vector<16xi32>
      %shift_right_arithmetic3A_490 = arith.shrsi %get3A_440, %shift_right_arithmetic3A_489 : vector<16xi32>
      %and3A_491 = arith.constant 3 : i32
      %and3A_492 = vector.broadcast %and3A_491 : i32 to vector<16xi32>
      %and3A_493 = arith.andi %shift_right_arithmetic3A_490, %and3A_492 : vector<16xi32>
      %add3A_494 = arith.addi %add3A_487, %and3A_493 : vector<16xi32>
      %swap3A_495 = arith.index_cast %mul3A_437 : i32 to index
      %swap3A_496 = tpu.vector_load %arg16[%swap3A_495] {strides = array<i32>} : memref<512xi32, #tpu.memory_space<vmem>>, vector<16xi32>,
      %swap3A_497 = vector.shape_cast %swap3A_496 : vector<16xi32> to vector<16xi32>
      %swap3A_498 = vector.shape_cast %add3A_494 : vector<16xi32> to vector<16xi32>
      tpu.vector_store %arg16[%swap3A_495], %swap3A_498 {strides = array<i32>} : memref<512xi32, #tpu.memory_space<vmem>>, vector<16xi32>,
      %get3A_499 = arith.index_cast %mul3A_437 : i32 to index
      %get3A_500 = tpu.vector_load %arg19[%get3A_499] {strides = array<i32>} : memref<512xi32, #tpu.memory_space<vmem>>, vector<16xi32>,
      %get3A_501 = vector.shape_cast %get3A_500 : vector<16xi32> to vector<16xi32>
      %shift_right_arithmetic3A_502 = arith.constant 16 : i32
      %shift_right_arithmetic3A_503 = vector.broadcast %shift_right_arithmetic3A_502 : i32 to vector<16xi32>
      %shift_right_arithmetic3A_504 = arith.shrsi %get3A_501, %shift_right_arithmetic3A_503 : vector<16xi32>
      %mul3A_505 = arith.constant 65536 : i32
      %mul3A_506 = vector.broadcast %mul3A_505 : i32 to vector<16xi32>
      %mul3A_507 = arith.muli %shift_right_arithmetic3A_504, %mul3A_506 : vector<16xi32>
      %and3A_508 = arith.constant 16383 : i32
      %and3A_509 = vector.broadcast %and3A_508 : i32 to vector<16xi32>
      %and3A_510 = arith.andi %get3A_501, %and3A_509 : vector<16xi32>
      %mul3A_511 = arith.constant 4 : i32
      %mul3A_512 = vector.broadcast %mul3A_511 : i32 to vector<16xi32>
      %mul3A_513 = arith.muli %and3A_510, %mul3A_512 : vector<16xi32>
      %add3A_514 = arith.addi %mul3A_507, %mul3A_513 : vector<16xi32>
      %shift_right_arithmetic3A_515 = arith.constant 14 : i32
      %shift_right_arithmetic3A_516 = vector.broadcast %shift_right_arithmetic3A_515 : i32 to vector<16xi32>
      %shift_right_arithmetic3A_517 = arith.shrsi %get3A_501, %shift_right_arithmetic3A_516 : vector<16xi32>
      %and3A_518 = arith.constant 3 : i32
      %and3A_519 = vector.broadcast %and3A_518 : i32 to vector<16xi32>
      %and3A_520 = arith.andi %shift_right_arithmetic3A_517, %and3A_519 : vector<16xi32>
      %add3A_521 = arith.addi %add3A_514, %and3A_520 : vector<16xi32>
      %swap3A_522 = arith.index_cast %mul3A_437 : i32 to index
      %swap3A_523 = tpu.vector_load %arg19[%swap3A_522] {strides = array<i32>} : memref<512xi32, #tpu.memory_space<vmem>>, vector<16xi32>,
      %swap3A_524 = vector.shape_cast %swap3A_523 : vector<16xi32> to vector<16xi32>
      %swap3A_525 = vector.shape_cast %add3A_521 : vector<16xi32> to vector<16xi32>
      tpu.vector_store %arg19[%swap3A_522], %swap3A_525 {strides = array<i32>} : memref<512xi32, #tpu.memory_space<vmem>>, vector<16xi32>,
      %get3A_526 = arith.index_cast %mul3A_437 : i32 to index
      %get3A_527 = tpu.vector_load %arg20[%get3A_526] {strides = array<i32>} : memref<512xi32, #tpu.memory_space<vmem>>, vector<16xi32>,
      %get3A_528 = vector.shape_cast %get3A_527 : vector<16xi32> to vector<16xi32>
      %max3A_529 = arith.constant 0 : i32
      %max3A_530 = vector.broadcast %max3A_529 : i32 to vector<16xi32>
      %max3A_531 = arith.maxsi %get3A_528, %max3A_530 : vector<16xi32>
      %min3A_532 = arith.constant 100 : i32
      %min3A_533 = vector.broadcast %min3A_532 : i32 to vector<16xi32>
      %min3A_534 = arith.minsi %max3A_531, %min3A_533 : vector<16xi32>
      %and3A_535 = arith.constant 31 : i32
      %and3A_536 = vector.broadcast %and3A_535 : i32 to vector<16xi32>
      %and3A_537 = arith.andi %min3A_534, %and3A_536 : vector<16xi32>
      %mul3A_538 = arith.constant 4 : i32
      %mul3A_539 = vector.broadcast %mul3A_538 : i32 to vector<16xi32>
      %mul3A_540 = arith.muli %and3A_537, %mul3A_539 : vector<16xi32>
      %shift_right_arithmetic3A_541 = arith.constant 5 : i32
      %shift_right_arithmetic3A_542 = vector.broadcast %shift_right_arithmetic3A_541 : i32 to vector<16xi32>
      %shift_right_arithmetic3A_543 = arith.shrsi %min3A_534, %shift_right_arithmetic3A_542 : vector<16xi32>
      %add3A_544 = arith.addi %mul3A_540, %shift_right_arithmetic3A_543 : vector<16xi32>
      %swap3A_545 = arith.index_cast %mul3A_437 : i32 to index
      %swap3A_546 = tpu.vector_load %arg20[%swap3A_545] {strides = array<i32>} : memref<512xi32, #tpu.memory_space<vmem>>, vector<16xi32>,
      %swap3A_547 = vector.shape_cast %swap3A_546 : vector<16xi32> to vector<16xi32>
      %swap3A_548 = vector.shape_cast %add3A_544 : vector<16xi32> to vector<16xi32>
      tpu.vector_store %arg20[%swap3A_545], %swap3A_548 {strides = array<i32>} : memref<512xi32, #tpu.memory_space<vmem>>, vector<16xi32>,
    }
    %scan3A_7 = arith.constant 32 : i32
    %dma_start3A = arith.constant 0 : i32
    %dma_start3A_8 = arith.constant 0 : i32
    %dma_start3A_9 = tpu.memref_slice %arg22[%dma_start3A, %dma_start3A_8] : memref<2560x32xbf16, #tpu.memory_space<vmem>> -> memref<512x32xbf16, #tpu.memory_space<vmem>>
    %dma_start3A_10 = arith.constant 0 : i32
    %dma_start3A_11 = arith.constant 0 : i32
    %dma_start3A_12 = tpu.memref_slice %arg2[%dma_start3A_10, %dma_start3A_11] : memref<131072x32xbf16, #tpu.memory_space<hbm>> -> memref<131072x32xbf16, #tpu.memory_space<hbm>>
    tpu.enqueue_indirect_dma source(%dma_start3A_12 : memref<131072x32xbf16, #tpu.memory_space<hbm>>) target(%dma_start3A_9 : memref<512x32xbf16, #tpu.memory_space<vmem>>) offsets(%arg16 : memref<512xi32, #tpu.memory_space<vmem>>) semaphore(%arg24 : memref<!tpu.dma_semaphore, #tpu.memory_space<semaphore_mem>>)
    %dma_start3A_13 = arith.constant 512 : i32
    %dma_start3A_14 = arith.constant 0 : i32
    %dma_start3A_15 = tpu.memref_slice %arg22[%dma_start3A_13, %dma_start3A_14] : memref<2560x32xbf16, #tpu.memory_space<vmem>> -> memref<512x32xbf16, #tpu.memory_space<vmem>>
    %dma_start3A_16 = arith.constant 0 : i32
    %dma_start3A_17 = arith.constant 0 : i32
    %dma_start3A_18 = tpu.memref_slice %arg3[%dma_start3A_16, %dma_start3A_17] : memref<262144x32xbf16, #tpu.memory_space<hbm>> -> memref<262144x32xbf16, #tpu.memory_space<hbm>>
    tpu.enqueue_indirect_dma source(%dma_start3A_18 : memref<262144x32xbf16, #tpu.memory_space<hbm>>) target(%dma_start3A_15 : memref<512x32xbf16, #tpu.memory_space<vmem>>) offsets(%arg17 : memref<512xi32, #tpu.memory_space<vmem>>) semaphore(%arg24 : memref<!tpu.dma_semaphore, #tpu.memory_space<semaphore_mem>>)
    %dma_start3A_19 = arith.constant 1024 : i32
    %dma_start3A_20 = arith.constant 0 : i32
    %dma_start3A_21 = tpu.memref_slice %arg22[%dma_start3A_19, %dma_start3A_20] : memref<2560x32xbf16, #tpu.memory_space<vmem>> -> memref<512x32xbf16, #tpu.memory_space<vmem>>
    %dma_start3A_22 = arith.constant 0 : i32
    %dma_start3A_23 = arith.constant 0 : i32
    %dma_start3A_24 = tpu.memref_slice %arg3[%dma_start3A_22, %dma_start3A_23] : memref<262144x32xbf16, #tpu.memory_space<hbm>> -> memref<262144x32xbf16, #tpu.memory_space<hbm>>
    tpu.enqueue_indirect_dma source(%dma_start3A_24 : memref<262144x32xbf16, #tpu.memory_space<hbm>>) target(%dma_start3A_21 : memref<512x32xbf16, #tpu.memory_space<vmem>>) offsets(%arg18 : memref<512xi32, #tpu.memory_space<vmem>>) semaphore(%arg24 : memref<!tpu.dma_semaphore, #tpu.memory_space<semaphore_mem>>)
    %dma_start3A_25 = arith.constant 1536 : i32
    %dma_start3A_26 = arith.constant 0 : i32
    %dma_start3A_27 = tpu.memref_slice %arg22[%dma_start3A_25, %dma_start3A_26] : memref<2560x32xbf16, #tpu.memory_space<vmem>> -> memref<512x32xbf16, #tpu.memory_space<vmem>>
    %dma_start3A_28 = arith.constant 0 : i32
    %dma_start3A_29 = arith.constant 0 : i32
    %dma_start3A_30 = tpu.memref_slice %arg4[%dma_start3A_28, %dma_start3A_29] : memref<1048576x32xbf16, #tpu.memory_space<hbm>> -> memref<1048576x32xbf16, #tpu.memory_space<hbm>>
    tpu.enqueue_indirect_dma source(%dma_start3A_30 : memref<1048576x32xbf16, #tpu.memory_space<hbm>>) target(%dma_start3A_27 : memref<512x32xbf16, #tpu.memory_space<vmem>>) offsets(%arg19 : memref<512xi32, #tpu.memory_space<vmem>>) semaphore(%arg24 : memref<!tpu.dma_semaphore, #tpu.memory_space<semaphore_mem>>)
    %dma_start3A_31 = arith.constant 2048 : i32
    %dma_start3A_32 = arith.constant 0 : i32
    %dma_start3A_33 = tpu.memref_slice %arg22[%dma_start3A_31, %dma_start3A_32] : memref<2560x32xbf16, #tpu.memory_space<vmem>> -> memref<512x32xbf16, #tpu.memory_space<vmem>>
    %dma_start3A_34 = arith.constant 0 : i32
    %dma_start3A_35 = arith.constant 0 : i32
    %dma_start3A_36 = tpu.memref_slice %arg5[%dma_start3A_34, %dma_start3A_35] : memref<128x32xbf16, #tpu.memory_space<hbm>> -> memref<128x32xbf16, #tpu.memory_space<hbm>>
    tpu.enqueue_indirect_dma source(%dma_start3A_36 : memref<128x32xbf16, #tpu.memory_space<hbm>>) target(%dma_start3A_33 : memref<512x32xbf16, #tpu.memory_space<vmem>>) offsets(%arg20 : memref<512xi32, #tpu.memory_space<vmem>>) semaphore(%arg24 : memref<!tpu.dma_semaphore, #tpu.memory_space<semaphore_mem>>)
    %dma_wait3A = arith.constant 0 : i32
    %dma_wait3A_37 = arith.constant 0 : i32
    %dma_wait3A_38 = tpu.memref_slice %arg22[%dma_wait3A, %dma_wait3A_37] : memref<2560x32xbf16, #tpu.memory_space<vmem>> -> memref<512x32xbf16, #tpu.memory_space<vmem>>
    %dma_wait3A_39 = arith.constant 0 : i32
    %dma_wait3A_40 = arith.constant 0 : i32
    %dma_wait3A_41 = tpu.memref_slice %arg2[%dma_wait3A_39, %dma_wait3A_40] : memref<131072x32xbf16, #tpu.memory_space<hbm>> -> memref<131072x32xbf16, #tpu.memory_space<hbm>>
    tpu.wait_indirect_dma semaphore(%arg24 : memref<!tpu.dma_semaphore, #tpu.memory_space<semaphore_mem>>) src(%dma_wait3A_41 : memref<131072x32xbf16, #tpu.memory_space<hbm>>) dst(%dma_wait3A_38 : memref<512x32xbf16, #tpu.memory_space<vmem>>)
    %dma_wait3A_42 = arith.constant 512 : i32
    %dma_wait3A_43 = arith.constant 0 : i32
    %dma_wait3A_44 = tpu.memref_slice %arg22[%dma_wait3A_42, %dma_wait3A_43] : memref<2560x32xbf16, #tpu.memory_space<vmem>> -> memref<512x32xbf16, #tpu.memory_space<vmem>>
    %dma_wait3A_45 = arith.constant 0 : i32
    %dma_wait3A_46 = arith.constant 0 : i32
    %dma_wait3A_47 = tpu.memref_slice %arg3[%dma_wait3A_45, %dma_wait3A_46] : memref<262144x32xbf16, #tpu.memory_space<hbm>> -> memref<262144x32xbf16, #tpu.memory_space<hbm>>
    tpu.wait_indirect_dma semaphore(%arg24 : memref<!tpu.dma_semaphore, #tpu.memory_space<semaphore_mem>>) src(%dma_wait3A_47 : memref<262144x32xbf16, #tpu.memory_space<hbm>>) dst(%dma_wait3A_44 : memref<512x32xbf16, #tpu.memory_space<vmem>>)
    %dma_wait3A_48 = arith.constant 1024 : i32
    %dma_wait3A_49 = arith.constant 0 : i32
    %dma_wait3A_50 = tpu.memref_slice %arg22[%dma_wait3A_48, %dma_wait3A_49] : memref<2560x32xbf16, #tpu.memory_space<vmem>> -> memref<512x32xbf16, #tpu.memory_space<vmem>>
    %dma_wait3A_51 = arith.constant 0 : i32
    %dma_wait3A_52 = arith.constant 0 : i32
    %dma_wait3A_53 = tpu.memref_slice %arg3[%dma_wait3A_51, %dma_wait3A_52] : memref<262144x32xbf16, #tpu.memory_space<hbm>> -> memref<262144x32xbf16, #tpu.memory_space<hbm>>
    tpu.wait_indirect_dma semaphore(%arg24 : memref<!tpu.dma_semaphore, #tpu.memory_space<semaphore_mem>>) src(%dma_wait3A_53 : memref<262144x32xbf16, #tpu.memory_space<hbm>>) dst(%dma_wait3A_50 : memref<512x32xbf16, #tpu.memory_space<vmem>>)
    %dma_wait3A_54 = arith.constant 1536 : i32
    %dma_wait3A_55 = arith.constant 0 : i32
    %dma_wait3A_56 = tpu.memref_slice %arg22[%dma_wait3A_54, %dma_wait3A_55] : memref<2560x32xbf16, #tpu.memory_space<vmem>> -> memref<512x32xbf16, #tpu.memory_space<vmem>>
    %dma_wait3A_57 = arith.constant 0 : i32
    %dma_wait3A_58 = arith.constant 0 : i32
    %dma_wait3A_59 = tpu.memref_slice %arg4[%dma_wait3A_57, %dma_wait3A_58] : memref<1048576x32xbf16, #tpu.memory_space<hbm>> -> memref<1048576x32xbf16, #tpu.memory_space<hbm>>
    tpu.wait_indirect_dma semaphore(%arg24 : memref<!tpu.dma_semaphore, #tpu.memory_space<semaphore_mem>>) src(%dma_wait3A_59 : memref<1048576x32xbf16, #tpu.memory_space<hbm>>) dst(%dma_wait3A_56 : memref<512x32xbf16, #tpu.memory_space<vmem>>)
    %dma_wait3A_60 = arith.constant 2048 : i32
    %dma_wait3A_61 = arith.constant 0 : i32
    %dma_wait3A_62 = tpu.memref_slice %arg22[%dma_wait3A_60, %dma_wait3A_61] : memref<2560x32xbf16, #tpu.memory_space<vmem>> -> memref<512x32xbf16, #tpu.memory_space<vmem>>
    %dma_wait3A_63 = arith.constant 0 : i32
    %dma_wait3A_64 = arith.constant 0 : i32
    %dma_wait3A_65 = tpu.memref_slice %arg5[%dma_wait3A_63, %dma_wait3A_64] : memref<128x32xbf16, #tpu.memory_space<hbm>> -> memref<128x32xbf16, #tpu.memory_space<hbm>>
    tpu.wait_indirect_dma semaphore(%arg24 : memref<!tpu.dma_semaphore, #tpu.memory_space<semaphore_mem>>) src(%dma_wait3A_65 : memref<128x32xbf16, #tpu.memory_space<hbm>>) dst(%dma_wait3A_62 : memref<512x32xbf16, #tpu.memory_space<vmem>>)
    "tpu.region"() ({
      %run_scoped3A = tpu.sem_alloc : memref<!tpu.dma_semaphore, #tpu.memory_space<semaphore_mem>>
      %dma_start3A_96 = arith.constant 0 : i32
      %dma_start3A_97 = arith.constant 0 : i32
      %dma_start3A_98 = tpu.memref_slice %arg22[%dma_start3A_96, %dma_start3A_97] : memref<2560x32xbf16, #tpu.memory_space<vmem>> -> memref<512x32xbf16, #tpu.memory_space<vmem>>
      %dma_start3A_99 = arith.constant 0 : i32
      %dma_start3A_100 = tpu.memref_slice %arg10[%mul3A_2, %dma_start3A_99] : memref<16384x32xbf16, #tpu.memory_space<hbm>> -> memref<512x32xbf16, #tpu.memory_space<hbm>>
      %dma_start3A_101 = arith.constant 0 : i32
      %dma_start3A_102 = tpu.memref_slice %arg10[%mul3A_2, %dma_start3A_101] : memref<16384x32xbf16, #tpu.memory_space<hbm>> -> memref<512x32xbf16, #tpu.memory_space<hbm>>
      %dma_start3A_103 = arith.constant 0 : i32
      %dma_start3A_104 = arith.constant 0 : i32
      %dma_start3A_105 = tpu.memref_slice %arg22[%dma_start3A_103, %dma_start3A_104] : memref<2560x32xbf16, #tpu.memory_space<vmem>> -> memref<512x32xbf16, #tpu.memory_space<vmem>>
      tpu.enqueue_dma source(%dma_start3A_105 : memref<512x32xbf16, #tpu.memory_space<vmem>>) target(%dma_start3A_102 : memref<512x32xbf16, #tpu.memory_space<hbm>>) target_semaphore(%run_scoped3A : memref<!tpu.dma_semaphore, #tpu.memory_space<semaphore_mem>>)
      %dma_wait3A_106 = arith.constant 0 : i32
      %dma_wait3A_107 = arith.constant 0 : i32
      %dma_wait3A_108 = tpu.memref_slice %arg22[%dma_wait3A_106, %dma_wait3A_107] : memref<2560x32xbf16, #tpu.memory_space<vmem>> -> memref<512x32xbf16, #tpu.memory_space<vmem>>
      %dma_wait3A_109 = arith.constant 0 : i32
      %dma_wait3A_110 = tpu.memref_slice %arg10[%mul3A_2, %dma_wait3A_109] : memref<16384x32xbf16, #tpu.memory_space<hbm>> -> memref<512x32xbf16, #tpu.memory_space<hbm>>
      %dma_wait3A_111 = arith.constant 0 : i32
      %dma_wait3A_112 = tpu.memref_slice %arg10[%mul3A_2, %dma_wait3A_111] : memref<16384x32xbf16, #tpu.memory_space<hbm>> -> memref<512x32xbf16, #tpu.memory_space<hbm>>
      %dma_wait3A_113 = arith.constant 0 : i32
      %dma_wait3A_114 = arith.constant 0 : i32
      %dma_wait3A_115 = tpu.memref_slice %arg22[%dma_wait3A_113, %dma_wait3A_114] : memref<2560x32xbf16, #tpu.memory_space<vmem>> -> memref<512x32xbf16, #tpu.memory_space<vmem>>
      tpu.wait_dma2 semaphore(%run_scoped3A : memref<!tpu.dma_semaphore, #tpu.memory_space<semaphore_mem>>) src(%dma_wait3A_115 : memref<512x32xbf16, #tpu.memory_space<vmem>>) dst(%dma_wait3A_112 : memref<512x32xbf16, #tpu.memory_space<hbm>>)
      tpu.yield
    }) : () -> ()
    "tpu.region"() ({
      %run_scoped3A = tpu.sem_alloc : memref<!tpu.dma_semaphore, #tpu.memory_space<semaphore_mem>>
      %dma_start3A_96 = arith.constant 512 : i32
      %dma_start3A_97 = arith.constant 0 : i32
      %dma_start3A_98 = tpu.memref_slice %arg22[%dma_start3A_96, %dma_start3A_97] : memref<2560x32xbf16, #tpu.memory_space<vmem>> -> memref<512x32xbf16, #tpu.memory_space<vmem>>
      %dma_start3A_99 = arith.constant 0 : i32
      %dma_start3A_100 = tpu.memref_slice %arg11[%mul3A_2, %dma_start3A_99] : memref<16384x32xbf16, #tpu.memory_space<hbm>> -> memref<512x32xbf16, #tpu.memory_space<hbm>>
      %dma_start3A_101 = arith.constant 0 : i32
      %dma_start3A_102 = tpu.memref_slice %arg11[%mul3A_2, %dma_start3A_101] : memref<16384x32xbf16, #tpu.memory_space<hbm>> -> memref<512x32xbf16, #tpu.memory_space<hbm>>
      %dma_start3A_103 = arith.constant 512 : i32
      %dma_start3A_104 = arith.constant 0 : i32
      %dma_start3A_105 = tpu.memref_slice %arg22[%dma_start3A_103, %dma_start3A_104] : memref<2560x32xbf16, #tpu.memory_space<vmem>> -> memref<512x32xbf16, #tpu.memory_space<vmem>>
      tpu.enqueue_dma source(%dma_start3A_105 : memref<512x32xbf16, #tpu.memory_space<vmem>>) target(%dma_start3A_102 : memref<512x32xbf16, #tpu.memory_space<hbm>>) target_semaphore(%run_scoped3A : memref<!tpu.dma_semaphore, #tpu.memory_space<semaphore_mem>>)
      %dma_wait3A_106 = arith.constant 512 : i32
      %dma_wait3A_107 = arith.constant 0 : i32
      %dma_wait3A_108 = tpu.memref_slice %arg22[%dma_wait3A_106, %dma_wait3A_107] : memref<2560x32xbf16, #tpu.memory_space<vmem>> -> memref<512x32xbf16, #tpu.memory_space<vmem>>
      %dma_wait3A_109 = arith.constant 0 : i32
      %dma_wait3A_110 = tpu.memref_slice %arg11[%mul3A_2, %dma_wait3A_109] : memref<16384x32xbf16, #tpu.memory_space<hbm>> -> memref<512x32xbf16, #tpu.memory_space<hbm>>
      %dma_wait3A_111 = arith.constant 0 : i32
      %dma_wait3A_112 = tpu.memref_slice %arg11[%mul3A_2, %dma_wait3A_111] : memref<16384x32xbf16, #tpu.memory_space<hbm>> -> memref<512x32xbf16, #tpu.memory_space<hbm>>
      %dma_wait3A_113 = arith.constant 512 : i32
      %dma_wait3A_114 = arith.constant 0 : i32
      %dma_wait3A_115 = tpu.memref_slice %arg22[%dma_wait3A_113, %dma_wait3A_114] : memref<2560x32xbf16, #tpu.memory_space<vmem>> -> memref<512x32xbf16, #tpu.memory_space<vmem>>
      tpu.wait_dma2 semaphore(%run_scoped3A : memref<!tpu.dma_semaphore, #tpu.memory_space<semaphore_mem>>) src(%dma_wait3A_115 : memref<512x32xbf16, #tpu.memory_space<vmem>>) dst(%dma_wait3A_112 : memref<512x32xbf16, #tpu.memory_space<hbm>>)
      tpu.yield
    }) : () -> ()
    "tpu.region"() ({
      %run_scoped3A = tpu.sem_alloc : memref<!tpu.dma_semaphore, #tpu.memory_space<semaphore_mem>>
      %dma_start3A_96 = arith.constant 1024 : i32
      %dma_start3A_97 = arith.constant 0 : i32
      %dma_start3A_98 = tpu.memref_slice %arg22[%dma_start3A_96, %dma_start3A_97] : memref<2560x32xbf16, #tpu.memory_space<vmem>> -> memref<512x32xbf16, #tpu.memory_space<vmem>>
      %dma_start3A_99 = arith.constant 0 : i32
      %dma_start3A_100 = tpu.memref_slice %arg12[%mul3A_2, %dma_start3A_99] : memref<16384x32xbf16, #tpu.memory_space<hbm>> -> memref<512x32xbf16, #tpu.memory_space<hbm>>
      %dma_start3A_101 = arith.constant 0 : i32
      %dma_start3A_102 = tpu.memref_slice %arg12[%mul3A_2, %dma_start3A_101] : memref<16384x32xbf16, #tpu.memory_space<hbm>> -> memref<512x32xbf16, #tpu.memory_space<hbm>>
      %dma_start3A_103 = arith.constant 1024 : i32
      %dma_start3A_104 = arith.constant 0 : i32
      %dma_start3A_105 = tpu.memref_slice %arg22[%dma_start3A_103, %dma_start3A_104] : memref<2560x32xbf16, #tpu.memory_space<vmem>> -> memref<512x32xbf16, #tpu.memory_space<vmem>>
      tpu.enqueue_dma source(%dma_start3A_105 : memref<512x32xbf16, #tpu.memory_space<vmem>>) target(%dma_start3A_102 : memref<512x32xbf16, #tpu.memory_space<hbm>>) target_semaphore(%run_scoped3A : memref<!tpu.dma_semaphore, #tpu.memory_space<semaphore_mem>>)
      %dma_wait3A_106 = arith.constant 1024 : i32
      %dma_wait3A_107 = arith.constant 0 : i32
      %dma_wait3A_108 = tpu.memref_slice %arg22[%dma_wait3A_106, %dma_wait3A_107] : memref<2560x32xbf16, #tpu.memory_space<vmem>> -> memref<512x32xbf16, #tpu.memory_space<vmem>>
      %dma_wait3A_109 = arith.constant 0 : i32
      %dma_wait3A_110 = tpu.memref_slice %arg12[%mul3A_2, %dma_wait3A_109] : memref<16384x32xbf16, #tpu.memory_space<hbm>> -> memref<512x32xbf16, #tpu.memory_space<hbm>>
      %dma_wait3A_111 = arith.constant 0 : i32
      %dma_wait3A_112 = tpu.memref_slice %arg12[%mul3A_2, %dma_wait3A_111] : memref<16384x32xbf16, #tpu.memory_space<hbm>> -> memref<512x32xbf16, #tpu.memory_space<hbm>>
      %dma_wait3A_113 = arith.constant 1024 : i32
      %dma_wait3A_114 = arith.constant 0 : i32
      %dma_wait3A_115 = tpu.memref_slice %arg22[%dma_wait3A_113, %dma_wait3A_114] : memref<2560x32xbf16, #tpu.memory_space<vmem>> -> memref<512x32xbf16, #tpu.memory_space<vmem>>
      tpu.wait_dma2 semaphore(%run_scoped3A : memref<!tpu.dma_semaphore, #tpu.memory_space<semaphore_mem>>) src(%dma_wait3A_115 : memref<512x32xbf16, #tpu.memory_space<vmem>>) dst(%dma_wait3A_112 : memref<512x32xbf16, #tpu.memory_space<hbm>>)
      tpu.yield
    }) : () -> ()
    "tpu.region"() ({
      %run_scoped3A = tpu.sem_alloc : memref<!tpu.dma_semaphore, #tpu.memory_space<semaphore_mem>>
      %dma_start3A_96 = arith.constant 1536 : i32
      %dma_start3A_97 = arith.constant 0 : i32
      %dma_start3A_98 = tpu.memref_slice %arg22[%dma_start3A_96, %dma_start3A_97] : memref<2560x32xbf16, #tpu.memory_space<vmem>> -> memref<512x32xbf16, #tpu.memory_space<vmem>>
      %dma_start3A_99 = arith.constant 0 : i32
      %dma_start3A_100 = tpu.memref_slice %arg13[%mul3A_2, %dma_start3A_99] : memref<16384x32xbf16, #tpu.memory_space<hbm>> -> memref<512x32xbf16, #tpu.memory_space<hbm>>
      %dma_start3A_101 = arith.constant 0 : i32
      %dma_start3A_102 = tpu.memref_slice %arg13[%mul3A_2, %dma_start3A_101] : memref<16384x32xbf16, #tpu.memory_space<hbm>> -> memref<512x32xbf16, #tpu.memory_space<hbm>>
      %dma_start3A_103 = arith.constant 1536 : i32
      %dma_start3A_104 = arith.constant 0 : i32
      %dma_start3A_105 = tpu.memref_slice %arg22[%dma_start3A_103, %dma_start3A_104] : memref<2560x32xbf16, #tpu.memory_space<vmem>> -> memref<512x32xbf16, #tpu.memory_space<vmem>>
      tpu.enqueue_dma source(%dma_start3A_105 : memref<512x32xbf16, #tpu.memory_space<vmem>>) target(%dma_start3A_102 : memref<512x32xbf16, #tpu.memory_space<hbm>>) target_semaphore(%run_scoped3A : memref<!tpu.dma_semaphore, #tpu.memory_space<semaphore_mem>>)
      %dma_wait3A_106 = arith.constant 1536 : i32
      %dma_wait3A_107 = arith.constant 0 : i32
      %dma_wait3A_108 = tpu.memref_slice %arg22[%dma_wait3A_106, %dma_wait3A_107] : memref<2560x32xbf16, #tpu.memory_space<vmem>> -> memref<512x32xbf16, #tpu.memory_space<vmem>>
      %dma_wait3A_109 = arith.constant 0 : i32
      %dma_wait3A_110 = tpu.memref_slice %arg13[%mul3A_2, %dma_wait3A_109] : memref<16384x32xbf16, #tpu.memory_space<hbm>> -> memref<512x32xbf16, #tpu.memory_space<hbm>>
      %dma_wait3A_111 = arith.constant 0 : i32
      %dma_wait3A_112 = tpu.memref_slice %arg13[%mul3A_2, %dma_wait3A_111] : memref<16384x32xbf16, #tpu.memory_space<hbm>> -> memref<512x32xbf16, #tpu.memory_space<hbm>>
      %dma_wait3A_113 = arith.constant 1536 : i32
      %dma_wait3A_114 = arith.constant 0 : i32
      %dma_wait3A_115 = tpu.memref_slice %arg22[%dma_wait3A_113, %dma_wait3A_114] : memref<2560x32xbf16, #tpu.memory_space<vmem>> -> memref<512x32xbf16, #tpu.memory_space<vmem>>
      tpu.wait_dma2 semaphore(%run_scoped3A : memref<!tpu.dma_semaphore, #tpu.memory_space<semaphore_mem>>) src(%dma_wait3A_115 : memref<512x32xbf16, #tpu.memory_space<vmem>>) dst(%dma_wait3A_112 : memref<512x32xbf16, #tpu.memory_space<hbm>>)
      tpu.yield
    }) : () -> ()
    "tpu.region"() ({
      %run_scoped3A = tpu.sem_alloc : memref<!tpu.dma_semaphore, #tpu.memory_space<semaphore_mem>>
      %dma_start3A_96 = arith.constant 2048 : i32
      %dma_start3A_97 = arith.constant 0 : i32
      %dma_start3A_98 = tpu.memref_slice %arg22[%dma_start3A_96, %dma_start3A_97] : memref<2560x32xbf16, #tpu.memory_space<vmem>> -> memref<512x32xbf16, #tpu.memory_space<vmem>>
      %dma_start3A_99 = arith.constant 0 : i32
      %dma_start3A_100 = tpu.memref_slice %arg14[%mul3A_2, %dma_start3A_99] : memref<16384x32xbf16, #tpu.memory_space<hbm>> -> memref<512x32xbf16, #tpu.memory_space<hbm>>
      %dma_start3A_101 = arith.constant 0 : i32
      %dma_start3A_102 = tpu.memref_slice %arg14[%mul3A_2, %dma_start3A_101] : memref<16384x32xbf16, #tpu.memory_space<hbm>> -> memref<512x32xbf16, #tpu.memory_space<hbm>>
      %dma_start3A_103 = arith.constant 2048 : i32
      %dma_start3A_104 = arith.constant 0 : i32
      %dma_start3A_105 = tpu.memref_slice %arg22[%dma_start3A_103, %dma_start3A_104] : memref<2560x32xbf16, #tpu.memory_space<vmem>> -> memref<512x32xbf16, #tpu.memory_space<vmem>>
      tpu.enqueue_dma source(%dma_start3A_105 : memref<512x32xbf16, #tpu.memory_space<vmem>>) target(%dma_start3A_102 : memref<512x32xbf16, #tpu.memory_space<hbm>>) target_semaphore(%run_scoped3A : memref<!tpu.dma_semaphore, #tpu.memory_space<semaphore_mem>>)
      %dma_wait3A_106 = arith.constant 2048 : i32
      %dma_wait3A_107 = arith.constant 0 : i32
      %dma_wait3A_108 = tpu.memref_slice %arg22[%dma_wait3A_106, %dma_wait3A_107] : memref<2560x32xbf16, #tpu.memory_space<vmem>> -> memref<512x32xbf16, #tpu.memory_space<vmem>>
      %dma_wait3A_109 = arith.constant 0 : i32
      %dma_wait3A_110 = tpu.memref_slice %arg14[%mul3A_2, %dma_wait3A_109] : memref<16384x32xbf16, #tpu.memory_space<hbm>> -> memref<512x32xbf16, #tpu.memory_space<hbm>>
      %dma_wait3A_111 = arith.constant 0 : i32
      %dma_wait3A_112 = tpu.memref_slice %arg14[%mul3A_2, %dma_wait3A_111] : memref<16384x32xbf16, #tpu.memory_space<hbm>> -> memref<512x32xbf16, #tpu.memory_space<hbm>>
      %dma_wait3A_113 = arith.constant 2048 : i32
      %dma_wait3A_114 = arith.constant 0 : i32
      %dma_wait3A_115 = tpu.memref_slice %arg22[%dma_wait3A_113, %dma_wait3A_114] : memref<2560x32xbf16, #tpu.memory_space<vmem>> -> memref<512x32xbf16, #tpu.memory_space<vmem>>
      tpu.wait_dma2 semaphore(%run_scoped3A : memref<!tpu.dma_semaphore, #tpu.memory_space<semaphore_mem>>) src(%dma_wait3A_115 : memref<512x32xbf16, #tpu.memory_space<vmem>>) dst(%dma_wait3A_112 : memref<512x32xbf16, #tpu.memory_space<hbm>>)
      tpu.yield
    }) : () -> ()
    %mul3A_66 = arith.constant 2560 : i32
    %mul3A_67 = arith.muli %add3A, %mul3A_66 : i32
    %add3A_68 = arith.constant 0 : i32
    %add3A_69 = arith.addi %mul3A_67, %add3A_68 : i32
    "tpu.region"() ({
      %run_scoped3A = tpu.sem_alloc : memref<!tpu.dma_semaphore, #tpu.memory_space<semaphore_mem>>
      %dma_start3A_96 = tpu.memref_slice %arg8[%add3A_69] : memref<81920xi32, #tpu.memory_space<hbm>> -> memref<1280xi32, #tpu.memory_space<hbm>>
      %dma_start3A_97 = tpu.memref_slice %arg8[%add3A_69] : memref<81920xi32, #tpu.memory_space<hbm>> -> memref<1280xi32, #tpu.memory_space<hbm>>
      tpu.enqueue_dma source(%dma_start3A_97 : memref<1280xi32, #tpu.memory_space<hbm>>) target(%arg21 : memref<1280xi32, #tpu.memory_space<vmem>>) target_semaphore(%run_scoped3A : memref<!tpu.dma_semaphore, #tpu.memory_space<semaphore_mem>>)
      %dma_wait3A_98 = tpu.memref_slice %arg8[%add3A_69] : memref<81920xi32, #tpu.memory_space<hbm>> -> memref<1280xi32, #tpu.memory_space<hbm>>
      %dma_wait3A_99 = tpu.memref_slice %arg8[%add3A_69] : memref<81920xi32, #tpu.memory_space<hbm>> -> memref<1280xi32, #tpu.memory_space<hbm>>
      tpu.wait_dma2 semaphore(%run_scoped3A : memref<!tpu.dma_semaphore, #tpu.memory_space<semaphore_mem>>) src(%dma_wait3A_99 : memref<1280xi32, #tpu.memory_space<hbm>>) dst(%arg21 : memref<1280xi32, #tpu.memory_space<vmem>>)
      tpu.yield
    }) : () -> ()
    %scan3A_70 = arith.constant 0 : i32
    %scan3A_71 = arith.constant 0 : i32
    %scan3A_72 = arith.constant 80 : i32
    %scan3A_73 = arith.addi %scan3A_71, %scan3A_72 : i32
    %scan3A_74 = arith.constant 4 : i32
    scf.for %scan3A_96 = %scan3A_71 to %scan3A_73 step %scan3A_74  : i32 {
      %mul3A_97 = arith.constant 16 : i32
      %mul3A_98 = arith.muli %scan3A_96, %mul3A_97 : i32
      %get3A = arith.index_cast %mul3A_98 : i32 to index
      %get3A_99 = tpu.vector_load %arg21[%get3A] {strides = array<i32>} : memref<1280xi32, #tpu.memory_space<vmem>>, vector<16xi32>,
      %get3A_100 = vector.shape_cast %get3A_99 : vector<16xi32> to vector<16xi32>
      %shift_right_arithmetic3A = arith.constant 16 : i32
      %shift_right_arithmetic3A_101 = vector.broadcast %shift_right_arithmetic3A : i32 to vector<16xi32>
      %shift_right_arithmetic3A_102 = arith.shrsi %get3A_100, %shift_right_arithmetic3A_101 : vector<16xi32>
      %mul3A_103 = arith.constant 65536 : i32
      %mul3A_104 = vector.broadcast %mul3A_103 : i32 to vector<16xi32>
      %mul3A_105 = arith.muli %shift_right_arithmetic3A_102, %mul3A_104 : vector<16xi32>
      %and3A = arith.constant 16383 : i32
      %and3A_106 = vector.broadcast %and3A : i32 to vector<16xi32>
      %and3A_107 = arith.andi %get3A_100, %and3A_106 : vector<16xi32>
      %mul3A_108 = arith.constant 4 : i32
      %mul3A_109 = vector.broadcast %mul3A_108 : i32 to vector<16xi32>
      %mul3A_110 = arith.muli %and3A_107, %mul3A_109 : vector<16xi32>
      %add3A_111 = arith.addi %mul3A_105, %mul3A_110 : vector<16xi32>
      %shift_right_arithmetic3A_112 = arith.constant 14 : i32
      %shift_right_arithmetic3A_113 = vector.broadcast %shift_right_arithmetic3A_112 : i32 to vector<16xi32>
      %shift_right_arithmetic3A_114 = arith.shrsi %get3A_100, %shift_right_arithmetic3A_113 : vector<16xi32>
      %and3A_115 = arith.constant 3 : i32
      %and3A_116 = vector.broadcast %and3A_115 : i32 to vector<16xi32>
      %and3A_117 = arith.andi %shift_right_arithmetic3A_114, %and3A_116 : vector<16xi32>
      %add3A_118 = arith.addi %add3A_111, %and3A_117 : vector<16xi32>
      %swap3A = arith.index_cast %mul3A_98 : i32 to index
      %swap3A_119 = tpu.vector_load %arg21[%swap3A] {strides = array<i32>} : memref<1280xi32, #tpu.memory_space<vmem>>, vector<16xi32>,
      %swap3A_120 = vector.shape_cast %swap3A_119 : vector<16xi32> to vector<16xi32>
      %swap3A_121 = vector.shape_cast %add3A_118 : vector<16xi32> to vector<16xi32>
      tpu.vector_store %arg21[%swap3A], %swap3A_121 {strides = array<i32>} : memref<1280xi32, #tpu.memory_space<vmem>>, vector<16xi32>,
      %scan3A_122 = arith.constant 1 : i32
      %scan3A_123 = arith.addi %scan3A_96, %scan3A_122 : i32
      %mul3A_124 = arith.constant 16 : i32
      %mul3A_125 = arith.muli %scan3A_123, %mul3A_124 : i32
      %get3A_126 = arith.index_cast %mul3A_125 : i32 to index
      %get3A_127 = tpu.vector_load %arg21[%get3A_126] {strides = array<i32>} : memref<1280xi32, #tpu.memory_space<vmem>>, vector<16xi32>,
      %get3A_128 = vector.shape_cast %get3A_127 : vector<16xi32> to vector<16xi32>
      %shift_right_arithmetic3A_129 = arith.constant 16 : i32
      %shift_right_arithmetic3A_130 = vector.broadcast %shift_right_arithmetic3A_129 : i32 to vector<16xi32>
      %shift_right_arithmetic3A_131 = arith.shrsi %get3A_128, %shift_right_arithmetic3A_130 : vector<16xi32>
      %mul3A_132 = arith.constant 65536 : i32
      %mul3A_133 = vector.broadcast %mul3A_132 : i32 to vector<16xi32>
      %mul3A_134 = arith.muli %shift_right_arithmetic3A_131, %mul3A_133 : vector<16xi32>
      %and3A_135 = arith.constant 16383 : i32
      %and3A_136 = vector.broadcast %and3A_135 : i32 to vector<16xi32>
      %and3A_137 = arith.andi %get3A_128, %and3A_136 : vector<16xi32>
      %mul3A_138 = arith.constant 4 : i32
      %mul3A_139 = vector.broadcast %mul3A_138 : i32 to vector<16xi32>
      %mul3A_140 = arith.muli %and3A_137, %mul3A_139 : vector<16xi32>
      %add3A_141 = arith.addi %mul3A_134, %mul3A_140 : vector<16xi32>
      %shift_right_arithmetic3A_142 = arith.constant 14 : i32
      %shift_right_arithmetic3A_143 = vector.broadcast %shift_right_arithmetic3A_142 : i32 to vector<16xi32>
      %shift_right_arithmetic3A_144 = arith.shrsi %get3A_128, %shift_right_arithmetic3A_143 : vector<16xi32>
      %and3A_145 = arith.constant 3 : i32
      %and3A_146 = vector.broadcast %and3A_145 : i32 to vector<16xi32>
      %and3A_147 = arith.andi %shift_right_arithmetic3A_144, %and3A_146 : vector<16xi32>
      %add3A_148 = arith.addi %add3A_141, %and3A_147 : vector<16xi32>
      %swap3A_149 = arith.index_cast %mul3A_125 : i32 to index
      %swap3A_150 = tpu.vector_load %arg21[%swap3A_149] {strides = array<i32>} : memref<1280xi32, #tpu.memory_space<vmem>>, vector<16xi32>,
      %swap3A_151 = vector.shape_cast %swap3A_150 : vector<16xi32> to vector<16xi32>
      %swap3A_152 = vector.shape_cast %add3A_148 : vector<16xi32> to vector<16xi32>
      tpu.vector_store %arg21[%swap3A_149], %swap3A_152 {strides = array<i32>} : memref<1280xi32, #tpu.memory_space<vmem>>, vector<16xi32>,
      %scan3A_153 = arith.constant 2 : i32
      %scan3A_154 = arith.addi %scan3A_96, %scan3A_153 : i32
      %mul3A_155 = arith.constant 16 : i32
      %mul3A_156 = arith.muli %scan3A_154, %mul3A_155 : i32
      %get3A_157 = arith.index_cast %mul3A_156 : i32 to index
      %get3A_158 = tpu.vector_load %arg21[%get3A_157] {strides = array<i32>} : memref<1280xi32, #tpu.memory_space<vmem>>, vector<16xi32>,
      %get3A_159 = vector.shape_cast %get3A_158 : vector<16xi32> to vector<16xi32>
      %shift_right_arithmetic3A_160 = arith.constant 16 : i32
      %shift_right_arithmetic3A_161 = vector.broadcast %shift_right_arithmetic3A_160 : i32 to vector<16xi32>
      %shift_right_arithmetic3A_162 = arith.shrsi %get3A_159, %shift_right_arithmetic3A_161 : vector<16xi32>
      %mul3A_163 = arith.constant 65536 : i32
      %mul3A_164 = vector.broadcast %mul3A_163 : i32 to vector<16xi32>
      %mul3A_165 = arith.muli %shift_right_arithmetic3A_162, %mul3A_164 : vector<16xi32>
      %and3A_166 = arith.constant 16383 : i32
      %and3A_167 = vector.broadcast %and3A_166 : i32 to vector<16xi32>
      %and3A_168 = arith.andi %get3A_159, %and3A_167 : vector<16xi32>
      %mul3A_169 = arith.constant 4 : i32
      %mul3A_170 = vector.broadcast %mul3A_169 : i32 to vector<16xi32>
      %mul3A_171 = arith.muli %and3A_168, %mul3A_170 : vector<16xi32>
      %add3A_172 = arith.addi %mul3A_165, %mul3A_171 : vector<16xi32>
      %shift_right_arithmetic3A_173 = arith.constant 14 : i32
      %shift_right_arithmetic3A_174 = vector.broadcast %shift_right_arithmetic3A_173 : i32 to vector<16xi32>
      %shift_right_arithmetic3A_175 = arith.shrsi %get3A_159, %shift_right_arithmetic3A_174 : vector<16xi32>
      %and3A_176 = arith.constant 3 : i32
      %and3A_177 = vector.broadcast %and3A_176 : i32 to vector<16xi32>
      %and3A_178 = arith.andi %shift_right_arithmetic3A_175, %and3A_177 : vector<16xi32>
      %add3A_179 = arith.addi %add3A_172, %and3A_178 : vector<16xi32>
      %swap3A_180 = arith.index_cast %mul3A_156 : i32 to index
      %swap3A_181 = tpu.vector_load %arg21[%swap3A_180] {strides = array<i32>} : memref<1280xi32, #tpu.memory_space<vmem>>, vector<16xi32>,
      %swap3A_182 = vector.shape_cast %swap3A_181 : vector<16xi32> to vector<16xi32>
      %swap3A_183 = vector.shape_cast %add3A_179 : vector<16xi32> to vector<16xi32>
      tpu.vector_store %arg21[%swap3A_180], %swap3A_183 {strides = array<i32>} : memref<1280xi32, #tpu.memory_space<vmem>>, vector<16xi32>,
      %scan3A_184 = arith.constant 3 : i32
      %scan3A_185 = arith.addi %scan3A_96, %scan3A_184 : i32
      %mul3A_186 = arith.constant 16 : i32
      %mul3A_187 = arith.muli %scan3A_185, %mul3A_186 : i32
      %get3A_188 = arith.index_cast %mul3A_187 : i32 to index
      %get3A_189 = tpu.vector_load %arg21[%get3A_188] {strides = array<i32>} : memref<1280xi32, #tpu.memory_space<vmem>>, vector<16xi32>,
      %get3A_190 = vector.shape_cast %get3A_189 : vector<16xi32> to vector<16xi32>
      %shift_right_arithmetic3A_191 = arith.constant 16 : i32
      %shift_right_arithmetic3A_192 = vector.broadcast %shift_right_arithmetic3A_191 : i32 to vector<16xi32>
      %shift_right_arithmetic3A_193 = arith.shrsi %get3A_190, %shift_right_arithmetic3A_192 : vector<16xi32>
      %mul3A_194 = arith.constant 65536 : i32
      %mul3A_195 = vector.broadcast %mul3A_194 : i32 to vector<16xi32>
      %mul3A_196 = arith.muli %shift_right_arithmetic3A_193, %mul3A_195 : vector<16xi32>
      %and3A_197 = arith.constant 16383 : i32
      %and3A_198 = vector.broadcast %and3A_197 : i32 to vector<16xi32>
      %and3A_199 = arith.andi %get3A_190, %and3A_198 : vector<16xi32>
      %mul3A_200 = arith.constant 4 : i32
      %mul3A_201 = vector.broadcast %mul3A_200 : i32 to vector<16xi32>
      %mul3A_202 = arith.muli %and3A_199, %mul3A_201 : vector<16xi32>
      %add3A_203 = arith.addi %mul3A_196, %mul3A_202 : vector<16xi32>
      %shift_right_arithmetic3A_204 = arith.constant 14 : i32
      %shift_right_arithmetic3A_205 = vector.broadcast %shift_right_arithmetic3A_204 : i32 to vector<16xi32>
      %shift_right_arithmetic3A_206 = arith.shrsi %get3A_190, %shift_right_arithmetic3A_205 : vector<16xi32>
      %and3A_207 = arith.constant 3 : i32
      %and3A_208 = vector.broadcast %and3A_207 : i32 to vector<16xi32>
      %and3A_209 = arith.andi %shift_right_arithmetic3A_206, %and3A_208 : vector<16xi32>
      %add3A_210 = arith.addi %add3A_203, %and3A_209 : vector<16xi32>
      %swap3A_211 = arith.index_cast %mul3A_187 : i32 to index
      %swap3A_212 = tpu.vector_load %arg21[%swap3A_211] {strides = array<i32>} : memref<1280xi32, #tpu.memory_space<vmem>>, vector<16xi32>,
      %swap3A_213 = vector.shape_cast %swap3A_212 : vector<16xi32> to vector<16xi32>
      %swap3A_214 = vector.shape_cast %add3A_210 : vector<16xi32> to vector<16xi32>
      tpu.vector_store %arg21[%swap3A_211], %swap3A_214 {strides = array<i32>} : memref<1280xi32, #tpu.memory_space<vmem>>, vector<16xi32>,
    }
    %scan3A_75 = arith.constant 80 : i32
    %dma_start3A_76 = arith.constant 0 : i32
    %dma_start3A_77 = arith.constant 0 : i32
    %dma_start3A_78 = tpu.memref_slice %arg4[%dma_start3A_76, %dma_start3A_77] : memref<1048576x32xbf16, #tpu.memory_space<hbm>> -> memref<1048576x32xbf16, #tpu.memory_space<hbm>>
    tpu.enqueue_indirect_dma source(%dma_start3A_78 : memref<1048576x32xbf16, #tpu.memory_space<hbm>>) target(%arg23 : memref<1280x32xbf16, #tpu.memory_space<vmem>>) offsets(%arg21 : memref<1280xi32, #tpu.memory_space<vmem>>) semaphore(%arg24 : memref<!tpu.dma_semaphore, #tpu.memory_space<semaphore_mem>>)
    %dma_wait3A_79 = arith.constant 0 : i32
    %dma_wait3A_80 = arith.constant 0 : i32
    %dma_wait3A_81 = tpu.memref_slice %arg4[%dma_wait3A_79, %dma_wait3A_80] : memref<1048576x32xbf16, #tpu.memory_space<hbm>> -> memref<1048576x32xbf16, #tpu.memory_space<hbm>>
    tpu.wait_indirect_dma semaphore(%arg24 : memref<!tpu.dma_semaphore, #tpu.memory_space<semaphore_mem>>) src(%dma_wait3A_81 : memref<1048576x32xbf16, #tpu.memory_space<hbm>>) dst(%arg23 : memref<1280x32xbf16, #tpu.memory_space<vmem>>)
    "tpu.region"() ({
      %run_scoped3A = tpu.sem_alloc : memref<!tpu.dma_semaphore, #tpu.memory_space<semaphore_mem>>
      %dma_start3A_96 = arith.constant 0 : i32
      %dma_start3A_97 = tpu.memref_slice %arg15[%add3A_69, %dma_start3A_96] : memref<81920x32xbf16, #tpu.memory_space<hbm>> -> memref<1280x32xbf16, #tpu.memory_space<hbm>>
      %dma_start3A_98 = arith.constant 0 : i32
      %dma_start3A_99 = tpu.memref_slice %arg15[%add3A_69, %dma_start3A_98] : memref<81920x32xbf16, #tpu.memory_space<hbm>> -> memref<1280x32xbf16, #tpu.memory_space<hbm>>
      tpu.enqueue_dma source(%arg23 : memref<1280x32xbf16, #tpu.memory_space<vmem>>) target(%dma_start3A_99 : memref<1280x32xbf16, #tpu.memory_space<hbm>>) target_semaphore(%run_scoped3A : memref<!tpu.dma_semaphore, #tpu.memory_space<semaphore_mem>>)
      %dma_wait3A_100 = arith.constant 0 : i32
      %dma_wait3A_101 = tpu.memref_slice %arg15[%add3A_69, %dma_wait3A_100] : memref<81920x32xbf16, #tpu.memory_space<hbm>> -> memref<1280x32xbf16, #tpu.memory_space<hbm>>
      %dma_wait3A_102 = arith.constant 0 : i32
      %dma_wait3A_103 = tpu.memref_slice %arg15[%add3A_69, %dma_wait3A_102] : memref<81920x32xbf16, #tpu.memory_space<hbm>> -> memref<1280x32xbf16, #tpu.memory_space<hbm>>
      tpu.wait_dma2 semaphore(%run_scoped3A : memref<!tpu.dma_semaphore, #tpu.memory_space<semaphore_mem>>) src(%arg23 : memref<1280x32xbf16, #tpu.memory_space<vmem>>) dst(%dma_wait3A_103 : memref<1280x32xbf16, #tpu.memory_space<hbm>>)
      tpu.yield
    }) : () -> ()
    %add3A_82 = arith.constant 1280 : i32
    %add3A_83 = arith.addi %mul3A_67, %add3A_82 : i32
    "tpu.region"() ({
      %run_scoped3A = tpu.sem_alloc : memref<!tpu.dma_semaphore, #tpu.memory_space<semaphore_mem>>
      %dma_start3A_96 = tpu.memref_slice %arg8[%add3A_83] : memref<81920xi32, #tpu.memory_space<hbm>> -> memref<1280xi32, #tpu.memory_space<hbm>>
      %dma_start3A_97 = tpu.memref_slice %arg8[%add3A_83] : memref<81920xi32, #tpu.memory_space<hbm>> -> memref<1280xi32, #tpu.memory_space<hbm>>
      tpu.enqueue_dma source(%dma_start3A_97 : memref<1280xi32, #tpu.memory_space<hbm>>) target(%arg21 : memref<1280xi32, #tpu.memory_space<vmem>>) target_semaphore(%run_scoped3A : memref<!tpu.dma_semaphore, #tpu.memory_space<semaphore_mem>>)
      %dma_wait3A_98 = tpu.memref_slice %arg8[%add3A_83] : memref<81920xi32, #tpu.memory_space<hbm>> -> memref<1280xi32, #tpu.memory_space<hbm>>
      %dma_wait3A_99 = tpu.memref_slice %arg8[%add3A_83] : memref<81920xi32, #tpu.memory_space<hbm>> -> memref<1280xi32, #tpu.memory_space<hbm>>
      tpu.wait_dma2 semaphore(%run_scoped3A : memref<!tpu.dma_semaphore, #tpu.memory_space<semaphore_mem>>) src(%dma_wait3A_99 : memref<1280xi32, #tpu.memory_space<hbm>>) dst(%arg21 : memref<1280xi32, #tpu.memory_space<vmem>>)
      tpu.yield
    }) : () -> ()
    %scan3A_84 = arith.constant 0 : i32
    %scan3A_85 = arith.constant 0 : i32
    %scan3A_86 = arith.constant 80 : i32
    %scan3A_87 = arith.addi %scan3A_85, %scan3A_86 : i32
    %scan3A_88 = arith.constant 4 : i32
    scf.for %scan3A_96 = %scan3A_85 to %scan3A_87 step %scan3A_88  : i32 {
      %mul3A_97 = arith.constant 16 : i32
      %mul3A_98 = arith.muli %scan3A_96, %mul3A_97 : i32
      %get3A = arith.index_cast %mul3A_98 : i32 to index
      %get3A_99 = tpu.vector_load %arg21[%get3A] {strides = array<i32>} : memref<1280xi32, #tpu.memory_space<vmem>>, vector<16xi32>,
      %get3A_100 = vector.shape_cast %get3A_99 : vector<16xi32> to vector<16xi32>
      %shift_right_arithmetic3A = arith.constant 16 : i32
      %shift_right_arithmetic3A_101 = vector.broadcast %shift_right_arithmetic3A : i32 to vector<16xi32>
      %shift_right_arithmetic3A_102 = arith.shrsi %get3A_100, %shift_right_arithmetic3A_101 : vector<16xi32>
      %mul3A_103 = arith.constant 65536 : i32
      %mul3A_104 = vector.broadcast %mul3A_103 : i32 to vector<16xi32>
      %mul3A_105 = arith.muli %shift_right_arithmetic3A_102, %mul3A_104 : vector<16xi32>
      %and3A = arith.constant 16383 : i32
      %and3A_106 = vector.broadcast %and3A : i32 to vector<16xi32>
      %and3A_107 = arith.andi %get3A_100, %and3A_106 : vector<16xi32>
      %mul3A_108 = arith.constant 4 : i32
      %mul3A_109 = vector.broadcast %mul3A_108 : i32 to vector<16xi32>
      %mul3A_110 = arith.muli %and3A_107, %mul3A_109 : vector<16xi32>
      %add3A_111 = arith.addi %mul3A_105, %mul3A_110 : vector<16xi32>
      %shift_right_arithmetic3A_112 = arith.constant 14 : i32
      %shift_right_arithmetic3A_113 = vector.broadcast %shift_right_arithmetic3A_112 : i32 to vector<16xi32>
      %shift_right_arithmetic3A_114 = arith.shrsi %get3A_100, %shift_right_arithmetic3A_113 : vector<16xi32>
      %and3A_115 = arith.constant 3 : i32
      %and3A_116 = vector.broadcast %and3A_115 : i32 to vector<16xi32>
      %and3A_117 = arith.andi %shift_right_arithmetic3A_114, %and3A_116 : vector<16xi32>
      %add3A_118 = arith.addi %add3A_111, %and3A_117 : vector<16xi32>
      %swap3A = arith.index_cast %mul3A_98 : i32 to index
      %swap3A_119 = tpu.vector_load %arg21[%swap3A] {strides = array<i32>} : memref<1280xi32, #tpu.memory_space<vmem>>, vector<16xi32>,
      %swap3A_120 = vector.shape_cast %swap3A_119 : vector<16xi32> to vector<16xi32>
      %swap3A_121 = vector.shape_cast %add3A_118 : vector<16xi32> to vector<16xi32>
      tpu.vector_store %arg21[%swap3A], %swap3A_121 {strides = array<i32>} : memref<1280xi32, #tpu.memory_space<vmem>>, vector<16xi32>,
      %scan3A_122 = arith.constant 1 : i32
      %scan3A_123 = arith.addi %scan3A_96, %scan3A_122 : i32
      %mul3A_124 = arith.constant 16 : i32
      %mul3A_125 = arith.muli %scan3A_123, %mul3A_124 : i32
      %get3A_126 = arith.index_cast %mul3A_125 : i32 to index
      %get3A_127 = tpu.vector_load %arg21[%get3A_126] {strides = array<i32>} : memref<1280xi32, #tpu.memory_space<vmem>>, vector<16xi32>,
      %get3A_128 = vector.shape_cast %get3A_127 : vector<16xi32> to vector<16xi32>
      %shift_right_arithmetic3A_129 = arith.constant 16 : i32
      %shift_right_arithmetic3A_130 = vector.broadcast %shift_right_arithmetic3A_129 : i32 to vector<16xi32>
      %shift_right_arithmetic3A_131 = arith.shrsi %get3A_128, %shift_right_arithmetic3A_130 : vector<16xi32>
      %mul3A_132 = arith.constant 65536 : i32
      %mul3A_133 = vector.broadcast %mul3A_132 : i32 to vector<16xi32>
      %mul3A_134 = arith.muli %shift_right_arithmetic3A_131, %mul3A_133 : vector<16xi32>
      %and3A_135 = arith.constant 16383 : i32
      %and3A_136 = vector.broadcast %and3A_135 : i32 to vector<16xi32>
      %and3A_137 = arith.andi %get3A_128, %and3A_136 : vector<16xi32>
      %mul3A_138 = arith.constant 4 : i32
      %mul3A_139 = vector.broadcast %mul3A_138 : i32 to vector<16xi32>
      %mul3A_140 = arith.muli %and3A_137, %mul3A_139 : vector<16xi32>
      %add3A_141 = arith.addi %mul3A_134, %mul3A_140 : vector<16xi32>
      %shift_right_arithmetic3A_142 = arith.constant 14 : i32
      %shift_right_arithmetic3A_143 = vector.broadcast %shift_right_arithmetic3A_142 : i32 to vector<16xi32>
      %shift_right_arithmetic3A_144 = arith.shrsi %get3A_128, %shift_right_arithmetic3A_143 : vector<16xi32>
      %and3A_145 = arith.constant 3 : i32
      %and3A_146 = vector.broadcast %and3A_145 : i32 to vector<16xi32>
      %and3A_147 = arith.andi %shift_right_arithmetic3A_144, %and3A_146 : vector<16xi32>
      %add3A_148 = arith.addi %add3A_141, %and3A_147 : vector<16xi32>
      %swap3A_149 = arith.index_cast %mul3A_125 : i32 to index
      %swap3A_150 = tpu.vector_load %arg21[%swap3A_149] {strides = array<i32>} : memref<1280xi32, #tpu.memory_space<vmem>>, vector<16xi32>,
      %swap3A_151 = vector.shape_cast %swap3A_150 : vector<16xi32> to vector<16xi32>
      %swap3A_152 = vector.shape_cast %add3A_148 : vector<16xi32> to vector<16xi32>
      tpu.vector_store %arg21[%swap3A_149], %swap3A_152 {strides = array<i32>} : memref<1280xi32, #tpu.memory_space<vmem>>, vector<16xi32>,
      %scan3A_153 = arith.constant 2 : i32
      %scan3A_154 = arith.addi %scan3A_96, %scan3A_153 : i32
      %mul3A_155 = arith.constant 16 : i32
      %mul3A_156 = arith.muli %scan3A_154, %mul3A_155 : i32
      %get3A_157 = arith.index_cast %mul3A_156 : i32 to index
      %get3A_158 = tpu.vector_load %arg21[%get3A_157] {strides = array<i32>} : memref<1280xi32, #tpu.memory_space<vmem>>, vector<16xi32>,
      %get3A_159 = vector.shape_cast %get3A_158 : vector<16xi32> to vector<16xi32>
      %shift_right_arithmetic3A_160 = arith.constant 16 : i32
      %shift_right_arithmetic3A_161 = vector.broadcast %shift_right_arithmetic3A_160 : i32 to vector<16xi32>
      %shift_right_arithmetic3A_162 = arith.shrsi %get3A_159, %shift_right_arithmetic3A_161 : vector<16xi32>
      %mul3A_163 = arith.constant 65536 : i32
      %mul3A_164 = vector.broadcast %mul3A_163 : i32 to vector<16xi32>
      %mul3A_165 = arith.muli %shift_right_arithmetic3A_162, %mul3A_164 : vector<16xi32>
      %and3A_166 = arith.constant 16383 : i32
      %and3A_167 = vector.broadcast %and3A_166 : i32 to vector<16xi32>
      %and3A_168 = arith.andi %get3A_159, %and3A_167 : vector<16xi32>
      %mul3A_169 = arith.constant 4 : i32
      %mul3A_170 = vector.broadcast %mul3A_169 : i32 to vector<16xi32>
      %mul3A_171 = arith.muli %and3A_168, %mul3A_170 : vector<16xi32>
      %add3A_172 = arith.addi %mul3A_165, %mul3A_171 : vector<16xi32>
      %shift_right_arithmetic3A_173 = arith.constant 14 : i32
      %shift_right_arithmetic3A_174 = vector.broadcast %shift_right_arithmetic3A_173 : i32 to vector<16xi32>
      %shift_right_arithmetic3A_175 = arith.shrsi %get3A_159, %shift_right_arithmetic3A_174 : vector<16xi32>
      %and3A_176 = arith.constant 3 : i32
      %and3A_177 = vector.broadcast %and3A_176 : i32 to vector<16xi32>
      %and3A_178 = arith.andi %shift_right_arithmetic3A_175, %and3A_177 : vector<16xi32>
      %add3A_179 = arith.addi %add3A_172, %and3A_178 : vector<16xi32>
      %swap3A_180 = arith.index_cast %mul3A_156 : i32 to index
      %swap3A_181 = tpu.vector_load %arg21[%swap3A_180] {strides = array<i32>} : memref<1280xi32, #tpu.memory_space<vmem>>, vector<16xi32>,
      %swap3A_182 = vector.shape_cast %swap3A_181 : vector<16xi32> to vector<16xi32>
      %swap3A_183 = vector.shape_cast %add3A_179 : vector<16xi32> to vector<16xi32>
      tpu.vector_store %arg21[%swap3A_180], %swap3A_183 {strides = array<i32>} : memref<1280xi32, #tpu.memory_space<vmem>>, vector<16xi32>,
      %scan3A_184 = arith.constant 3 : i32
      %scan3A_185 = arith.addi %scan3A_96, %scan3A_184 : i32
      %mul3A_186 = arith.constant 16 : i32
      %mul3A_187 = arith.muli %scan3A_185, %mul3A_186 : i32
      %get3A_188 = arith.index_cast %mul3A_187 : i32 to index
      %get3A_189 = tpu.vector_load %arg21[%get3A_188] {strides = array<i32>} : memref<1280xi32, #tpu.memory_space<vmem>>, vector<16xi32>,
      %get3A_190 = vector.shape_cast %get3A_189 : vector<16xi32> to vector<16xi32>
      %shift_right_arithmetic3A_191 = arith.constant 16 : i32
      %shift_right_arithmetic3A_192 = vector.broadcast %shift_right_arithmetic3A_191 : i32 to vector<16xi32>
      %shift_right_arithmetic3A_193 = arith.shrsi %get3A_190, %shift_right_arithmetic3A_192 : vector<16xi32>
      %mul3A_194 = arith.constant 65536 : i32
      %mul3A_195 = vector.broadcast %mul3A_194 : i32 to vector<16xi32>
      %mul3A_196 = arith.muli %shift_right_arithmetic3A_193, %mul3A_195 : vector<16xi32>
      %and3A_197 = arith.constant 16383 : i32
      %and3A_198 = vector.broadcast %and3A_197 : i32 to vector<16xi32>
      %and3A_199 = arith.andi %get3A_190, %and3A_198 : vector<16xi32>
      %mul3A_200 = arith.constant 4 : i32
      %mul3A_201 = vector.broadcast %mul3A_200 : i32 to vector<16xi32>
      %mul3A_202 = arith.muli %and3A_199, %mul3A_201 : vector<16xi32>
      %add3A_203 = arith.addi %mul3A_196, %mul3A_202 : vector<16xi32>
      %shift_right_arithmetic3A_204 = arith.constant 14 : i32
      %shift_right_arithmetic3A_205 = vector.broadcast %shift_right_arithmetic3A_204 : i32 to vector<16xi32>
      %shift_right_arithmetic3A_206 = arith.shrsi %get3A_190, %shift_right_arithmetic3A_205 : vector<16xi32>
      %and3A_207 = arith.constant 3 : i32
      %and3A_208 = vector.broadcast %and3A_207 : i32 to vector<16xi32>
      %and3A_209 = arith.andi %shift_right_arithmetic3A_206, %and3A_208 : vector<16xi32>
      %add3A_210 = arith.addi %add3A_203, %and3A_209 : vector<16xi32>
      %swap3A_211 = arith.index_cast %mul3A_187 : i32 to index
      %swap3A_212 = tpu.vector_load %arg21[%swap3A_211] {strides = array<i32>} : memref<1280xi32, #tpu.memory_space<vmem>>, vector<16xi32>,
      %swap3A_213 = vector.shape_cast %swap3A_212 : vector<16xi32> to vector<16xi32>
      %swap3A_214 = vector.shape_cast %add3A_210 : vector<16xi32> to vector<16xi32>
      tpu.vector_store %arg21[%swap3A_211], %swap3A_214 {strides = array<i32>} : memref<1280xi32, #tpu.memory_space<vmem>>, vector<16xi32>,
    }
    %scan3A_89 = arith.constant 80 : i32
    %dma_start3A_90 = arith.constant 0 : i32
    %dma_start3A_91 = arith.constant 0 : i32
    %dma_start3A_92 = tpu.memref_slice %arg4[%dma_start3A_90, %dma_start3A_91] : memref<1048576x32xbf16, #tpu.memory_space<hbm>> -> memref<1048576x32xbf16, #tpu.memory_space<hbm>>
    tpu.enqueue_indirect_dma source(%dma_start3A_92 : memref<1048576x32xbf16, #tpu.memory_space<hbm>>) target(%arg23 : memref<1280x32xbf16, #tpu.memory_space<vmem>>) offsets(%arg21 : memref<1280xi32, #tpu.memory_space<vmem>>) semaphore(%arg24 : memref<!tpu.dma_semaphore, #tpu.memory_space<semaphore_mem>>)
    %dma_wait3A_93 = arith.constant 0 : i32
    %dma_wait3A_94 = arith.constant 0 : i32
    %dma_wait3A_95 = tpu.memref_slice %arg4[%dma_wait3A_93, %dma_wait3A_94] : memref<1048576x32xbf16, #tpu.memory_space<hbm>> -> memref<1048576x32xbf16, #tpu.memory_space<hbm>>
    tpu.wait_indirect_dma semaphore(%arg24 : memref<!tpu.dma_semaphore, #tpu.memory_space<semaphore_mem>>) src(%dma_wait3A_95 : memref<1048576x32xbf16, #tpu.memory_space<hbm>>) dst(%arg23 : memref<1280x32xbf16, #tpu.memory_space<vmem>>)
    "tpu.region"() ({
      %run_scoped3A = tpu.sem_alloc : memref<!tpu.dma_semaphore, #tpu.memory_space<semaphore_mem>>
      %dma_start3A_96 = arith.constant 0 : i32
      %dma_start3A_97 = tpu.memref_slice %arg15[%add3A_83, %dma_start3A_96] : memref<81920x32xbf16, #tpu.memory_space<hbm>> -> memref<1280x32xbf16, #tpu.memory_space<hbm>>
      %dma_start3A_98 = arith.constant 0 : i32
      %dma_start3A_99 = tpu.memref_slice %arg15[%add3A_83, %dma_start3A_98] : memref<81920x32xbf16, #tpu.memory_space<hbm>> -> memref<1280x32xbf16, #tpu.memory_space<hbm>>
      tpu.enqueue_dma source(%arg23 : memref<1280x32xbf16, #tpu.memory_space<vmem>>) target(%dma_start3A_99 : memref<1280x32xbf16, #tpu.memory_space<hbm>>) target_semaphore(%run_scoped3A : memref<!tpu.dma_semaphore, #tpu.memory_space<semaphore_mem>>)
      %dma_wait3A_100 = arith.constant 0 : i32
      %dma_wait3A_101 = tpu.memref_slice %arg15[%add3A_83, %dma_wait3A_100] : memref<81920x32xbf16, #tpu.memory_space<hbm>> -> memref<1280x32xbf16, #tpu.memory_space<hbm>>
      %dma_wait3A_102 = arith.constant 0 : i32
      %dma_wait3A_103 = tpu.memref_slice %arg15[%add3A_83, %dma_wait3A_102] : memref<81920x32xbf16, #tpu.memory_space<hbm>> -> memref<1280x32xbf16, #tpu.memory_space<hbm>>
      tpu.wait_dma2 semaphore(%run_scoped3A : memref<!tpu.dma_semaphore, #tpu.memory_space<semaphore_mem>>) src(%arg23 : memref<1280x32xbf16, #tpu.memory_space<vmem>>) dst(%dma_wait3A_103 : memref<1280x32xbf16, #tpu.memory_space<hbm>>)
      tpu.yield
    }) : () -> ()
    return
  }
}

module attributes {stable_mosaic.version = 14 : i64} {
  func.func @body(%arg0: i32, %arg1: memref<32x65536xf32, #tpu.memory_space<vmem>>, %arg2: memref<128x128xf32, #tpu.memory_space<vmem>>, %arg3: memref<16384x128xbf16, #tpu.memory_space<vmem>>) attributes {dimension_semantics = [#tpu.dimension_semantics<arbitrary>], iteration_bounds = array<i64: 16>, scalar_prefetch = 0 : i64, scratch_operands = 0 : i64, tpu.core_type = #tpu.core_type<tc>, window_params = [{transform_indices = @transform_0, window_bounds = array<i64: 32, 65536>}, {pipeline_mode = #tpu.pipeline_mode<synchronous>, transform_indices = @transform_1, window_bounds = array<i64: 128, 128>}, {transform_indices = @transform_2, window_bounds = array<i64: 16384, 128>}]} {
    %lt3A = arith.constant 15 : i32
    %lt3A_0 = arith.cmpi slt, %arg0, %lt3A : i32
    %convert_element_type3A = arith.extui %lt3A_0 : i1 to i32
    %cond3A = arith.constant 0 : i32
    %cond3A_1 = arith.cmpi ne, %convert_element_type3A, %cond3A : i32
    scf.if %cond3A_1 {
      %get3A = arith.constant 0 : index
      %get3A_6 = arith.constant 0 : index
      %get3A_7 = vector.load %arg1[%get3A, %get3A_6] : memref<32x65536xf32, #tpu.memory_space<vmem>>, vector<32x16384xf32>
      %get3A_8 = arith.constant 0 : index
      %get3A_9 = arith.constant 16384 : index
      %get3A_10 = vector.load %arg1[%get3A_8, %get3A_9] : memref<32x65536xf32, #tpu.memory_space<vmem>>, vector<32x16384xf32>
      %get3A_11 = arith.constant 0 : index
      %get3A_12 = arith.constant 32768 : index
      %get3A_13 = vector.load %arg1[%get3A_11, %get3A_12] : memref<32x65536xf32, #tpu.memory_space<vmem>>, vector<32x16384xf32>
      %get3A_14 = arith.constant 0 : index
      %get3A_15 = arith.constant 49152 : index
      %get3A_16 = vector.load %arg1[%get3A_14, %get3A_15] : memref<32x65536xf32, #tpu.memory_space<vmem>>, vector<32x16384xf32>
      %concatenate3A = tpu.concatenate %get3A_7, %get3A_10, %get3A_13, %get3A_16 in 0 : vector<32x16384xf32>, vector<32x16384xf32>, vector<32x16384xf32>, vector<32x16384xf32> -> vector<128x16384xf32>
      %get3A_17 = arith.constant 0 : index
      %get3A_18 = arith.constant 0 : index
      %get3A_19 = vector.load %arg2[%get3A_17, %get3A_18] : memref<128x128xf32, #tpu.memory_space<vmem>>, vector<128x128xf32>
      %dot_general3A = arith.constant dense<0.000000e+00> : vector<16384x128xf32>
      %dot_general3A_20 = tpu.matmul %concatenate3A, %get3A_19, %dot_general3A {dimension_numbers = #tpu.dot_dimension_numbers<[0], [0], [1], [1], [0, 1, 1, 1], [], []>, transpose_lhs_hint = false} : vector<128x16384xf32>, vector<128x128xf32>, vector<16384x128xf32> -> vector<16384x128xf32>
      %convert_element_type3A_21 = arith.truncf %dot_general3A_20 : vector<16384x128xf32> to vector<16384x128xbf16>
      %swap3A = arith.constant 0 : index
      %swap3A_22 = arith.constant 0 : index
      %swap3A_23 = vector.load %arg3[%swap3A, %swap3A_22] : memref<16384x128xbf16, #tpu.memory_space<vmem>>, vector<16384x128xbf16>
      tpu.vector_store %arg3[%swap3A, %swap3A_22], %convert_element_type3A_21 {strides = array<i32>} : memref<16384x128xbf16, #tpu.memory_space<vmem>>, vector<16384x128xbf16>,
    } else {
    }
    %eq3A = arith.constant 15 : i32
    %eq3A_2 = arith.cmpi eq, %arg0, %eq3A : i32
    %convert_element_type3A_3 = arith.extui %eq3A_2 : i1 to i32
    %cond3A_4 = arith.constant 0 : i32
    %cond3A_5 = arith.cmpi ne, %convert_element_type3A_3, %cond3A_4 : i32
    scf.if %cond3A_5 {
      %get3A = arith.constant 0 : index
      %get3A_6 = arith.constant 0 : index
      %get3A_7 = vector.load %arg1[%get3A, %get3A_6] : memref<32x65536xf32, #tpu.memory_space<vmem>>, vector<32x16384xf32>
      %get3A_8 = arith.constant 0 : index
      %get3A_9 = arith.constant 16384 : index
      %get3A_10 = vector.load %arg1[%get3A_8, %get3A_9] : memref<32x65536xf32, #tpu.memory_space<vmem>>, vector<32x16384xf32>
      %get3A_11 = arith.constant 0 : index
      %get3A_12 = arith.constant 32768 : index
      %get3A_13 = vector.load %arg1[%get3A_11, %get3A_12] : memref<32x65536xf32, #tpu.memory_space<vmem>>, vector<32x16384xf32>
      %get3A_14 = arith.constant 0 : index
      %get3A_15 = arith.constant 49152 : index
      %get3A_16 = vector.load %arg1[%get3A_14, %get3A_15] : memref<32x65536xf32, #tpu.memory_space<vmem>>, vector<32x16384xf32>
      %concatenate3A = tpu.concatenate %get3A_7, %get3A_10, %get3A_13, %get3A_16 in 0 : vector<32x16384xf32>, vector<32x16384xf32>, vector<32x16384xf32>, vector<32x16384xf32> -> vector<128x16384xf32>
      %iota3A = tpu.iota {dimensions = array<i32: 0>} : vector<128x16384xi32>
      %iota3A_17 = tpu.iota {dimensions = array<i32: 1>} : vector<128x16384xi32>
      %jit3A = arith.constant 32 : i32
      %div3A = vector.broadcast %jit3A : i32 to vector<128x16384xi32>
      %div3A_18 = arith.divsi %iota3A, %div3A : vector<128x16384xi32>
      %sign3A = arith.constant 0 : i32
      %sign3A_19 = vector.broadcast %sign3A : i32 to vector<128x16384xi32>
      %sign3A_20 = arith.cmpi sgt, %iota3A, %sign3A_19 : vector<128x16384xi32>
      %sign3A_21 = arith.extui %sign3A_20 : vector<128x16384xi1> to vector<128x16384xi32>
      %sign3A_22 = arith.constant 0 : i32
      %sign3A_23 = vector.broadcast %sign3A_22 : i32 to vector<128x16384xi32>
      %sign3A_24 = arith.cmpi slt, %iota3A, %sign3A_23 : vector<128x16384xi32>
      %sign3A_25 = arith.extui %sign3A_24 : vector<128x16384xi1> to vector<128x16384xi32>
      %sign3A_26 = arith.subi %sign3A_21, %sign3A_25 : vector<128x16384xi32>
      %sign3A_27 = arith.constant 0 : i32
      %sign3A_28 = arith.cmpi sgt, %jit3A, %sign3A_27 : i32
      %sign3A_29 = arith.extui %sign3A_28 : i1 to i32
      %sign3A_30 = arith.constant 0 : i32
      %sign3A_31 = arith.cmpi slt, %jit3A, %sign3A_30 : i32
      %sign3A_32 = arith.extui %sign3A_31 : i1 to i32
      %sign3A_33 = arith.subi %sign3A_29, %sign3A_32 : i32
      %ne3A = vector.broadcast %sign3A_33 : i32 to vector<128x16384xi32>
      %ne3A_34 = arith.cmpi ne, %sign3A_26, %ne3A : vector<128x16384xi32>
      %rem3A = vector.broadcast %jit3A : i32 to vector<128x16384xi32>
      %rem3A_35 = arith.remsi %iota3A, %rem3A : vector<128x16384xi32>
      %ne3A_36 = arith.constant 0 : i32
      %ne3A_37 = vector.broadcast %ne3A_36 : i32 to vector<128x16384xi32>
      %ne3A_38 = arith.cmpi ne, %rem3A_35, %ne3A_37 : vector<128x16384xi32>
      %and3A = arith.andi %ne3A_34, %ne3A_38 : vector<128x16384xi1>
      %sub3A = arith.constant 1 : i32
      %sub3A_39 = vector.broadcast %sub3A : i32 to vector<128x16384xi32>
      %sub3A_40 = arith.subi %div3A_18, %sub3A_39 : vector<128x16384xi32>
      %select_n3A = arith.select %and3A, %sub3A_40, %div3A_18 : vector<128x16384xi1>, vector<128x16384xi32>
      %mul3A = arith.constant 16384 : i32
      %mul3A_41 = vector.broadcast %mul3A : i32 to vector<128x16384xi32>
      %mul3A_42 = arith.muli %select_n3A, %mul3A_41 : vector<128x16384xi32>
      %add3A = arith.addi %mul3A_42, %iota3A_17 : vector<128x16384xi32>
      %lt3A_43 = arith.constant 16960 : i32
      %lt3A_44 = vector.broadcast %lt3A_43 : i32 to vector<128x16384xi32>
      %lt3A_45 = arith.cmpi slt, %add3A, %lt3A_44 : vector<128x16384xi32>
      %jit3A_46 = arith.constant 0.000000e+00 : f32
      %broadcast_in_dim3A = vector.broadcast %jit3A_46 : f32 to vector<128x16384xf32>
      %select_n3A_47 = arith.select %lt3A_45, %concatenate3A, %broadcast_in_dim3A : vector<128x16384xi1>, vector<128x16384xf32>
      %get3A_48 = arith.constant 0 : index
      %get3A_49 = arith.constant 0 : index
      %get3A_50 = vector.load %arg2[%get3A_48, %get3A_49] : memref<128x128xf32, #tpu.memory_space<vmem>>, vector<128x128xf32>
      %dot_general3A = arith.constant dense<0.000000e+00> : vector<16384x128xf32>
      %dot_general3A_51 = tpu.matmul %select_n3A_47, %get3A_50, %dot_general3A {dimension_numbers = #tpu.dot_dimension_numbers<[0], [0], [1], [1], [0, 1, 1, 1], [], []>, transpose_lhs_hint = false} : vector<128x16384xf32>, vector<128x128xf32>, vector<16384x128xf32> -> vector<16384x128xf32>
      %convert_element_type3A_52 = arith.truncf %dot_general3A_51 : vector<16384x128xf32> to vector<16384x128xbf16>
      %swap3A = arith.constant 0 : index
      %swap3A_53 = arith.constant 0 : index
      %swap3A_54 = vector.load %arg3[%swap3A, %swap3A_53] : memref<16384x128xbf16, #tpu.memory_space<vmem>>, vector<16384x128xbf16>
      tpu.vector_store %arg3[%swap3A, %swap3A_53], %convert_element_type3A_52 {strides = array<i32>} : memref<16384x128xbf16, #tpu.memory_space<vmem>>, vector<16384x128xbf16>,
    } else {
    }
    return
  }
  func.func @transform_0(%arg0: i32) -> (i32, i32) {
    %c0_i32 = arith.constant 0 : i32
    %c0_i32_0 = arith.constant 0 : i32
    return %c0_i32, %arg0 : i32, i32
  }
  func.func @transform_1(%arg0: i32) -> (i32, i32) {
    %c0_i32 = arith.constant 0 : i32
    %c0_i32_0 = arith.constant 0 : i32
    %c0_i32_1 = arith.constant 0 : i32
    return %c0_i32, %c0_i32_0 : i32, i32
  }
  func.func @transform_2(%arg0: i32) -> (i32, i32) {
    %c0_i32 = arith.constant 0 : i32
    %c0_i32_0 = arith.constant 0 : i32
    return %arg0, %c0_i32 : i32, i32
  }
}

module attributes {stable_mosaic.version = 14 : i64} {
  func.func @body(%arg0: i32, %arg1: memref<64x32768xf32, #tpu.memory_space<vmem>>, %arg2: memref<128x128xf32, #tpu.memory_space<vmem>>, %arg3: memref<16384x128xbf16, #tpu.memory_space<vmem>>) attributes {dimension_semantics = [#tpu.dimension_semantics<arbitrary>], iteration_bounds = array<i64: 4>, scalar_prefetch = 0 : i64, scratch_operands = 0 : i64, tpu.core_type = #tpu.core_type<tc>, window_params = [{transform_indices = @transform_0, window_bounds = array<i64: 64, 32768>}, {pipeline_mode = #tpu.pipeline_mode<synchronous>, transform_indices = @transform_1, window_bounds = array<i64: 128, 128>}, {transform_indices = @transform_2, window_bounds = array<i64: 16384, 128>}]} {
    %lt3A = arith.constant 3 : i32
    %lt3A_0 = arith.cmpi slt, %arg0, %lt3A : i32
    %convert_element_type3A = arith.extui %lt3A_0 : i1 to i32
    %cond3A = arith.constant 0 : i32
    %cond3A_1 = arith.cmpi ne, %convert_element_type3A, %cond3A : i32
    scf.if %cond3A_1 {
      %get3A = arith.constant 0 : index
      %get3A_6 = arith.constant 0 : index
      %get3A_7 = vector.load %arg1[%get3A, %get3A_6] : memref<64x32768xf32, #tpu.memory_space<vmem>>, vector<64x16384xf32>
      %get3A_8 = arith.constant 0 : index
      %get3A_9 = arith.constant 16384 : index
      %get3A_10 = vector.load %arg1[%get3A_8, %get3A_9] : memref<64x32768xf32, #tpu.memory_space<vmem>>, vector<64x16384xf32>
      %concatenate3A = tpu.concatenate %get3A_7, %get3A_10 in 0 : vector<64x16384xf32>, vector<64x16384xf32> -> vector<128x16384xf32>
      %get3A_11 = arith.constant 0 : index
      %get3A_12 = arith.constant 0 : index
      %get3A_13 = vector.load %arg2[%get3A_11, %get3A_12] : memref<128x128xf32, #tpu.memory_space<vmem>>, vector<128x128xf32>
      %dot_general3A = arith.constant dense<0.000000e+00> : vector<16384x128xf32>
      %dot_general3A_14 = tpu.matmul %concatenate3A, %get3A_13, %dot_general3A {dimension_numbers = #tpu.dot_dimension_numbers<[0], [0], [1], [1], [0, 1, 1, 1], [], []>, transpose_lhs_hint = false} : vector<128x16384xf32>, vector<128x128xf32>, vector<16384x128xf32> -> vector<16384x128xf32>
      %convert_element_type3A_15 = arith.truncf %dot_general3A_14 : vector<16384x128xf32> to vector<16384x128xbf16>
      %swap3A = arith.constant 0 : index
      %swap3A_16 = arith.constant 0 : index
      %swap3A_17 = vector.load %arg3[%swap3A, %swap3A_16] : memref<16384x128xbf16, #tpu.memory_space<vmem>>, vector<16384x128xbf16>
      tpu.vector_store %arg3[%swap3A, %swap3A_16], %convert_element_type3A_15 {strides = array<i32>} : memref<16384x128xbf16, #tpu.memory_space<vmem>>, vector<16384x128xbf16>,
    } else {
    }
    %eq3A = arith.constant 3 : i32
    %eq3A_2 = arith.cmpi eq, %arg0, %eq3A : i32
    %convert_element_type3A_3 = arith.extui %eq3A_2 : i1 to i32
    %cond3A_4 = arith.constant 0 : i32
    %cond3A_5 = arith.cmpi ne, %convert_element_type3A_3, %cond3A_4 : i32
    scf.if %cond3A_5 {
      %get3A = arith.constant 0 : index
      %get3A_6 = arith.constant 0 : index
      %get3A_7 = vector.load %arg1[%get3A, %get3A_6] : memref<64x32768xf32, #tpu.memory_space<vmem>>, vector<64x16384xf32>
      %get3A_8 = arith.constant 0 : index
      %get3A_9 = arith.constant 16384 : index
      %get3A_10 = vector.load %arg1[%get3A_8, %get3A_9] : memref<64x32768xf32, #tpu.memory_space<vmem>>, vector<64x16384xf32>
      %concatenate3A = tpu.concatenate %get3A_7, %get3A_10 in 0 : vector<64x16384xf32>, vector<64x16384xf32> -> vector<128x16384xf32>
      %iota3A = tpu.iota {dimensions = array<i32: 0>} : vector<128x16384xi32>
      %iota3A_11 = tpu.iota {dimensions = array<i32: 1>} : vector<128x16384xi32>
      %jit3A = arith.constant 64 : i32
      %div3A = vector.broadcast %jit3A : i32 to vector<128x16384xi32>
      %div3A_12 = arith.divsi %iota3A, %div3A : vector<128x16384xi32>
      %sign3A = arith.constant 0 : i32
      %sign3A_13 = vector.broadcast %sign3A : i32 to vector<128x16384xi32>
      %sign3A_14 = arith.cmpi sgt, %iota3A, %sign3A_13 : vector<128x16384xi32>
      %sign3A_15 = arith.extui %sign3A_14 : vector<128x16384xi1> to vector<128x16384xi32>
      %sign3A_16 = arith.constant 0 : i32
      %sign3A_17 = vector.broadcast %sign3A_16 : i32 to vector<128x16384xi32>
      %sign3A_18 = arith.cmpi slt, %iota3A, %sign3A_17 : vector<128x16384xi32>
      %sign3A_19 = arith.extui %sign3A_18 : vector<128x16384xi1> to vector<128x16384xi32>
      %sign3A_20 = arith.subi %sign3A_15, %sign3A_19 : vector<128x16384xi32>
      %sign3A_21 = arith.constant 0 : i32
      %sign3A_22 = arith.cmpi sgt, %jit3A, %sign3A_21 : i32
      %sign3A_23 = arith.extui %sign3A_22 : i1 to i32
      %sign3A_24 = arith.constant 0 : i32
      %sign3A_25 = arith.cmpi slt, %jit3A, %sign3A_24 : i32
      %sign3A_26 = arith.extui %sign3A_25 : i1 to i32
      %sign3A_27 = arith.subi %sign3A_23, %sign3A_26 : i32
      %ne3A = vector.broadcast %sign3A_27 : i32 to vector<128x16384xi32>
      %ne3A_28 = arith.cmpi ne, %sign3A_20, %ne3A : vector<128x16384xi32>
      %rem3A = vector.broadcast %jit3A : i32 to vector<128x16384xi32>
      %rem3A_29 = arith.remsi %iota3A, %rem3A : vector<128x16384xi32>
      %ne3A_30 = arith.constant 0 : i32
      %ne3A_31 = vector.broadcast %ne3A_30 : i32 to vector<128x16384xi32>
      %ne3A_32 = arith.cmpi ne, %rem3A_29, %ne3A_31 : vector<128x16384xi32>
      %and3A = arith.andi %ne3A_28, %ne3A_32 : vector<128x16384xi1>
      %sub3A = arith.constant 1 : i32
      %sub3A_33 = vector.broadcast %sub3A : i32 to vector<128x16384xi32>
      %sub3A_34 = arith.subi %div3A_12, %sub3A_33 : vector<128x16384xi32>
      %select_n3A = arith.select %and3A, %sub3A_34, %div3A_12 : vector<128x16384xi1>, vector<128x16384xi32>
      %mul3A = arith.constant 16384 : i32
      %mul3A_35 = vector.broadcast %mul3A : i32 to vector<128x16384xi32>
      %mul3A_36 = arith.muli %select_n3A, %mul3A_35 : vector<128x16384xi32>
      %add3A = arith.addi %mul3A_36, %iota3A_11 : vector<128x16384xi32>
      %lt3A_37 = arith.constant 1696 : i32
      %lt3A_38 = vector.broadcast %lt3A_37 : i32 to vector<128x16384xi32>
      %lt3A_39 = arith.cmpi slt, %add3A, %lt3A_38 : vector<128x16384xi32>
      %jit3A_40 = arith.constant 0.000000e+00 : f32
      %broadcast_in_dim3A = vector.broadcast %jit3A_40 : f32 to vector<128x16384xf32>
      %select_n3A_41 = arith.select %lt3A_39, %concatenate3A, %broadcast_in_dim3A : vector<128x16384xi1>, vector<128x16384xf32>
      %get3A_42 = arith.constant 0 : index
      %get3A_43 = arith.constant 0 : index
      %get3A_44 = vector.load %arg2[%get3A_42, %get3A_43] : memref<128x128xf32, #tpu.memory_space<vmem>>, vector<128x128xf32>
      %dot_general3A = arith.constant dense<0.000000e+00> : vector<16384x128xf32>
      %dot_general3A_45 = tpu.matmul %select_n3A_41, %get3A_44, %dot_general3A {dimension_numbers = #tpu.dot_dimension_numbers<[0], [0], [1], [1], [0, 1, 1, 1], [], []>, transpose_lhs_hint = false} : vector<128x16384xf32>, vector<128x128xf32>, vector<16384x128xf32> -> vector<16384x128xf32>
      %convert_element_type3A_46 = arith.truncf %dot_general3A_45 : vector<16384x128xf32> to vector<16384x128xbf16>
      %swap3A = arith.constant 0 : index
      %swap3A_47 = arith.constant 0 : index
      %swap3A_48 = vector.load %arg3[%swap3A, %swap3A_47] : memref<16384x128xbf16, #tpu.memory_space<vmem>>, vector<16384x128xbf16>
      tpu.vector_store %arg3[%swap3A, %swap3A_47], %convert_element_type3A_46 {strides = array<i32>} : memref<16384x128xbf16, #tpu.memory_space<vmem>>, vector<16384x128xbf16>,
    } else {
    }
    return
  }
  func.func @transform_0(%arg0: i32) -> (i32, i32) {
    %c0_i32 = arith.constant 0 : i32
    %c0_i32_0 = arith.constant 0 : i32
    return %c0_i32, %arg0 : i32, i32
  }
  func.func @transform_1(%arg0: i32) -> (i32, i32) {
    %c0_i32 = arith.constant 0 : i32
    %c0_i32_0 = arith.constant 0 : i32
    %c0_i32_1 = arith.constant 0 : i32
    return %c0_i32, %c0_i32_0 : i32, i32
  }
  func.func @transform_2(%arg0: i32) -> (i32, i32) {
    %c0_i32 = arith.constant 0 : i32
    %c0_i32_0 = arith.constant 0 : i32
    return %arg0, %c0_i32 : i32, i32
  }
}

module attributes {stable_mosaic.version = 14 : i64} {
  func.func @body(%arg0: i32, %arg1: memref<32x65536xf32, #tpu.memory_space<vmem>>, %arg2: memref<128x128xf32, #tpu.memory_space<vmem>>, %arg3: memref<16384x128xbf16, #tpu.memory_space<vmem>>) attributes {dimension_semantics = [#tpu.dimension_semantics<arbitrary>], iteration_bounds = array<i64: 2>, scalar_prefetch = 0 : i64, scratch_operands = 0 : i64, tpu.core_type = #tpu.core_type<tc>, window_params = [{transform_indices = @transform_0, window_bounds = array<i64: 32, 65536>}, {pipeline_mode = #tpu.pipeline_mode<synchronous>, transform_indices = @transform_1, window_bounds = array<i64: 128, 128>}, {transform_indices = @transform_2, window_bounds = array<i64: 16384, 128>}]} {
    %lt3A = arith.constant 1 : i32
    %lt3A_0 = arith.cmpi slt, %arg0, %lt3A : i32
    %convert_element_type3A = arith.extui %lt3A_0 : i1 to i32
    %cond3A = arith.constant 0 : i32
    %cond3A_1 = arith.cmpi ne, %convert_element_type3A, %cond3A : i32
    scf.if %cond3A_1 {
      %get3A = arith.constant 0 : index
      %get3A_6 = arith.constant 0 : index
      %get3A_7 = vector.load %arg1[%get3A, %get3A_6] : memref<32x65536xf32, #tpu.memory_space<vmem>>, vector<32x16384xf32>
      %get3A_8 = arith.constant 0 : index
      %get3A_9 = arith.constant 16384 : index
      %get3A_10 = vector.load %arg1[%get3A_8, %get3A_9] : memref<32x65536xf32, #tpu.memory_space<vmem>>, vector<32x16384xf32>
      %get3A_11 = arith.constant 0 : index
      %get3A_12 = arith.constant 32768 : index
      %get3A_13 = vector.load %arg1[%get3A_11, %get3A_12] : memref<32x65536xf32, #tpu.memory_space<vmem>>, vector<32x16384xf32>
      %get3A_14 = arith.constant 0 : index
      %get3A_15 = arith.constant 49152 : index
      %get3A_16 = vector.load %arg1[%get3A_14, %get3A_15] : memref<32x65536xf32, #tpu.memory_space<vmem>>, vector<32x16384xf32>
      %concatenate3A = tpu.concatenate %get3A_7, %get3A_10, %get3A_13, %get3A_16 in 0 : vector<32x16384xf32>, vector<32x16384xf32>, vector<32x16384xf32>, vector<32x16384xf32> -> vector<128x16384xf32>
      %get3A_17 = arith.constant 0 : index
      %get3A_18 = arith.constant 0 : index
      %get3A_19 = vector.load %arg2[%get3A_17, %get3A_18] : memref<128x128xf32, #tpu.memory_space<vmem>>, vector<128x128xf32>
      %dot_general3A = arith.constant dense<0.000000e+00> : vector<16384x128xf32>
      %dot_general3A_20 = tpu.matmul %concatenate3A, %get3A_19, %dot_general3A {dimension_numbers = #tpu.dot_dimension_numbers<[0], [0], [1], [1], [0, 1, 1, 1], [], []>, transpose_lhs_hint = false} : vector<128x16384xf32>, vector<128x128xf32>, vector<16384x128xf32> -> vector<16384x128xf32>
      %convert_element_type3A_21 = arith.truncf %dot_general3A_20 : vector<16384x128xf32> to vector<16384x128xbf16>
      %swap3A = arith.constant 0 : index
      %swap3A_22 = arith.constant 0 : index
      %swap3A_23 = vector.load %arg3[%swap3A, %swap3A_22] : memref<16384x128xbf16, #tpu.memory_space<vmem>>, vector<16384x128xbf16>
      tpu.vector_store %arg3[%swap3A, %swap3A_22], %convert_element_type3A_21 {strides = array<i32>} : memref<16384x128xbf16, #tpu.memory_space<vmem>>, vector<16384x128xbf16>,
    } else {
    }
    %eq3A = arith.constant 1 : i32
    %eq3A_2 = arith.cmpi eq, %arg0, %eq3A : i32
    %convert_element_type3A_3 = arith.extui %eq3A_2 : i1 to i32
    %cond3A_4 = arith.constant 0 : i32
    %cond3A_5 = arith.cmpi ne, %convert_element_type3A_3, %cond3A_4 : i32
    scf.if %cond3A_5 {
      %get3A = arith.constant 0 : index
      %get3A_6 = arith.constant 0 : index
      %get3A_7 = vector.load %arg1[%get3A, %get3A_6] : memref<32x65536xf32, #tpu.memory_space<vmem>>, vector<32x16384xf32>
      %get3A_8 = arith.constant 0 : index
      %get3A_9 = arith.constant 16384 : index
      %get3A_10 = vector.load %arg1[%get3A_8, %get3A_9] : memref<32x65536xf32, #tpu.memory_space<vmem>>, vector<32x16384xf32>
      %get3A_11 = arith.constant 0 : index
      %get3A_12 = arith.constant 32768 : index
      %get3A_13 = vector.load %arg1[%get3A_11, %get3A_12] : memref<32x65536xf32, #tpu.memory_space<vmem>>, vector<32x16384xf32>
      %get3A_14 = arith.constant 0 : index
      %get3A_15 = arith.constant 49152 : index
      %get3A_16 = vector.load %arg1[%get3A_14, %get3A_15] : memref<32x65536xf32, #tpu.memory_space<vmem>>, vector<32x16384xf32>
      %concatenate3A = tpu.concatenate %get3A_7, %get3A_10, %get3A_13, %get3A_16 in 0 : vector<32x16384xf32>, vector<32x16384xf32>, vector<32x16384xf32>, vector<32x16384xf32> -> vector<128x16384xf32>
      %iota3A = tpu.iota {dimensions = array<i32: 0>} : vector<128x16384xi32>
      %iota3A_17 = tpu.iota {dimensions = array<i32: 1>} : vector<128x16384xi32>
      %jit3A = arith.constant 32 : i32
      %div3A = vector.broadcast %jit3A : i32 to vector<128x16384xi32>
      %div3A_18 = arith.divsi %iota3A, %div3A : vector<128x16384xi32>
      %sign3A = arith.constant 0 : i32
      %sign3A_19 = vector.broadcast %sign3A : i32 to vector<128x16384xi32>
      %sign3A_20 = arith.cmpi sgt, %iota3A, %sign3A_19 : vector<128x16384xi32>
      %sign3A_21 = arith.extui %sign3A_20 : vector<128x16384xi1> to vector<128x16384xi32>
      %sign3A_22 = arith.constant 0 : i32
      %sign3A_23 = vector.broadcast %sign3A_22 : i32 to vector<128x16384xi32>
      %sign3A_24 = arith.cmpi slt, %iota3A, %sign3A_23 : vector<128x16384xi32>
      %sign3A_25 = arith.extui %sign3A_24 : vector<128x16384xi1> to vector<128x16384xi32>
      %sign3A_26 = arith.subi %sign3A_21, %sign3A_25 : vector<128x16384xi32>
      %sign3A_27 = arith.constant 0 : i32
      %sign3A_28 = arith.cmpi sgt, %jit3A, %sign3A_27 : i32
      %sign3A_29 = arith.extui %sign3A_28 : i1 to i32
      %sign3A_30 = arith.constant 0 : i32
      %sign3A_31 = arith.cmpi slt, %jit3A, %sign3A_30 : i32
      %sign3A_32 = arith.extui %sign3A_31 : i1 to i32
      %sign3A_33 = arith.subi %sign3A_29, %sign3A_32 : i32
      %ne3A = vector.broadcast %sign3A_33 : i32 to vector<128x16384xi32>
      %ne3A_34 = arith.cmpi ne, %sign3A_26, %ne3A : vector<128x16384xi32>
      %rem3A = vector.broadcast %jit3A : i32 to vector<128x16384xi32>
      %rem3A_35 = arith.remsi %iota3A, %rem3A : vector<128x16384xi32>
      %ne3A_36 = arith.constant 0 : i32
      %ne3A_37 = vector.broadcast %ne3A_36 : i32 to vector<128x16384xi32>
      %ne3A_38 = arith.cmpi ne, %rem3A_35, %ne3A_37 : vector<128x16384xi32>
      %and3A = arith.andi %ne3A_34, %ne3A_38 : vector<128x16384xi1>
      %sub3A = arith.constant 1 : i32
      %sub3A_39 = vector.broadcast %sub3A : i32 to vector<128x16384xi32>
      %sub3A_40 = arith.subi %div3A_18, %sub3A_39 : vector<128x16384xi32>
      %select_n3A = arith.select %and3A, %sub3A_40, %div3A_18 : vector<128x16384xi1>, vector<128x16384xi32>
      %mul3A = arith.constant 16384 : i32
      %mul3A_41 = vector.broadcast %mul3A : i32 to vector<128x16384xi32>
      %mul3A_42 = arith.muli %select_n3A, %mul3A_41 : vector<128x16384xi32>
      %add3A = arith.addi %mul3A_42, %iota3A_17 : vector<128x16384xi32>
      %lt3A_43 = arith.constant 34560 : i32
      %lt3A_44 = vector.broadcast %lt3A_43 : i32 to vector<128x16384xi32>
      %lt3A_45 = arith.cmpi slt, %add3A, %lt3A_44 : vector<128x16384xi32>
      %jit3A_46 = arith.constant 0.000000e+00 : f32
      %broadcast_in_dim3A = vector.broadcast %jit3A_46 : f32 to vector<128x16384xf32>
      %select_n3A_47 = arith.select %lt3A_45, %concatenate3A, %broadcast_in_dim3A : vector<128x16384xi1>, vector<128x16384xf32>
      %get3A_48 = arith.constant 0 : index
      %get3A_49 = arith.constant 0 : index
      %get3A_50 = vector.load %arg2[%get3A_48, %get3A_49] : memref<128x128xf32, #tpu.memory_space<vmem>>, vector<128x128xf32>
      %dot_general3A = arith.constant dense<0.000000e+00> : vector<16384x128xf32>
      %dot_general3A_51 = tpu.matmul %select_n3A_47, %get3A_50, %dot_general3A {dimension_numbers = #tpu.dot_dimension_numbers<[0], [0], [1], [1], [0, 1, 1, 1], [], []>, transpose_lhs_hint = false} : vector<128x16384xf32>, vector<128x128xf32>, vector<16384x128xf32> -> vector<16384x128xf32>
      %convert_element_type3A_52 = arith.truncf %dot_general3A_51 : vector<16384x128xf32> to vector<16384x128xbf16>
      %swap3A = arith.constant 0 : index
      %swap3A_53 = arith.constant 0 : index
      %swap3A_54 = vector.load %arg3[%swap3A, %swap3A_53] : memref<16384x128xbf16, #tpu.memory_space<vmem>>, vector<16384x128xbf16>
      tpu.vector_store %arg3[%swap3A, %swap3A_53], %convert_element_type3A_52 {strides = array<i32>} : memref<16384x128xbf16, #tpu.memory_space<vmem>>, vector<16384x128xbf16>,
    } else {
    }
    return
  }
  func.func @transform_0(%arg0: i32) -> (i32, i32) {
    %c0_i32 = arith.constant 0 : i32
    %c0_i32_0 = arith.constant 0 : i32
    return %c0_i32, %arg0 : i32, i32
  }
  func.func @transform_1(%arg0: i32) -> (i32, i32) {
    %c0_i32 = arith.constant 0 : i32
    %c0_i32_0 = arith.constant 0 : i32
    %c0_i32_1 = arith.constant 0 : i32
    return %c0_i32, %c0_i32_0 : i32, i32
  }
  func.func @transform_2(%arg0: i32) -> (i32, i32) {
    %c0_i32 = arith.constant 0 : i32
    %c0_i32_0 = arith.constant 0 : i32
    return %arg0, %c0_i32 : i32, i32
  }
}

module attributes {stable_mosaic.version = 14 : i64} {
  func.func @body(%arg0: i32, %arg1: memref<32x128xf32, #tpu.memory_space<vmem>>, %arg2: memref<128x128xf32, #tpu.memory_space<vmem>>, %arg3: memref<32x128xbf16, #tpu.memory_space<vmem>>) attributes {dimension_semantics = [#tpu.dimension_semantics<arbitrary>], iteration_bounds = array<i64: 1>, scalar_prefetch = 0 : i64, scratch_operands = 0 : i64, tpu.core_type = #tpu.core_type<tc>, window_params = [{transform_indices = @transform_0, window_bounds = array<i64: 32, 128>}, {pipeline_mode = #tpu.pipeline_mode<synchronous>, transform_indices = @transform_1, window_bounds = array<i64: 128, 128>}, {transform_indices = @transform_2, window_bounds = array<i64: 32, 128>}]} {
    %get3A = arith.constant 0 : index
    %get3A_0 = arith.constant 0 : index
    %get3A_1 = vector.load %arg1[%get3A, %get3A_0] : memref<32x128xf32, #tpu.memory_space<vmem>>, vector<32x32xf32>
    %get3A_2 = arith.constant 0 : index
    %get3A_3 = arith.constant 32 : index
    %get3A_4 = vector.load %arg1[%get3A_2, %get3A_3] : memref<32x128xf32, #tpu.memory_space<vmem>>, vector<32x32xf32>
    %get3A_5 = arith.constant 0 : index
    %get3A_6 = arith.constant 64 : index
    %get3A_7 = vector.load %arg1[%get3A_5, %get3A_6] : memref<32x128xf32, #tpu.memory_space<vmem>>, vector<32x32xf32>
    %get3A_8 = arith.constant 0 : index
    %get3A_9 = arith.constant 96 : index
    %get3A_10 = vector.load %arg1[%get3A_8, %get3A_9] : memref<32x128xf32, #tpu.memory_space<vmem>>, vector<32x32xf32>
    %concatenate3A = tpu.concatenate %get3A_1, %get3A_4, %get3A_7, %get3A_10 in 0 : vector<32x32xf32>, vector<32x32xf32>, vector<32x32xf32>, vector<32x32xf32> -> vector<128x32xf32>
    %get3A_11 = arith.constant 0 : index
    %get3A_12 = arith.constant 0 : index
    %get3A_13 = vector.load %arg2[%get3A_11, %get3A_12] : memref<128x128xf32, #tpu.memory_space<vmem>>, vector<128x128xf32>
    %dot_general3A = arith.constant dense<0.000000e+00> : vector<32x128xf32>
    %dot_general3A_14 = tpu.matmul %concatenate3A, %get3A_13, %dot_general3A {dimension_numbers = #tpu.dot_dimension_numbers<[0], [0], [1], [1], [0, 1, 1, 1], [], []>, transpose_lhs_hint = false} : vector<128x32xf32>, vector<128x128xf32>, vector<32x128xf32> -> vector<32x128xf32>
    %convert_element_type3A = arith.truncf %dot_general3A_14 : vector<32x128xf32> to vector<32x128xbf16>
    %swap3A = arith.constant 0 : index
    %swap3A_15 = arith.constant 0 : index
    %swap3A_16 = vector.load %arg3[%swap3A, %swap3A_15] : memref<32x128xbf16, #tpu.memory_space<vmem>>, vector<32x128xbf16>
    tpu.vector_store %arg3[%swap3A, %swap3A_15], %convert_element_type3A {strides = array<i32>} : memref<32x128xbf16, #tpu.memory_space<vmem>>, vector<32x128xbf16>,
    return
  }
  func.func @transform_0(%arg0: i32) -> (i32, i32) {
    %c0_i32 = arith.constant 0 : i32
    %c0_i32_0 = arith.constant 0 : i32
    return %c0_i32, %arg0 : i32, i32
  }
  func.func @transform_1(%arg0: i32) -> (i32, i32) {
    %c0_i32 = arith.constant 0 : i32
    %c0_i32_0 = arith.constant 0 : i32
    %c0_i32_1 = arith.constant 0 : i32
    return %c0_i32, %c0_i32_0 : i32, i32
  }
  func.func @transform_2(%arg0: i32) -> (i32, i32) {
    %c0_i32 = arith.constant 0 : i32
    %c0_i32_0 = arith.constant 0 : i32
    return %arg0, %c0_i32 : i32, i32
  }
}

module attributes {stable_mosaic.version = 14 : i64} {
  func.func @body(%arg0: i32, %arg1: memref<512x128xbf16, #tpu.memory_space<vmem>>, %arg2: memref<512x128xbf16, #tpu.memory_space<vmem>>, %arg3: memref<512x128xbf16, #tpu.memory_space<vmem>>, %arg4: memref<512x128xbf16, #tpu.memory_space<vmem>>, %arg5: memref<512x128xbf16, #tpu.memory_space<vmem>>, %arg6: memref<5x512x128xbf16, #tpu.memory_space<vmem>>, %arg7: memref<128x128xf32, #tpu.memory_space<vmem>>, %arg8: memref<1x128xf32, #tpu.memory_space<vmem>>, %arg9: memref<1x1xf32, #tpu.memory_space<vmem>>) attributes {dimension_semantics = [#tpu.dimension_semantics<arbitrary>], iteration_bounds = array<i64: 8>, scalar_prefetch = 0 : i64, scratch_operands = 0 : i64, tpu.core_type = #tpu.core_type<tc>, window_params = [{transform_indices = @transform_0, window_bounds = array<i64: 512, 128>}, {transform_indices = @transform_1, window_bounds = array<i64: 512, 128>}, {transform_indices = @transform_2, window_bounds = array<i64: 512, 128>}, {transform_indices = @transform_3, window_bounds = array<i64: 512, 128>}, {transform_indices = @transform_4, window_bounds = array<i64: 512, 128>}, {transform_indices = @transform_5, window_bounds = array<i64: 5, 512, 128>}, {pipeline_mode = #tpu.pipeline_mode<synchronous>, transform_indices = @transform_6, window_bounds = array<i64: 128, 128>}, {pipeline_mode = #tpu.pipeline_mode<synchronous>, transform_indices = @transform_7, window_bounds = array<i64: 1, 128>}, {pipeline_mode = #tpu.pipeline_mode<synchronous>, transform_indices = @transform_8, window_bounds = array<i64: 1, 1>}]} {
    %get3A = arith.constant 0 : index
    %get3A_0 = arith.constant 0 : index
    %get3A_1 = vector.load %arg1[%get3A, %get3A_0] : memref<512x128xbf16, #tpu.memory_space<vmem>>, vector<512x128xbf16>
    %convert_element_type3A = arith.extf %get3A_1 : vector<512x128xbf16> to vector<512x128xf32>
    %mul3A = arith.constant 2.000000e+00 : f32
    %mul3A_2 = vector.broadcast %mul3A : f32 to vector<512x128xf32>
    %mul3A_3 = arith.mulf %mul3A_2, %convert_element_type3A : vector<512x128xf32>
    %get3A_4 = arith.constant 0 : index
    %get3A_5 = arith.constant 0 : index
    %get3A_6 = vector.load %arg2[%get3A_4, %get3A_5] : memref<512x128xbf16, #tpu.memory_space<vmem>>, vector<512x128xbf16>
    %convert_element_type3A_7 = arith.extf %get3A_6 : vector<512x128xbf16> to vector<512x128xf32>
    %add3A = arith.addf %mul3A_3, %convert_element_type3A_7 : vector<512x128xf32>
    %get3A_8 = arith.constant 0 : index
    %get3A_9 = arith.constant 0 : index
    %get3A_10 = vector.load %arg3[%get3A_8, %get3A_9] : memref<512x128xbf16, #tpu.memory_space<vmem>>, vector<512x128xbf16>
    %convert_element_type3A_11 = arith.extf %get3A_10 : vector<512x128xbf16> to vector<512x128xf32>
    %add3A_12 = arith.addf %add3A, %convert_element_type3A_11 : vector<512x128xf32>
    %get3A_13 = arith.constant 0 : index
    %get3A_14 = arith.constant 0 : index
    %get3A_15 = vector.load %arg7[%get3A_13, %get3A_14] : memref<128x128xf32, #tpu.memory_space<vmem>>, vector<128x128xf32>
    %dot_general3A = arith.constant dense<0.000000e+00> : vector<512x128xf32>
    %dot_general3A_16 = tpu.matmul %add3A_12, %get3A_15, %dot_general3A {dimension_numbers = #tpu.dot_dimension_numbers<[1], [0], [0], [1], [0, 0, 1, 1], [], []>, transpose_lhs_hint = false} : vector<512x128xf32>, vector<128x128xf32>, vector<512x128xf32> -> vector<512x128xf32>
    %get3A_17 = arith.constant 0 : index
    %get3A_18 = arith.constant 0 : index
    %get3A_19 = vector.load %arg8[%get3A_17, %get3A_18] : memref<1x128xf32, #tpu.memory_space<vmem>>, vector<1x128xf32>
    %add3A_20 = vector.broadcast %get3A_19 : vector<1x128xf32> to vector<512x128xf32>
    %add3A_21 = arith.addf %dot_general3A_16, %add3A_20 : vector<512x128xf32>
    %get3A_22 = arith.constant 0 : index
    %get3A_23 = arith.constant 0 : index
    %get3A_24 = vector.load %arg5[%get3A_22, %get3A_23] : memref<512x128xbf16, #tpu.memory_space<vmem>>, vector<512x128xbf16>
    %convert_element_type3A_25 = arith.extf %get3A_24 : vector<512x128xbf16> to vector<512x128xf32>
    %add3A_26 = arith.addf %add3A_21, %convert_element_type3A_25 : vector<512x128xf32>
    %add3A_27 = arith.constant 9.99999997E-7 : f32
    %add3A_28 = vector.broadcast %add3A_27 : f32 to vector<512x128xf32>
    %add3A_29 = arith.addf %add3A_26, %add3A_28 : vector<512x128xf32>
    %iota3A = tpu.iota {dimensions = array<i32: 0>} : vector<128x4xi32>
    %jit3A = arith.constant 32 : i32
    %div3A = vector.broadcast %jit3A : i32 to vector<128x4xi32>
    %div3A_30 = arith.divsi %iota3A, %div3A : vector<128x4xi32>
    %sign3A = arith.constant 0 : i32
    %sign3A_31 = vector.broadcast %sign3A : i32 to vector<128x4xi32>
    %sign3A_32 = arith.cmpi sgt, %iota3A, %sign3A_31 : vector<128x4xi32>
    %sign3A_33 = arith.extui %sign3A_32 : vector<128x4xi1> to vector<128x4xi32>
    %sign3A_34 = arith.constant 0 : i32
    %sign3A_35 = vector.broadcast %sign3A_34 : i32 to vector<128x4xi32>
    %sign3A_36 = arith.cmpi slt, %iota3A, %sign3A_35 : vector<128x4xi32>
    %sign3A_37 = arith.extui %sign3A_36 : vector<128x4xi1> to vector<128x4xi32>
    %sign3A_38 = arith.subi %sign3A_33, %sign3A_37 : vector<128x4xi32>
    %sign3A_39 = arith.constant 0 : i32
    %sign3A_40 = arith.cmpi sgt, %jit3A, %sign3A_39 : i32
    %sign3A_41 = arith.extui %sign3A_40 : i1 to i32
    %sign3A_42 = arith.constant 0 : i32
    %sign3A_43 = arith.cmpi slt, %jit3A, %sign3A_42 : i32
    %sign3A_44 = arith.extui %sign3A_43 : i1 to i32
    %sign3A_45 = arith.subi %sign3A_41, %sign3A_44 : i32
    %ne3A = vector.broadcast %sign3A_45 : i32 to vector<128x4xi32>
    %ne3A_46 = arith.cmpi ne, %sign3A_38, %ne3A : vector<128x4xi32>
    %rem3A = vector.broadcast %jit3A : i32 to vector<128x4xi32>
    %rem3A_47 = arith.remsi %iota3A, %rem3A : vector<128x4xi32>
    %ne3A_48 = arith.constant 0 : i32
    %ne3A_49 = vector.broadcast %ne3A_48 : i32 to vector<128x4xi32>
    %ne3A_50 = arith.cmpi ne, %rem3A_47, %ne3A_49 : vector<128x4xi32>
    %and3A = arith.andi %ne3A_46, %ne3A_50 : vector<128x4xi1>
    %sub3A = arith.constant 1 : i32
    %sub3A_51 = vector.broadcast %sub3A : i32 to vector<128x4xi32>
    %sub3A_52 = arith.subi %div3A_30, %sub3A_51 : vector<128x4xi32>
    %select_n3A = arith.select %and3A, %sub3A_52, %div3A_30 : vector<128x4xi1>, vector<128x4xi32>
    %iota3A_53 = tpu.iota {dimensions = array<i32: 1>} : vector<128x4xi32>
    %eq3A = arith.cmpi eq, %select_n3A, %iota3A_53 : vector<128x4xi32>
    %convert_element_type3A_54 = arith.extui %eq3A : vector<128x4xi1> to vector<128x4xi32>
    %convert_element_type3A_55 = arith.sitofp %convert_element_type3A_54 : vector<128x4xi32> to vector<128x4xf32>
    %get3A_56 = arith.constant 0 : index
    %get3A_57 = arith.constant 0 : index
    %get3A_58 = vector.load %arg4[%get3A_56, %get3A_57] : memref<512x128xbf16, #tpu.memory_space<vmem>>, vector<512x128xbf16>
    %convert_element_type3A_59 = arith.extf %get3A_58 : vector<512x128xbf16> to vector<512x128xf32>
    %sub3A_60 = arith.subf %add3A_29, %convert_element_type3A_59 : vector<512x128xf32>
    %mul3A_61 = arith.mulf %sub3A_60, %sub3A_60 : vector<512x128xf32>
    %dot_general3A_62 = arith.constant dense<0.000000e+00> : vector<512x4xf32>
    %dot_general3A_63 = tpu.matmul %mul3A_61, %convert_element_type3A_55, %dot_general3A_62 {dimension_numbers = #tpu.dot_dimension_numbers<[1], [0], [0], [1], [0, 0, 1, 1], [], []>, transpose_lhs_hint = false} : vector<512x128xf32>, vector<128x4xf32>, vector<512x4xf32> -> vector<512x4xf32>
    %sqrt3A = math.sqrt %dot_general3A_63 : vector<512x4xf32>
    %get3A_64 = arith.constant 0 : index
    %get3A_65 = arith.constant 0 : index
    %get3A_66 = arith.constant 0 : index
    %get3A_67 = vector.load %arg6[%get3A_64, %get3A_65, %get3A_66] : memref<5x512x128xbf16, #tpu.memory_space<vmem>>, vector<1x512x128xbf16>
    %get3A_68 = vector.shape_cast %get3A_67 : vector<1x512x128xbf16> to vector<512x128xbf16>
    %convert_element_type3A_69 = arith.extf %get3A_68 : vector<512x128xbf16> to vector<512x128xf32>
    %sub3A_70 = arith.subf %add3A_29, %convert_element_type3A_69 : vector<512x128xf32>
    %mul3A_71 = arith.mulf %sub3A_70, %sub3A_70 : vector<512x128xf32>
    %dot_general3A_72 = arith.constant dense<0.000000e+00> : vector<512x4xf32>
    %dot_general3A_73 = tpu.matmul %mul3A_71, %convert_element_type3A_55, %dot_general3A_72 {dimension_numbers = #tpu.dot_dimension_numbers<[1], [0], [0], [1], [0, 0, 1, 1], [], []>, transpose_lhs_hint = false} : vector<512x128xf32>, vector<128x4xf32>, vector<512x4xf32> -> vector<512x4xf32>
    %sqrt3A_74 = math.sqrt %dot_general3A_73 : vector<512x4xf32>
    %sub3A_75 = arith.subf %sqrt3A, %sqrt3A_74 : vector<512x4xf32>
    %add3A_76 = arith.constant 1.000000e+00 : f32
    %add3A_77 = vector.broadcast %add3A_76 : f32 to vector<512x4xf32>
    %add3A_78 = arith.addf %sub3A_75, %add3A_77 : vector<512x4xf32>
    %max3A = arith.constant 0.000000e+00 : f32
    %max3A_79 = vector.broadcast %max3A : f32 to vector<512x4xf32>
    %max3A_80 = arith.maximumf %add3A_78, %max3A_79 : vector<512x4xf32>
    %reduce_sum3A = vector.shape_cast %max3A_80 : vector<512x4xf32> to vector<1x512x4xf32>
    %reduce_sum3A_81 = arith.constant dense<0.000000e+00> : vector<1xf32>
    %reduce_sum3A_82 = vector.multi_reduction <add>, %reduce_sum3A, %reduce_sum3A_81 [1, 2] : vector<1x512x4xf32> to vector<1xf32>
    %reduce_sum3A_83 = vector.shape_cast %reduce_sum3A_82 : vector<1xf32> to vector<1x1x1xf32>
    %reduce_sum3A_84 = vector.extract %reduce_sum3A_83[0, 0, 0] : f32 from vector<1x1x1xf32>
    %add3A_85 = arith.constant 0.000000e+00 : f32
    %add3A_86 = arith.addf %add3A_85, %reduce_sum3A_84 : f32
    %get3A_87 = arith.constant 1 : index
    %get3A_88 = arith.constant 0 : index
    %get3A_89 = arith.constant 0 : index
    %get3A_90 = vector.load %arg6[%get3A_87, %get3A_88, %get3A_89] : memref<5x512x128xbf16, #tpu.memory_space<vmem>>, vector<1x512x128xbf16>
    %get3A_91 = vector.shape_cast %get3A_90 : vector<1x512x128xbf16> to vector<512x128xbf16>
    %convert_element_type3A_92 = arith.extf %get3A_91 : vector<512x128xbf16> to vector<512x128xf32>
    %sub3A_93 = arith.subf %add3A_29, %convert_element_type3A_92 : vector<512x128xf32>
    %mul3A_94 = arith.mulf %sub3A_93, %sub3A_93 : vector<512x128xf32>
    %dot_general3A_95 = arith.constant dense<0.000000e+00> : vector<512x4xf32>
    %dot_general3A_96 = tpu.matmul %mul3A_94, %convert_element_type3A_55, %dot_general3A_95 {dimension_numbers = #tpu.dot_dimension_numbers<[1], [0], [0], [1], [0, 0, 1, 1], [], []>, transpose_lhs_hint = false} : vector<512x128xf32>, vector<128x4xf32>, vector<512x4xf32> -> vector<512x4xf32>
    %sqrt3A_97 = math.sqrt %dot_general3A_96 : vector<512x4xf32>
    %sub3A_98 = arith.subf %sqrt3A, %sqrt3A_97 : vector<512x4xf32>
    %add3A_99 = arith.constant 1.000000e+00 : f32
    %add3A_100 = vector.broadcast %add3A_99 : f32 to vector<512x4xf32>
    %add3A_101 = arith.addf %sub3A_98, %add3A_100 : vector<512x4xf32>
    %max3A_102 = arith.constant 0.000000e+00 : f32
    %max3A_103 = vector.broadcast %max3A_102 : f32 to vector<512x4xf32>
    %max3A_104 = arith.maximumf %add3A_101, %max3A_103 : vector<512x4xf32>
    %reduce_sum3A_105 = vector.shape_cast %max3A_104 : vector<512x4xf32> to vector<1x512x4xf32>
    %reduce_sum3A_106 = arith.constant dense<0.000000e+00> : vector<1xf32>
    %reduce_sum3A_107 = vector.multi_reduction <add>, %reduce_sum3A_105, %reduce_sum3A_106 [1, 2] : vector<1x512x4xf32> to vector<1xf32>
    %reduce_sum3A_108 = vector.shape_cast %reduce_sum3A_107 : vector<1xf32> to vector<1x1x1xf32>
    %reduce_sum3A_109 = vector.extract %reduce_sum3A_108[0, 0, 0] : f32 from vector<1x1x1xf32>
    %add3A_110 = arith.addf %add3A_86, %reduce_sum3A_109 : f32
    %get3A_111 = arith.constant 2 : index
    %get3A_112 = arith.constant 0 : index
    %get3A_113 = arith.constant 0 : index
    %get3A_114 = vector.load %arg6[%get3A_111, %get3A_112, %get3A_113] : memref<5x512x128xbf16, #tpu.memory_space<vmem>>, vector<1x512x128xbf16>
    %get3A_115 = vector.shape_cast %get3A_114 : vector<1x512x128xbf16> to vector<512x128xbf16>
    %convert_element_type3A_116 = arith.extf %get3A_115 : vector<512x128xbf16> to vector<512x128xf32>
    %sub3A_117 = arith.subf %add3A_29, %convert_element_type3A_116 : vector<512x128xf32>
    %mul3A_118 = arith.mulf %sub3A_117, %sub3A_117 : vector<512x128xf32>
    %dot_general3A_119 = arith.constant dense<0.000000e+00> : vector<512x4xf32>
    %dot_general3A_120 = tpu.matmul %mul3A_118, %convert_element_type3A_55, %dot_general3A_119 {dimension_numbers = #tpu.dot_dimension_numbers<[1], [0], [0], [1], [0, 0, 1, 1], [], []>, transpose_lhs_hint = false} : vector<512x128xf32>, vector<128x4xf32>, vector<512x4xf32> -> vector<512x4xf32>
    %sqrt3A_121 = math.sqrt %dot_general3A_120 : vector<512x4xf32>
    %sub3A_122 = arith.subf %sqrt3A, %sqrt3A_121 : vector<512x4xf32>
    %add3A_123 = arith.constant 1.000000e+00 : f32
    %add3A_124 = vector.broadcast %add3A_123 : f32 to vector<512x4xf32>
    %add3A_125 = arith.addf %sub3A_122, %add3A_124 : vector<512x4xf32>
    %max3A_126 = arith.constant 0.000000e+00 : f32
    %max3A_127 = vector.broadcast %max3A_126 : f32 to vector<512x4xf32>
    %max3A_128 = arith.maximumf %add3A_125, %max3A_127 : vector<512x4xf32>
    %reduce_sum3A_129 = vector.shape_cast %max3A_128 : vector<512x4xf32> to vector<1x512x4xf32>
    %reduce_sum3A_130 = arith.constant dense<0.000000e+00> : vector<1xf32>
    %reduce_sum3A_131 = vector.multi_reduction <add>, %reduce_sum3A_129, %reduce_sum3A_130 [1, 2] : vector<1x512x4xf32> to vector<1xf32>
    %reduce_sum3A_132 = vector.shape_cast %reduce_sum3A_131 : vector<1xf32> to vector<1x1x1xf32>
    %reduce_sum3A_133 = vector.extract %reduce_sum3A_132[0, 0, 0] : f32 from vector<1x1x1xf32>
    %add3A_134 = arith.addf %add3A_110, %reduce_sum3A_133 : f32
    %get3A_135 = arith.constant 3 : index
    %get3A_136 = arith.constant 0 : index
    %get3A_137 = arith.constant 0 : index
    %get3A_138 = vector.load %arg6[%get3A_135, %get3A_136, %get3A_137] : memref<5x512x128xbf16, #tpu.memory_space<vmem>>, vector<1x512x128xbf16>
    %get3A_139 = vector.shape_cast %get3A_138 : vector<1x512x128xbf16> to vector<512x128xbf16>
    %convert_element_type3A_140 = arith.extf %get3A_139 : vector<512x128xbf16> to vector<512x128xf32>
    %sub3A_141 = arith.subf %add3A_29, %convert_element_type3A_140 : vector<512x128xf32>
    %mul3A_142 = arith.mulf %sub3A_141, %sub3A_141 : vector<512x128xf32>
    %dot_general3A_143 = arith.constant dense<0.000000e+00> : vector<512x4xf32>
    %dot_general3A_144 = tpu.matmul %mul3A_142, %convert_element_type3A_55, %dot_general3A_143 {dimension_numbers = #tpu.dot_dimension_numbers<[1], [0], [0], [1], [0, 0, 1, 1], [], []>, transpose_lhs_hint = false} : vector<512x128xf32>, vector<128x4xf32>, vector<512x4xf32> -> vector<512x4xf32>
    %sqrt3A_145 = math.sqrt %dot_general3A_144 : vector<512x4xf32>
    %sub3A_146 = arith.subf %sqrt3A, %sqrt3A_145 : vector<512x4xf32>
    %add3A_147 = arith.constant 1.000000e+00 : f32
    %add3A_148 = vector.broadcast %add3A_147 : f32 to vector<512x4xf32>
    %add3A_149 = arith.addf %sub3A_146, %add3A_148 : vector<512x4xf32>
    %max3A_150 = arith.constant 0.000000e+00 : f32
    %max3A_151 = vector.broadcast %max3A_150 : f32 to vector<512x4xf32>
    %max3A_152 = arith.maximumf %add3A_149, %max3A_151 : vector<512x4xf32>
    %reduce_sum3A_153 = vector.shape_cast %max3A_152 : vector<512x4xf32> to vector<1x512x4xf32>
    %reduce_sum3A_154 = arith.constant dense<0.000000e+00> : vector<1xf32>
    %reduce_sum3A_155 = vector.multi_reduction <add>, %reduce_sum3A_153, %reduce_sum3A_154 [1, 2] : vector<1x512x4xf32> to vector<1xf32>
    %reduce_sum3A_156 = vector.shape_cast %reduce_sum3A_155 : vector<1xf32> to vector<1x1x1xf32>
    %reduce_sum3A_157 = vector.extract %reduce_sum3A_156[0, 0, 0] : f32 from vector<1x1x1xf32>
    %add3A_158 = arith.addf %add3A_134, %reduce_sum3A_157 : f32
    %get3A_159 = arith.constant 4 : index
    %get3A_160 = arith.constant 0 : index
    %get3A_161 = arith.constant 0 : index
    %get3A_162 = vector.load %arg6[%get3A_159, %get3A_160, %get3A_161] : memref<5x512x128xbf16, #tpu.memory_space<vmem>>, vector<1x512x128xbf16>
    %get3A_163 = vector.shape_cast %get3A_162 : vector<1x512x128xbf16> to vector<512x128xbf16>
    %convert_element_type3A_164 = arith.extf %get3A_163 : vector<512x128xbf16> to vector<512x128xf32>
    %sub3A_165 = arith.subf %add3A_29, %convert_element_type3A_164 : vector<512x128xf32>
    %mul3A_166 = arith.mulf %sub3A_165, %sub3A_165 : vector<512x128xf32>
    %dot_general3A_167 = arith.constant dense<0.000000e+00> : vector<512x4xf32>
    %dot_general3A_168 = tpu.matmul %mul3A_166, %convert_element_type3A_55, %dot_general3A_167 {dimension_numbers = #tpu.dot_dimension_numbers<[1], [0], [0], [1], [0, 0, 1, 1], [], []>, transpose_lhs_hint = false} : vector<512x128xf32>, vector<128x4xf32>, vector<512x4xf32> -> vector<512x4xf32>
    %sqrt3A_169 = math.sqrt %dot_general3A_168 : vector<512x4xf32>
    %sub3A_170 = arith.subf %sqrt3A, %sqrt3A_169 : vector<512x4xf32>
    %add3A_171 = arith.constant 1.000000e+00 : f32
    %add3A_172 = vector.broadcast %add3A_171 : f32 to vector<512x4xf32>
    %add3A_173 = arith.addf %sub3A_170, %add3A_172 : vector<512x4xf32>
    %max3A_174 = arith.constant 0.000000e+00 : f32
    %max3A_175 = vector.broadcast %max3A_174 : f32 to vector<512x4xf32>
    %max3A_176 = arith.maximumf %add3A_173, %max3A_175 : vector<512x4xf32>
    %reduce_sum3A_177 = vector.shape_cast %max3A_176 : vector<512x4xf32> to vector<1x512x4xf32>
    %reduce_sum3A_178 = arith.constant dense<0.000000e+00> : vector<1xf32>
    %reduce_sum3A_179 = vector.multi_reduction <add>, %reduce_sum3A_177, %reduce_sum3A_178 [1, 2] : vector<1x512x4xf32> to vector<1xf32>
    %reduce_sum3A_180 = vector.shape_cast %reduce_sum3A_179 : vector<1xf32> to vector<1x1x1xf32>
    %reduce_sum3A_181 = vector.extract %reduce_sum3A_180[0, 0, 0] : f32 from vector<1x1x1xf32>
    %add3A_182 = arith.addf %add3A_158, %reduce_sum3A_181 : f32
    %eq3A_183 = arith.constant 0 : i32
    %eq3A_184 = arith.cmpi eq, %arg0, %eq3A_183 : i32
    %convert_element_type3A_185 = arith.extui %eq3A_184 : i1 to i32
    %cond3A = arith.constant 0 : i32
    %cond3A_186 = arith.cmpi ne, %convert_element_type3A_185, %cond3A : i32
    scf.if %cond3A_186 {
      %broadcast_in_dim3A = arith.constant 0.000000e+00 : f32
      %broadcast_in_dim3A_196 = vector.broadcast %broadcast_in_dim3A : f32 to vector<1x1xf32>
      %swap3A_197 = arith.constant 0 : index
      %swap3A_198 = arith.constant 0 : index
      %swap3A_199 = vector.load %arg9[%swap3A_197, %swap3A_198] : memref<1x1xf32, #tpu.memory_space<vmem>>, vector<1x1xf32>
      tpu.vector_store %arg9[%swap3A_197, %swap3A_198], %broadcast_in_dim3A_196 {strides = array<i32>} : memref<1x1xf32, #tpu.memory_space<vmem>>, vector<1x1xf32>,
    } else {
    }
    %get3A_187 = arith.constant 0 : index
    %get3A_188 = arith.constant 0 : index
    %get3A_189 = vector.load %arg9[%get3A_187, %get3A_188] : memref<1x1xf32, #tpu.memory_space<vmem>>, vector<1x1xf32>
    %mul3A_190 = arith.constant 6.10351563E-5 : f32
    %mul3A_191 = arith.mulf %add3A_182, %mul3A_190 : f32
    %add3A_192 = vector.broadcast %mul3A_191 : f32 to vector<1x1xf32>
    %add3A_193 = arith.addf %get3A_189, %add3A_192 : vector<1x1xf32>
    %swap3A = arith.constant 0 : index
    %swap3A_194 = arith.constant 0 : index
    %swap3A_195 = vector.load %arg9[%swap3A, %swap3A_194] : memref<1x1xf32, #tpu.memory_space<vmem>>, vector<1x1xf32>
    tpu.vector_store %arg9[%swap3A, %swap3A_194], %add3A_193 {strides = array<i32>} : memref<1x1xf32, #tpu.memory_space<vmem>>, vector<1x1xf32>,
    return
  }
  func.func @transform_0(%arg0: i32) -> (i32, i32) {
    %c0_i32 = arith.constant 0 : i32
    %c0_i32_0 = arith.constant 0 : i32
    return %arg0, %c0_i32 : i32, i32
  }
  func.func @transform_1(%arg0: i32) -> (i32, i32) {
    %c0_i32 = arith.constant 0 : i32
    %c0_i32_0 = arith.constant 0 : i32
    return %arg0, %c0_i32 : i32, i32
  }
  func.func @transform_2(%arg0: i32) -> (i32, i32) {
    %c0_i32 = arith.constant 0 : i32
    %c0_i32_0 = arith.constant 0 : i32
    return %arg0, %c0_i32 : i32, i32
  }
  func.func @transform_3(%arg0: i32) -> (i32, i32) {
    %c0_i32 = arith.constant 0 : i32
    %c0_i32_0 = arith.constant 0 : i32
    return %arg0, %c0_i32 : i32, i32
  }
  func.func @transform_4(%arg0: i32) -> (i32, i32) {
    %c0_i32 = arith.constant 0 : i32
    %c0_i32_0 = arith.constant 0 : i32
    return %arg0, %c0_i32 : i32, i32
  }
  func.func @transform_5(%arg0: i32) -> (i32, i32, i32) {
    %c0_i32 = arith.constant 0 : i32
    %c0_i32_0 = arith.constant 0 : i32
    %c0_i32_1 = arith.constant 0 : i32
    return %c0_i32, %arg0, %c0_i32_0 : i32, i32, i32
  }
  func.func @transform_6(%arg0: i32) -> (i32, i32) {
    %c0_i32 = arith.constant 0 : i32
    %c0_i32_0 = arith.constant 0 : i32
    %c0_i32_1 = arith.constant 0 : i32
    return %c0_i32, %c0_i32_0 : i32, i32
  }
  func.func @transform_7(%arg0: i32) -> (i32, i32) {
    %c0_i32 = arith.constant 0 : i32
    %c0_i32_0 = arith.constant 0 : i32
    %c0_i32_1 = arith.constant 0 : i32
    return %c0_i32, %c0_i32_0 : i32, i32
  }
  func.func @transform_8(%arg0: i32) -> (i32, i32) {
    %c0_i32 = arith.constant 0 : i32
    %c0_i32_0 = arith.constant 0 : i32
    %c0_i32_1 = arith.constant 0 : i32
    return %c0_i32, %c0_i32_0 : i32, i32
  }
}

</mosaic_0001>

<sc_bundles>
// kernel: kernel.8.cloned.1.call-start
scs
__scs_entry_jumppad:
0x0: {  	(pc) =	sbr.rel $0x88, $3  }
0x1: {  	(tag) =	ssettag $0x0;
	lr =	simm.s32 $0x1  }
0x2: {  	[smem:$0x3F97] =	sst lr;
	_ =	strace $0xD0000000  }
0x3: {  	_ = 	snop  }
0x4: {  	_ = 	snop  }
0x5: {  	_ = 	snop  }
0x6: {  	_ = 	snop  }
0x7: {  	_ = 	snop  }
__scs_overlays_trampoline_lowered:
0x8: {  	[smem:$0x3FA6] =	sst s0  }
0x9: {  	[smem:$0x3FA7] =	sst s1  }
0xa: {  	[smem:$0x3FA8] =	sst s2  }
0xb: {  	[smem:$0x3FA9] =	sst s3  }
0xc: {  	[smem:$0x3FAA] =	sst s4  }
0xd: {  	[smem:$0x3FAB] =	sst s5  }
0xe: {  	[smem:$0x3FAC] =	sst s6  }
0xf: {  	[smem:$0x3FAD] =	sst s7  }
0x10: {  	[smem:$0x3FAE] =	sst s8  }
0x11: {  	[smem:$0x3FAF] =	sst s9;
	s0 =	simm.s32 @!p0 $0x0  }
0x12: {  	s1 =	sld [smem:$0x3F95];
	s0 =	simm.s32 @p0 $0x1  }
0x13: {  	[smem:$0x3FB0] =	sst s0;
	s0 =	simm.s32 @!p1 $0x0  }
0x14: {  	s2 =	sld [smem:$0x3F94];
	s0 =	simm.s32 @p1 $0x1  }
0x15: {  	[smem:$0x3FB1] =	sst s0;
	s0 =	simm.s32 @!p2 $0x0  }
0x16: {  	s3 =	sld [smem:$0x3FDB];
	s0 =	simm.s32 @p2 $0x1  }
0x17: {  	s4 =	simm.s32 $0x1BF5;
	[smem:$0x3FB3] =	sst s0  }
0x18: {  	s0 =	sld [smem:$0x3F96];
	_ =	swait.ge [sflag:s4], $0x0  }
0x19: {  	s7 =	sld [smem:$0x3F97]  }
0x1a: {  	s8 =	sadd.s32 $0xFFFFE003, lr  }
0x1b: {  	s9 =	sadd.s32 $0xFFFFFEF7, lr;
	s5 =	simm.s32 $0xFFFFFFFF;
	p2 =	slt.u32 s8, $0xFFFFF086  }
0x1c: {  	p1 =	slt.u32 s9, $0xF7A;
	s5 =	simm.s32 @!p2 $0x0  }
0x1d: {  	s5 =	simm.s32 @p1 $0x1;
	p0 =	seq.s32 s7, s2  }
0x1e: {  	s7 =	smul.u32 @!p0 $0xF7A, s2;
	p2 =	seq.s32 @!p0 s5, $0x0  }
0x1f: {  	s9 =	smul.u32 $0xF7A, s1;
	s8 =	simm.s32 @!p0 $0x1BF5;
	p2 =	por !p2, p0  }
0x20: {  	[sflag:s8] =	ssyncset.s32 @!p0 $0xFFFFF086;
	s6 =	sadd.s32 @!p0 s3, s7;
	s7 =	simm.s32 @!p0 $0x108  }
0x21: {  	s3 =	sadd.s32 s3, s9;
	s6 =	sadd.s32 @!p0 $0x88, s6;
	s7 =	simm.s32 @p2 $0x1082  }
0x22: {  	[simem:s7], [sflag:s8] =	dma.local @!p0 [hbm:s6], $0xF7A  }
0x23: {  	s9 =	sor.u32 $0xD0000000, s2;
	s6 =	simm.s32 $0x108;
	_ =	swait.ge @!p0 [sflag:s8], $0x0  }
0x24: {  	s3 =	sadd.s32 $0x88, s3;
	s6 =	simm.s32 @!p1 $0x1082;
	[sflag:s4] =	ssyncset.s32 $0xFFFFF086  }
0x25: {  	[simem:s6], [sflag:s4] =	dma.local [hbm:s3], $0xF7A  }
0x26: {  	[smem:$0x3F97] =	sst s1;
	(tag) =	ssettag s2;
	_ =	strace s9  }
0x27: {  	s1 =	sld [smem:$0x3FA7]  }
0x28: {  	s2 =	sld [smem:$0x3FA8]  }
0x29: {  	s4 =	sld [smem:$0x3FAA]  }
0x2a: {  	p0 =	seq.s32 s5, $0x0;
	s5 =	sld [smem:$0x3FAB]  }
0x2b: {  	s6 =	sld [smem:$0x3FAC]  }
0x2c: {  	s7 =	sld [smem:$0x3FAD]  }
0x2d: {  	s3 =	simm.s32 $0x108;
	s8 =	sld [smem:$0x3FAE]  }
0x2e: {  	s3 =	simm.s32 @!p0 $0x1082;
	s9 =	sld [smem:$0x3FAF]  }
0x2f: {  	lr =	sadd.s32 s0, s3;
	s0 =	sld [smem:$0x3FA6]  }
0x30: {  	s3 =	sld [smem:$0x3FA9]  }
0x31: {  	[smem:$0x3FB2] =	sst s10  }
0x32: {  	s10 =	sld [smem:$0x3FB0];
	_ =	sdelay $0x3  }
0x33: {  	p0 =	seq.s32 s10, $0x1;
	s10 =	sld [smem:$0x3FB2];
	_ =	sdelay $0x3  }
0x34: {  	[smem:$0x3FB2] =	sst s10  }
0x35: {  	s10 =	sld [smem:$0x3FB1];
	_ =	sdelay $0x3  }
0x36: {  	p1 =	seq.s32 s10, $0x1;
	s10 =	sld [smem:$0x3FB2];
	_ =	sdelay $0x3  }
0x37: {  	[smem:$0x3FB2] =	sst s10  }
0x38: {  	s10 =	sld [smem:$0x3FB3]  }
0x39: {  	_ = 	snop;
	(pc) =	sbr.ind lr, $3  }
0x3a: {  	_ = 	snop  }
0x3b: {  	_ = 	snop  }
0x3c: {  	p2 =	seq.s32 s10, $0x1;
	s10 =	sld [smem:$0x3FB2]  }
0x3d: {  	_ =	shalt  }
0x3e: {  	_ =	shalt  }
0x3f: {  	_ =	shalt  }
0x40: {  	_ =	shalt  }
0x41: {  	_ =	shalt  }
0x42: {  	_ =	shalt  }
0x43: {  	_ =	shalt  }
0x44: {  	_ =	shalt  }
0x45: {  	_ =	shalt  }
0x46: {  	_ =	shalt  }
0x47: {  	_ =	shalt  }
0x48: {  	_ =	shalt  }
0x49: {  	_ =	shalt  }
0x4a: {  	_ =	shalt  }
0x4b: {  	_ =	shalt  }
0x4c: {  	_ =	shalt  }
0x4d: {  	_ =	shalt  }
0x4e: {  	_ =	shalt  }
0x4f: {  	_ =	shalt  }
0x50: {  	_ =	shalt  }
0x51: {  	_ =	shalt  }
0x52: {  	_ =	shalt  }
0x53: {  	_ =	shalt  }
0x54: {  	_ =	shalt  }
0x55: {  	_ =	shalt  }
0x56: {  	_ =	shalt  }
0x57: {  	_ =	shalt  }
0x58: {  	_ =	shalt  }
0x59: {  	_ =	shalt  }
0x5a: {  	_ =	shalt  }
0x5b: {  	_ =	shalt  }
0x5c: {  	_ =	shalt  }
0x5d: {  	_ =	shalt  }
0x5e: {  	_ =	shalt  }
0x5f: {  	_ =	shalt  }
0x60: {  	_ =	shalt  }
0x61: {  	_ =	shalt  }
0x62: {  	_ =	shalt  }
0x63: {  	_ =	shalt  }
0x64: {  	_ =	shalt  }
0x65: {  	_ =	shalt  }
0x66: {  	_ =	shalt  }
0x67: {  	_ =	shalt  }
0x68: {  	_ =	shalt  }
0x69: {  	_ =	shalt  }
0x6a: {  	_ =	shalt  }
0x6b: {  	_ =	shalt  }
0x6c: {  	_ =	shalt  }
0x6d: {  	_ =	shalt  }
0x6e: {  	_ =	shalt  }
0x6f: {  	_ =	shalt  }
0x70: {  	_ =	shalt  }
0x71: {  	_ =	shalt  }
0x72: {  	_ =	shalt  }
0x73: {  	_ =	shalt  }
0x74: {  	_ =	shalt  }
0x75: {  	_ =	shalt  }
0x76: {  	_ =	shalt  }
0x77: {  	_ =	shalt  }
0x78: {  	_ =	shalt  }
0x79: {  	_ =	shalt  }
0x7a: {  	_ =	shalt  }
0x7b: {  	_ =	shalt  }
0x7c: {  	_ =	shalt  }
0x7d: {  	_ =	shalt  }
0x7e: {  	_ =	shalt  }
0x7f: {  	_ =	shalt  }
0x80: {  	_ =	shalt  }
0x81: {  	_ =	shalt  }
0x82: {  	_ =	shalt  }
0x83: {  	_ =	shalt  }
0x84: {  	_ =	shalt  }
0x85: {  	_ =	shalt  }
0x86: {  	_ =	shalt  }
0x87: {  	_ =	shalt  }
.Lfunc_end0:
.L_simem_size_0:
called_computation.1_lowered:
.L_overlay_start_0:
0x88: {  	s2 =	sld [smem:$0x3FD9]  }
0x89: {  	s3 =	sld [smem:$0x3FFE];
	_ =	sdelay $0x1  }
0x8a: {  	s1 =	srdreg.scid  }
0x8b: {  	s0 =	sand.u32 $0x1, s1  }
0x8c: {  	s17 =	sshll.u32 s0, $0xA;
	s2 =	sadd.s32 s3, s2  }
0x8d: {  	s2 =	sadd.s32 s2, s17  }
0x8e: {  	[smem:$0x3FBE] =	sst s2  }
0x8f: {  	_ = 	snop  }
0x90: {  	s2 =	sld [smem:$0x3FC9]  }
0x91: {  	s18 =	sld [smem:$0x3FC8]  }
0x92: {  	s4 =	sld [smem:$0x3FC7];
	(tm) =	ssettm $0x1  }
0x93: {  	s5 =	sld [smem:$0x3FFB];
	_ =	sdelay $0x3  }
0x94: {  	_ =	strace s5  }
0x95: {  	s5 =	sld [smem:$0x3FFC];
	_ =	sdelay $0x3  }
0x96: {  	_ =	strace s5  }
0x97: {  	s5 =	sld [smem:$0x3FFD];
	_ =	sdelay $0x3  }
0x98: {  	_ =	strace s5  }
0x99: {  	_ =	strace $0x8FFFFFFF  }
0x9a: {  	s19 =	sld [smem:$0x3FDB];
	_ =	sdelay $0x1  }
0x9b: {  	s6 =	simm.s32 $_scs_section_size  }
0x9c: {  	s7 =	simm.s32 $_size__tile_overlayer_lowered;
	s8 =	simm.s32 $_tile_overlayer_lowered  }
0x9d: {  	s22 =	simm.s32 $0x1BFF;
	s21 =	sshll.u32 s8, $0x1;
	s5 =	sadd.s32 s6, s19  }
0x9e: {  	s9 =	simm.s32 $0x0;
	s20 =	sshll.u32 s7, $0x1;
	s7 =	sadd.s32 s21, s5  }
0x9f: {  	[timem:s9], [sflag:s22] =	dma.local [hbm:s7], s20  }
0xa0: {  	_ =	swait.ge [sflag:s22], s20  }
0xa1: {  	s6 =	ssub.s32 $0x0, s20;
	[sflag:s22] =	ssyncset.done $0x0  }
0xa2: {  	[sflag:s22] =	ssyncadd.s32 s6;
	_ =	sdelay $0x1  }
0xa3: {  	s23 =	simm.s32 $0x1B8B  }
0xa4: {  	_ =	swait.ge [sflag:s23], $0x1  }
0xa5: {  	[sflag:s23] =	ssyncset.done $0x0  }
0xa6: {  	s25 =	simm.s32 $0x1B8E;
	s24 =	sld [smem:$0x3FFE];
	[sflag:s23] =	ssyncadd.s32 $0xFFFFFFFF  }
0xa7: {  	s26 =	simm.s32 $execute0_lowered;
	[smem:$0x3FD2] =	sst s25  }
0xa8: {  	s7 =	sshll.u32 s26, $0x1;
	_ =	strace $0x80000049;
	[dreg:$0x1] =	wrdreg $0xFFFFFFFF  }
0xa9: {  	s28 =	simm.s32 $_size_execute0_lowered;
	s5 =	sadd.s32 s5, s7;
	[dreg:$0x0] =	wrdreg $0x0  }
0xaa: {  	s7 =	sshll.u32 s28, $0x1;
	[dreg:$0x2] =	wrdreg s5  }
0xab: {  	[dreg:$0x3] =	wrdreg s7  }
0xac: {  	[dreg:$0x4] =	wrdreg $0xC0  }
0xad: {  	_ =	task [dreg:s9], $0x5FFFF  }
0xae: {  	[dreg:$0x1] =	wrdreg $0xFFFFFFFF  }
0xaf: {  	[dreg:$0x0] =	wrdreg $0x60  }
0xb0: {  	[dreg:$0x2] =	wrdreg s24  }
0xb1: {  	[dreg:$0x3] =	wrdreg s2  }
0xb2: {  	[dreg:$0x4] =	wrdreg s18  }
0xb3: {  	[dreg:$0x5] =	wrdreg s4  }
0xb4: {  	[dreg:$0x6] =	wrdreg $0x9  }
0xb5: {  	_ =	task.clear_ibuf [dreg:s9], $0x7FFFF;
	_ =	strace $0x90000049  }
0xb6: {  	s29 =	simm.s32 $0x9;
	_ =	strace $0x8000004B  }
0xb7: {  	_ =	swait.ge [sflag:s29], $0x1  }
0xb8: {  	[sflag:s29] =	ssyncadd.s32 $0xFFFFFFFF  }
0xb9: {  	_ =	strace $0x9000004B  }
0xba: {  	_ =	sfence  }
0xbb: {  	s30 =	sld [smem:$0x0];
	_ =	sdelay $0x2  }
0xbc: {  	s31 =	sshll.u32 s1, $0xD;
	s1 =	sshrl.u32 s1, $0x2  }
0xbd: {  	s3 =	sand.u32 $0x4000, s31;
	s1 =	sadd.s32 s1, s30  }
0xbe: {  	s0 =	sor.u32 s3, s0;
	s1 =	sshll.u32 s1, $0x11  }
0xbf: {  	s0 =	sor.u32 s1, s0  }
0xc0: {  	s0 =	sadd.s32 $0x8F2B, s0  }
0xc1: {  	[sflag:s0] =	ssyncadd.remote.s32 $0x1  }
0xc2: {  	_ =	sfence.sel $0xFFFF  }
0xc3: {  	[dreg:$0x0] =	wrdreg $0xFFFFFFFF;
	(pc) =	sbr.abs _section_cstart, $3  }
0xc4: {  	[dreg:$0x1] =	wrdreg $0xFFFFFFFF  }
0xc5: {  	_ =	task.clear_ibuf [dreg:s9], $0x2FFFF;
	_ =	strace $0x9FFFFFFF  }
0xc6: {  	(tm) =	ssettm $0x7FFFFFFF  }
0xc7: {  	_ =	shalt  }
tec
execute0_lowered:
.L_overlay_start_1:
0x0: {  	(tag) =	ssettag $0x1  }
0x1: {  	s0 =	rddreg [dreg:$0x0]  }
0x2: {  	s2 =	rddreg [dreg:$0x1]  }
0x3: {  	s3 =	rddreg [dreg:$0x2]  }
0x4: {  	s6 =	rddreg [dreg:$0x3];
	s1 =	simm.s32 $0x0;
	s5 =	srdreg.scid  }
0x5: {  	s8 =	stileid.u32;
	s28 =	simm.s32 $0x4F00;
	s29 =	simm.s32 $0x6F00  }
0x6: {  	s30 =	simm.s32 $0x8F00;
	s31 =	simm.s32 $0x1;
	[smem:$0x7FF] =	sst s1  }
0x7: {  	s4 =	sadd.s32 $0x482A00, s0;
	s7 =	sand.u32 $0x1, s5;
	s5 =	sadd.s32 $0x202A00, s0  }
0x8: {  	s8 =	sshll.u32 s8, $0x1;
	s9 =	sadd.s32 $0x2200, s0;
	s18 =	sadd.s32 $0x4C2A00, s0  }
0x9: {  	_ =	strace $0x8000004A;
	[dreg:$0x5] =	wrdreg s4;
	s4 =	sadd.s32 $0x402A00, s0  }
0xa: {  	[dreg:$0x6] =	wrdreg s9;
	s8 =	sor.u32 s7, s8;
	s7 =	ssub.s32 $0x2, s7  }
0xb: {  	s10 =	sshll.u32 s8, $0xA;
	s11 =	sshrl.u32 s7, $0x1;
	s21 =	smul.u32 $0xA00, s8  }
0xc: {  	s12 =	sshll.u32 s8, $0x6;
	s25 =	smul.u32 $0x1400, s8;
	s10 =	sadd.s32 s10, s0  }
0xd: {  	s0 =	sadd.s32 $0x2400, s0;
	s7 =	ssub.s32 s7, s11;
	s2 =	sadd.s32 s2, s12  }
0xe: {  	s19 =	sadd.s32 s3, s12;
	s20 =	sadd.s32 s6, s12;
	[dreg:$0x7] =	wrdreg s2  }
0xf: {  	s11 =	simm.s32 $0x600;
	s3 =	simm.s32 $0x0;
	[dreg:$0x8] =	wrdreg s19  }
0x10: {  	[dreg:$0x9] =	wrdreg s20;
	s22 =	sadd.s32 $0x2A400, s10;
	s23 =	sadd.s32 $0x32400, s10  }
0x11: {  	s12 =	sadd.s32 $0x3A400, s10;
	s13 =	sadd.s32 $0x42400, s10;
	s24 =	sshrl.u32 s21, $0x3  }
0x12: {  	s14 =	sadd.s32 $0x4A400, s10;
	s2 =	sadd.s32 $0x500, s21;
	s16 =	sadd.s32 s0, s25  }
0x13: {  	s19 =	smax.u32 s7, $0x1;
	s20 =	simm.s32 $0x2;
	[dreg:$0xa] =	wrdreg s22  }
0x14: {  	s25 =	simm.s32 $0x2F00;
	[dreg:$0xb] =	wrdreg s23;
	s15 =	sadd.s32 s18, s24  }
0x15: {  	s26 =	sshrl.u32 s2, $0x3;
	s2 =	sshll.u32 s2, $0x1;
	s23 =	simm.s32 $0x200  }
0x16: {  	s24 =	simm.s32 $0xF00;
	s17 =	sadd.s32 s18, s26;
	s18 =	sadd.s32 s0, s2  }
0x17: {  	s0 =	simm.s32 $0xA00;
	s2 =	simm.s32 $0x500;
	s26 =	simm.s32 $0xAF00  }
.LBB2_1:
0x18: {  	s6 =	rddreg [dreg:$0x7]  }
0x19: {  	[tilespmem:s1], [sflag:$0x2] =	stream.linear.gather [hbm4b:s6+s1], $0x200, $0x38;
	[tilespmem:$0xFF00] =	vst v63  }
0x1a: {  	_ =	swait.ge [sflag:s20], $0x200  }
0x1b: {  	[sflag:s20] =	ssyncset.done $0x0  }
0x1c: {  	s21 =	rddreg [dreg:$0x8];
	[sflag:s20] =	ssyncadd.s32 $0xFFFFFE00  }
0x1d: {  	[tilespmem:s11], [sflag:$0x2] =	stream.linear.gather [hbm4b:s21+s1], $0x200, $0x38;
	[tilespmem:$0xFF00] =	vst v63  }
0x1e: {  	_ =	swait.ge [sflag:s20], $0x200  }
0x1f: {  	[sflag:s20] =	ssyncset.done $0x0  }
0x20: {  	s7 =	simm.s32 $0x800;
	s22 =	rddreg [dreg:$0x9];
	[sflag:s20] =	ssyncadd.s32 $0xFFFFFE00  }
0x21: {  	[tilespmem:s7], [sflag:$0x2] =	stream.linear.gather [hbm4b:s22+s1], $0x200, $0x38;
	[tilespmem:$0xFF00] =	vst v63  }
0x22: {  	_ =	swait.ge [sflag:s20], $0x200  }
0x23: {  	[sflag:s20] =	ssyncset.done $0x0  }
0x24: {  	s6 =	simm.s32 $0x20;
	[sflag:s20] =	ssyncadd.s32 $0xFFFFFE00  }
0x25: {  	v0 =	vld [tilespmem:s6+$0xFFFFFFE0];
	_ =	sdelay $0x4  }
0x26: {  	v1 =	vshra.s32 v0, $0xE  }
0x27: {  	v2 =	vshll.u32 v0, $0x1;
	v3 =	vshll.u32 v1, $0x1  }
0x28: {  	v4 =	vshll.u32 v0, $0x2;
	v2 =	vand.u32 $0xFFFF0000, v2;
	v3 =	vand.u32 $0x2, v3  }
0x29: {  	v4 =	vand.u32 $0xFFFC, v4;
	v2 =	vor.u32 v3, v2  }
0x2a: {  	s7 =	simm.s32 $0x220;
	v0 =	vand.u32 $0xFFFF0000, v0;
	v1 =	vand.u32 $0x3, v1;
	v2 =	vor.u32 v4, v2  }
0x2b: {  	s10 =	simm.s32 $0x420;
	v0 =	vor.u32 v0, v1;
	[tilespmem:s7+$0xFFFFFFE0] =	vst v2;
	v2 =	vor.u32 $0x1, v2  }
0x2c: {  	v0 =	vor.u32 v4, v0;
	[tilespmem:s10+$0xFFFFFFE0] =	vst v2  }
0x2d: {  	s9 =	simm.s32 $0x620;
	[tilespmem:s6+$0xFFFFFFE0] =	vst v0  }
0x2e: {  	v0 =	vld [tilespmem:s9+$0xFFFFFFE0];
	_ =	sdelay $0x4  }
0x2f: {  	v1 =	vshll.u32 v0, $0x2  }
0x30: {  	v2 =	vshrl.u32 v0, $0xE;
	v0 =	vand.u32 $0xFFFF0000, v0;
	v1 =	vand.u32 $0xFFFC, v1  }
0x31: {  	v0 =	vor.u32 v0, v1;
	v1 =	vand.u32 $0x3, v2  }
0x32: {  	v0 =	vor.u32 v1, v0  }
0x33: {  	s8 =	simm.s32 $0x820;
	[tilespmem:s9+$0xFFFFFFE0] =	vst v0  }
0x34: {  	v0 =	vld [tilespmem:s8+$0xFFFFFFE0];
	_ =	sdelay $0x4  }
0x35: {  	vm0 =	vgt.s32 v0, $0x0  }
0x36: {  	v0 =	vnsel vm0, $0x0, v0  }
0x37: {  	v0 =	vmin.u32 v0, $0x64  }
0x38: {  	v1 =	vshll.u32 v0, $0x2  }
0x39: {  	v0 =	vshrl.u32 v0, $0x5;
	v1 =	vand.u32 $0x7C, v1  }
0x3a: {  	v0 =	vor.u32 v0, v1  }
0x3b: {  	[tilespmem:s8+$0xFFFFFFE0] =	vst v0  }
0x3c: {  	v0 =	vld [tilespmem:s6+$0xFFFFFFF0];
	_ =	sdelay $0x4  }
0x3d: {  	v1 =	vshra.s32 v0, $0xE  }
0x3e: {  	v2 =	vshll.u32 v0, $0x1;
	v3 =	vshll.u32 v1, $0x1  }
0x3f: {  	v61 =	vshll.u32 v0, $0x2;
	v2 =	vand.u32 $0xFFFF0000, v2;
	v3 =	vand.u32 $0x2, v3  }
0x40: {  	v4 =	vand.u32 $0xFFFC, v61;
	v2 =	vor.u32 v3, v2  }
0x41: {  	v0 =	vand.u32 $0xFFFF0000, v0;
	v1 =	vand.u32 $0x3, v1;
	v2 =	vor.u32 v4, v2  }
0x42: {  	v0 =	vor.u32 v0, v1;
	[tilespmem:s7+$0xFFFFFFF0] =	vst v2;
	v2 =	vor.u32 $0x1, v2  }
0x43: {  	v0 =	vor.u32 v4, v0;
	[tilespmem:s10+$0xFFFFFFF0] =	vst v2  }
0x44: {  	[tilespmem:s6+$0xFFFFFFF0] =	vst v0  }
0x45: {  	v0 =	vld [tilespmem:s9+$0xFFFFFFF0];
	_ =	sdelay $0x4  }
0x46: {  	v1 =	vshll.u32 v0, $0x2  }
0x47: {  	v2 =	vshrl.u32 v0, $0xE;
	v0 =	vand.u32 $0xFFFF0000, v0;
	v1 =	vand.u32 $0xFFFC, v1  }
0x48: {  	v0 =	vor.u32 v0, v1;
	v1 =	vand.u32 $0x3, v2  }
0x49: {  	v0 =	vor.u32 v1, v0  }
0x4a: {  	[tilespmem:s9+$0xFFFFFFF0] =	vst v0  }
0x4b: {  	v0 =	vld [tilespmem:s8+$0xFFFFFFF0];
	_ =	sdelay $0x4  }
0x4c: {  	vm13 =	vgt.s32 v0, $0x0  }
0x4d: {  	v0 =	vnsel vm13, $0x0, v0  }
0x4e: {  	v0 =	vmin.u32 v0, $0x64  }
0x4f: {  	v1 =	vshll.u32 v0, $0x2  }
0x50: {  	v0 =	vshrl.u32 v0, $0x5;
	v1 =	vand.u32 $0x7C, v1  }
0x51: {  	v0 =	vor.u32 v0, v1  }
0x52: {  	[tilespmem:s8+$0xFFFFFFF0] =	vst v0  }
0x53: {  	v0 =	vld [tilespmem:s6+$0x0];
	_ =	sdelay $0x4  }
0x54: {  	v1 =	vshra.s32 v0, $0xE  }
0x55: {  	v2 =	vshll.u32 v0, $0x1;
	v3 =	vshll.u32 v1, $0x1  }
0x56: {  	v62 =	vshll.u32 v0, $0x2;
	v2 =	vand.u32 $0xFFFF0000, v2;
	v3 =	vand.u32 $0x2, v3  }
0x57: {  	v4 =	vand.u32 $0xFFFC, v62;
	v2 =	vor.u32 v3, v2  }
0x58: {  	v0 =	vand.u32 $0xFFFF0000, v0;
	v1 =	vand.u32 $0x3, v1;
	v2 =	vor.u32 v4, v2  }
0x59: {  	v0 =	vor.u32 v0, v1;
	[tilespmem:s7+$0x0] =	vst v2;
	v2 =	vor.u32 $0x1, v2  }
0x5a: {  	v0 =	vor.u32 v4, v0;
	[tilespmem:s10+$0x0] =	vst v2  }
0x5b: {  	[tilespmem:s6+$0x0] =	vst v0  }
0x5c: {  	v0 =	vld [tilespmem:s9+$0x0];
	_ =	sdelay $0x4  }
0x5d: {  	v1 =	vshll.u32 v0, $0x2  }
0x5e: {  	v2 =	vshrl.u32 v0, $0xE;
	v0 =	vand.u32 $0xFFFF0000, v0;
	v1 =	vand.u32 $0xFFFC, v1  }
0x5f: {  	v0 =	vor.u32 v0, v1;
	v1 =	vand.u32 $0x3, v2  }
0x60: {  	v0 =	vor.u32 v1, v0  }
0x61: {  	[tilespmem:s9+$0x0] =	vst v0  }
0x62: {  	v0 =	vld [tilespmem:s8+$0x0];
	_ =	sdelay $0x4  }
0x63: {  	vm14 =	vgt.s32 v0, $0x0  }
0x64: {  	v0 =	vnsel vm14, $0x0, v0  }
0x65: {  	v0 =	vmin.u32 v0, $0x64  }
0x66: {  	v1 =	vshll.u32 v0, $0x2  }
0x67: {  	v0 =	vshrl.u32 v0, $0x5;
	v1 =	vand.u32 $0x7C, v1  }
0x68: {  	v0 =	vor.u32 v0, v1  }
0x69: {  	[tilespmem:s8+$0x0] =	vst v0  }
0x6a: {  	v0 =	vld [tilespmem:s6+$0x10];
	_ =	sdelay $0x4  }
0x6b: {  	v1 =	vshra.s32 v0, $0xE  }
0x6c: {  	v2 =	vshll.u32 v0, $0x1;
	v3 =	vshll.u32 v1, $0x1  }
0x6d: {  	v63 =	vshll.u32 v0, $0x2;
	v2 =	vand.u32 $0xFFFF0000, v2;
	v3 =	vand.u32 $0x2, v3  }
0x6e: {  	v4 =	vand.u32 $0xFFFC, v63;
	v2 =	vor.u32 v3, v2  }
0x6f: {  	v0 =	vand.u32 $0xFFFF0000, v0;
	v1 =	vand.u32 $0x3, v1;
	v2 =	vor.u32 v4, v2  }
0x70: {  	v0 =	vor.u32 v0, v1;
	[tilespmem:s7+$0x10] =	vst v2;
	v2 =	vor.u32 $0x1, v2  }
0x71: {  	v0 =	vor.u32 v4, v0;
	[tilespmem:s10+$0x10] =	vst v2  }
0x72: {  	[tilespmem:s6+$0x10] =	vst v0  }
0x73: {  	v0 =	vld [tilespmem:s9+$0x10];
	_ =	sdelay $0x4  }
0x74: {  	v1 =	vshll.u32 v0, $0x2  }
0x75: {  	v2 =	vshrl.u32 v0, $0xE;
	v0 =	vand.u32 $0xFFFF0000, v0;
	v1 =	vand.u32 $0xFFFC, v1  }
0x76: {  	v0 =	vor.u32 v0, v1;
	v1 =	vand.u32 $0x3, v2  }
0x77: {  	v0 =	vor.u32 v1, v0  }
0x78: {  	[tilespmem:s9+$0x10] =	vst v0  }
0x79: {  	v0 =	vld [tilespmem:s8+$0x10];
	_ =	sdelay $0x4  }
0x7a: {  	vm15 =	vgt.s32 v0, $0x0  }
0x7b: {  	v0 =	vnsel vm15, $0x0, v0  }
0x7c: {  	v0 =	vmin.u32 v0, $0x64  }
0x7d: {  	v1 =	vshll.u32 v0, $0x2  }
0x7e: {  	s21 =	simm.s32 $0x460;
	v0 =	vshrl.u32 v0, $0x5;
	v1 =	vand.u32 $0x7C, v1  }
0x7f: {  	s22 =	simm.s32 $0x660;
	s10 =	simm.s32 $0x860;
	s9 =	simm.s32 $0x0;
	v0 =	vor.u32 v0, v1  }
.LBB2_2:
0x80: {  	s9 =	sadd.s32 $0x4, s9;
	[tilespmem:s8+$0x10] =	vst v0;
	s6 =	sadd.s32 $0x40, s6;
	s7 =	sadd.s32 $0x40, s7  }
0x81: {  	s8 =	smov.u32 s10;
	v0 =	vld [tilespmem:s6+$0xFFFFFFE0];
	p0 =	slt.u32 s9, $0x1C;
	_ =	sdelay $0x4  }
0x82: {  	v1 =	vshll.u32 v0, $0x1;
	v2 =	vshll.u32 v0, $0x2;
	v3 =	vshra.s32 v0, $0xE  }
0x83: {  	v4 =	vshll.u32 v3, $0x1;
	v3 =	vand.u32 $0x3, v3  }
0x84: {  	v1 =	vand.u32 $0xFFFF0000, v1;
	v4 =	vand.u32 $0x2, v4  }
0x85: {  	v2 =	vand.u32 $0xFFFC, v2;
	v1 =	vor.u32 v4, v1  }
0x86: {  	v0 =	vand.u32 $0xFFFF0000, v0;
	v1 =	vor.u32 v2, v1  }
0x87: {  	v0 =	vor.u32 v0, v3;
	[tilespmem:s7+$0xFFFFFFE0] =	vst v1;
	v1 =	vor.u32 $0x1, v1  }
0x88: {  	v0 =	vor.u32 v2, v0;
	[tilespmem:s21+$0xFFFFFFE0] =	vst v1  }
0x89: {  	[tilespmem:s6+$0xFFFFFFE0] =	vst v0  }
0x8a: {  	v0 =	vld [tilespmem:s22+$0xFFFFFFE0];
	_ =	sdelay $0x4  }
0x8b: {  	v1 =	vshll.u32 v0, $0x2;
	v2 =	vshrl.u32 v0, $0xE  }
0x8c: {  	v0 =	vand.u32 $0xFFFF0000, v0;
	v1 =	vand.u32 $0xFFFC, v1  }
0x8d: {  	v0 =	vor.u32 v0, v1;
	v1 =	vand.u32 $0x3, v2  }
0x8e: {  	v0 =	vor.u32 v1, v0  }
0x8f: {  	[tilespmem:s22+$0xFFFFFFE0] =	vst v0  }
0x90: {  	v0 =	vld [tilespmem:s10+$0xFFFFFFE0];
	_ =	sdelay $0x4  }
0x91: {  	vm0 =	vgt.s32 v0, $0x0  }
0x92: {  	v0 =	vnsel vm0, $0x0, v0  }
0x93: {  	v0 =	vmin.u32 v0, $0x64  }
0x94: {  	v1 =	vshll.u32 v0, $0x2  }
0x95: {  	v0 =	vshrl.u32 v0, $0x5;
	v1 =	vand.u32 $0x7C, v1  }
0x96: {  	v0 =	vor.u32 v0, v1  }
0x97: {  	[tilespmem:s10+$0xFFFFFFE0] =	vst v0  }
0x98: {  	v0 =	vld [tilespmem:s6+$0xFFFFFFF0];
	_ =	sdelay $0x4  }
0x99: {  	v1 =	vshll.u32 v0, $0x1;
	v2 =	vshll.u32 v0, $0x2;
	v3 =	vshra.s32 v0, $0xE  }
0x9a: {  	v4 =	vshll.u32 v3, $0x1;
	v3 =	vand.u32 $0x3, v3  }
0x9b: {  	v1 =	vand.u32 $0xFFFF0000, v1;
	v4 =	vand.u32 $0x2, v4  }
0x9c: {  	v2 =	vand.u32 $0xFFFC, v2;
	v1 =	vor.u32 v4, v1  }
0x9d: {  	v0 =	vand.u32 $0xFFFF0000, v0;
	v1 =	vor.u32 v2, v1  }
0x9e: {  	v0 =	vor.u32 v0, v3;
	[tilespmem:s7+$0xFFFFFFF0] =	vst v1;
	v1 =	vor.u32 $0x1, v1  }
0x9f: {  	v0 =	vor.u32 v2, v0;
	[tilespmem:s21+$0xFFFFFFF0] =	vst v1  }
0xa0: {  	[tilespmem:s6+$0xFFFFFFF0] =	vst v0  }
0xa1: {  	v0 =	vld [tilespmem:s22+$0xFFFFFFF0];
	_ =	sdelay $0x4  }
0xa2: {  	v1 =	vshll.u32 v0, $0x2;
	v2 =	vshrl.u32 v0, $0xE  }
0xa3: {  	v0 =	vand.u32 $0xFFFF0000, v0;
	v1 =	vand.u32 $0xFFFC, v1  }
0xa4: {  	v0 =	vor.u32 v0, v1;
	v1 =	vand.u32 $0x3, v2  }
0xa5: {  	v0 =	vor.u32 v1, v0  }
0xa6: {  	[tilespmem:s22+$0xFFFFFFF0] =	vst v0  }
0xa7: {  	v0 =	vld [tilespmem:s10+$0xFFFFFFF0];
	_ =	sdelay $0x4  }
0xa8: {  	vm0 =	vgt.s32 v0, $0x0  }
0xa9: {  	v0 =	vnsel vm0, $0x0, v0  }
0xaa: {  	v0 =	vmin.u32 v0, $0x64  }
0xab: {  	v1 =	vshll.u32 v0, $0x2  }
0xac: {  	v0 =	vshrl.u32 v0, $0x5;
	v1 =	vand.u32 $0x7C, v1  }
0xad: {  	v0 =	vor.u32 v0, v1  }
0xae: {  	[tilespmem:s10+$0xFFFFFFF0] =	vst v0  }
0xaf: {  	v0 =	vld [tilespmem:s6+$0x0];
	_ =	sdelay $0x4  }
0xb0: {  	v1 =	vshll.u32 v0, $0x1;
	v2 =	vshll.u32 v0, $0x2;
	v3 =	vshra.s32 v0, $0xE  }
0xb1: {  	v4 =	vshll.u32 v3, $0x1;
	v3 =	vand.u32 $0x3, v3  }
0xb2: {  	v1 =	vand.u32 $0xFFFF0000, v1;
	v4 =	vand.u32 $0x2, v4  }
0xb3: {  	v2 =	vand.u32 $0xFFFC, v2;
	v1 =	vor.u32 v4, v1  }
0xb4: {  	v0 =	vand.u32 $0xFFFF0000, v0;
	v1 =	vor.u32 v2, v1  }
0xb5: {  	v0 =	vor.u32 v0, v3;
	[tilespmem:s7+$0x0] =	vst v1;
	v1 =	vor.u32 $0x1, v1  }
0xb6: {  	v0 =	vor.u32 v2, v0;
	[tilespmem:s21+$0x0] =	vst v1  }
0xb7: {  	[tilespmem:s6+$0x0] =	vst v0  }
0xb8: {  	v0 =	vld [tilespmem:s22+$0x0];
	_ =	sdelay $0x4  }
0xb9: {  	v1 =	vshll.u32 v0, $0x2;
	v2 =	vshrl.u32 v0, $0xE  }
0xba: {  	v0 =	vand.u32 $0xFFFF0000, v0;
	v1 =	vand.u32 $0xFFFC, v1  }
0xbb: {  	v0 =	vor.u32 v0, v1;
	v1 =	vand.u32 $0x3, v2  }
0xbc: {  	v0 =	vor.u32 v1, v0  }
0xbd: {  	[tilespmem:s22+$0x0] =	vst v0  }
0xbe: {  	v0 =	vld [tilespmem:s10+$0x0];
	_ =	sdelay $0x4  }
0xbf: {  	vm0 =	vgt.s32 v0, $0x0  }
0xc0: {  	v0 =	vnsel vm0, $0x0, v0  }
0xc1: {  	v0 =	vmin.u32 v0, $0x64  }
0xc2: {  	v1 =	vshll.u32 v0, $0x2  }
0xc3: {  	v0 =	vshrl.u32 v0, $0x5;
	v1 =	vand.u32 $0x7C, v1  }
0xc4: {  	v0 =	vor.u32 v0, v1  }
0xc5: {  	[tilespmem:s10+$0x0] =	vst v0  }
0xc6: {  	v0 =	vld [tilespmem:s6+$0x10];
	_ =	sdelay $0x4  }
0xc7: {  	v1 =	vshll.u32 v0, $0x1;
	v2 =	vshll.u32 v0, $0x2;
	v3 =	vshra.s32 v0, $0xE  }
0xc8: {  	v4 =	vshll.u32 v3, $0x1;
	v3 =	vand.u32 $0x3, v3  }
0xc9: {  	v1 =	vand.u32 $0xFFFF0000, v1;
	v4 =	vand.u32 $0x2, v4  }
0xca: {  	v2 =	vand.u32 $0xFFFC, v2;
	v1 =	vor.u32 v4, v1  }
0xcb: {  	v0 =	vand.u32 $0xFFFF0000, v0;
	v1 =	vor.u32 v2, v1  }
0xcc: {  	v0 =	vor.u32 v0, v3;
	[tilespmem:s7+$0x10] =	vst v1;
	v1 =	vor.u32 $0x1, v1  }
0xcd: {  	v0 =	vor.u32 v2, v0;
	[tilespmem:s21+$0x10] =	vst v1  }
0xce: {  	[tilespmem:s6+$0x10] =	vst v0  }
0xcf: {  	v0 =	vld [tilespmem:s22+$0x10];
	_ =	sdelay $0x4  }
0xd0: {  	v1 =	vshll.u32 v0, $0x2;
	v2 =	vshrl.u32 v0, $0xE  }
0xd1: {  	v0 =	vand.u32 $0xFFFF0000, v0;
	v1 =	vand.u32 $0xFFFC, v1  }
0xd2: {  	v0 =	vor.u32 v0, v1;
	v1 =	vand.u32 $0x3, v2  }
0xd3: {  	v0 =	vor.u32 v1, v0  }
0xd4: {  	[tilespmem:s22+$0x10] =	vst v0  }
0xd5: {  	v0 =	vld [tilespmem:s10+$0x10];
	_ =	sdelay $0x4  }
0xd6: {  	vm0 =	vgt.s32 v0, $0x0  }
.Ltmp0:
0xd7: {  	v0 =	vnsel vm0, $0x0, v0;
	(pc) =	sbr.rel @p0 .LBB2_2-.Ltmp0, $4  }
0xd8: {  	v0 =	vmin.u32 v0, $0x64  }
0xd9: {  	v1 =	vshll.u32 v0, $0x2  }
0xda: {  	v0 =	vshrl.u32 v0, $0x5;
	v1 =	vand.u32 $0x7C, v1  }
0xdb: {  	s21 =	sadd.s32 $0x40, s21;
	s22 =	sadd.s32 $0x40, s22;
	s10 =	sadd.s32 $0x40, s10;
	v0 =	vor.u32 v0, v1  }
0xdc: {  	[tilespmem:s8+$0x10] =	vst v0;
	s6 =	rddreg [dreg:$0x5]  }
0xdd: {  	[tilespmem:s24], [sflag:$0x1] =	stream.indirect.gather [hbm4b:s6+s23], $0x10, s1, s23, $0xb8;
	[tilespmem:$0xFF00] =	vst v63  }
0xde: {  	_ = 	snop  }
0xdf: {  	[tilespmem:s25], [sflag:$0x1] =	stream.indirect.gather [hbm4b:s4+s23], $0x10, s23, s23, $0xb8;
	[tilespmem:$0xFF00] =	vst v63  }
0xe0: {  	s10 =	simm.s32 $0x400  }
0xe1: {  	[tilespmem:s28], [sflag:$0x1] =	stream.indirect.gather [hbm4b:s4+s23], $0x10, s10, s23, $0xb8;
	[tilespmem:$0xFF00] =	vst v63  }
0xe2: {  	_ = 	snop  }
0xe3: {  	[tilespmem:s29], [sflag:$0x1] =	stream.indirect.gather [hbm4b:s5+s23], $0x10, s11, s23, $0xb8;
	[tilespmem:$0xFF00] =	vst v63  }
0xe4: {  	s7 =	simm.s32 $0x800;
	s11 =	rddreg [dreg:$0x6]  }
0xe5: {  	[tilespmem:s30], [sflag:$0x1] =	stream.indirect.gather [hbm4b:s11+s23], $0x10, s7, s23, $0xb8;
	[tilespmem:$0xFF00] =	vst v63  }
0xe6: {  	_ =	swait.ge [sflag:s31], $0x2000  }
0xe7: {  	[sflag:s31] =	ssyncset.done $0x0  }
0xe8: {  	[sflag:s31] =	ssyncadd.s32 $0xFFFFE000  }
0xe9: {  	_ =	swait.ge [sflag:s31], $0x2000  }
0xea: {  	[sflag:s31] =	ssyncset.done $0x0  }
0xeb: {  	[sflag:s31] =	ssyncadd.s32 $0xFFFFE000  }
0xec: {  	_ =	swait.ge [sflag:s31], $0x2000  }
0xed: {  	[sflag:s31] =	ssyncset.done $0x0  }
0xee: {  	[sflag:s31] =	ssyncadd.s32 $0xFFFFE000  }
0xef: {  	_ =	swait.ge [sflag:s31], $0x2000  }
0xf0: {  	[sflag:s31] =	ssyncset.done $0x0  }
0xf1: {  	[sflag:s31] =	ssyncadd.s32 $0xFFFFE000  }
0xf2: {  	_ =	swait.ge [sflag:s31], $0x2000  }
0xf3: {  	[sflag:s31] =	ssyncset.done $0x0  }
0xf4: {  	s21 =	rddreg [dreg:$0xa];
	[sflag:s31] =	ssyncadd.s32 $0xFFFFE000  }
0xf5: {  	[hbm4b:s21+s1] =	stream.linear.scatter [tilespmem:s24], [sflag:$0x2], $0x2000, $0x38;
	[tilespmem:$0xFF00] =	vst v63  }
0xf6: {  	_ =	swait.ge [sflag:s20], $0x2000  }
0xf7: {  	[sflag:s20] =	ssyncset.done $0x0  }
0xf8: {  	s22 =	rddreg [dreg:$0xb];
	[sflag:s20] =	ssyncadd.s32 $0xFFFFE000  }
0xf9: {  	[hbm4b:s22+s1] =	stream.linear.scatter [tilespmem:s25], [sflag:$0x2], $0x2000, $0x38;
	[tilespmem:$0xFF00] =	vst v63  }
0xfa: {  	_ =	swait.ge [sflag:s20], $0x2000  }
0xfb: {  	[sflag:s20] =	ssyncset.done $0x0  }
0xfc: {  	[sflag:s20] =	ssyncadd.s32 $0xFFFFE000  }
0xfd: {  	[hbm4b:s12+s1] =	stream.linear.scatter [tilespmem:s28], [sflag:$0x2], $0x2000, $0x38;
	[tilespmem:$0xFF00] =	vst v63  }
0xfe: {  	_ =	swait.ge [sflag:s20], $0x2000  }
0xff: {  	[sflag:s20] =	ssyncset.done $0x0  }
0x100: {  	[sflag:s20] =	ssyncadd.s32 $0xFFFFE000  }
0x101: {  	[hbm4b:s13+s1] =	stream.linear.scatter [tilespmem:s29], [sflag:$0x2], $0x2000, $0x38;
	[tilespmem:$0xFF00] =	vst v63  }
0x102: {  	_ =	swait.ge [sflag:s20], $0x2000  }
0x103: {  	[sflag:s20] =	ssyncset.done $0x0  }
0x104: {  	[sflag:s20] =	ssyncadd.s32 $0xFFFFE000  }
0x105: {  	[hbm4b:s14+s1] =	stream.linear.scatter [tilespmem:s30], [sflag:$0x2], $0x2000, $0x38;
	[tilespmem:$0xFF00] =	vst v63  }
0x106: {  	_ =	swait.ge [sflag:s20], $0x2000  }
0x107: {  	[sflag:s20] =	ssyncset.done $0x0  }
0x108: {  	[sflag:s20] =	ssyncadd.s32 $0xFFFFE000  }
0x109: {  	[tilespmem:s0], [sflag:$0x2] =	stream.linear.gather [hbm4b:s15+s1], $0x500, $0x38;
	[tilespmem:$0xFF00] =	vst v63  }
0x10a: {  	_ =	swait.ge [sflag:s20], $0x500  }
0x10b: {  	[sflag:s20] =	ssyncset.done $0x0  }
0x10c: {  	s21 =	simm.s32 $0xA20;
	[sflag:s20] =	ssyncadd.s32 $0xFFFFFB00  }
0x10d: {  	v0 =	vld [tilespmem:s21+$0xFFFFFFF0];
	_ =	sdelay $0x1  }
0x10e: {  	s10 =	simm.s32 $0xA60  }
0x10f: {  	v1 =	vld [tilespmem:s10+$0xFFFFFFF0];
	_ =	sdelay $0x1  }
0x110: {  	v2 =	vshll.u32 v0, $0x2  }
0x111: {  	v3 =	vand.u32 $0xFFFF0000, v0;
	v0 =	vshrl.u32 v0, $0xE;
	v2 =	vand.u32 $0xFFFC, v2  }
0x112: {  	v0 =	vand.u32 $0x3, v0;
	v2 =	vor.u32 v3, v2  }
0x113: {  	v0 =	vor.u32 v0, v2;
	v2 =	vshll.u32 v1, $0x2  }
0x114: {  	s9 =	simm.s32 $0xAA0;
	[tilespmem:s21+$0xFFFFFFF0] =	vst v0;
	v0 =	vand.u32 $0xFFFF0000, v1;
	v2 =	vand.u32 $0xFFFC, v2;
	v1 =	vshrl.u32 v1, $0xE  }
0x115: {  	v0 =	vor.u32 v0, v2;
	v1 =	vand.u32 $0x3, v1;
	v2 =	vld [tilespmem:s9+$0xFFFFFFF0]  }
0x116: {  	v0 =	vor.u32 v1, v0  }
0x117: {  	s8 =	simm.s32 $0xAE0;
	[tilespmem:s10+$0xFFFFFFF0] =	vst v0  }
0x118: {  	v0 =	vld [tilespmem:s8+$0xFFFFFFF0];
	_ =	sdelay $0x1  }
0x119: {  	v1 =	vshll.u32 v2, $0x2  }
0x11a: {  	v3 =	vand.u32 $0xFFFF0000, v2;
	v2 =	vshrl.u32 v2, $0xE;
	v1 =	vand.u32 $0xFFFC, v1  }
0x11b: {  	v2 =	vand.u32 $0x3, v2;
	v1 =	vor.u32 v3, v1  }
0x11c: {  	v1 =	vor.u32 v2, v1;
	v2 =	vshll.u32 v0, $0x2  }
0x11d: {  	s7 =	simm.s32 $0xB20;
	[tilespmem:s9+$0xFFFFFFF0] =	vst v1;
	v1 =	vand.u32 $0xFFFF0000, v0;
	v2 =	vand.u32 $0xFFFC, v2;
	v0 =	vshrl.u32 v0, $0xE  }
0x11e: {  	v1 =	vor.u32 v1, v2;
	v0 =	vand.u32 $0x3, v0;
	v2 =	vld [tilespmem:s7+$0xFFFFFFF0]  }
0x11f: {  	v0 =	vor.u32 v0, v1  }
0x120: {  	[tilespmem:s8+$0xFFFFFFF0] =	vst v0  }
0x121: {  	v0 =	vld [tilespmem:s21+$0xFFFFFFE0];
	_ =	sdelay $0x1  }
0x122: {  	v1 =	vshll.u32 v2, $0x2  }
0x123: {  	v4 =	vld [tilespmem:s21+$0x10];
	v3 =	vand.u32 $0xFFFF0000, v2;
	v2 =	vshrl.u32 v2, $0xE;
	v1 =	vand.u32 $0xFFFC, v1  }
0x124: {  	s6 =	simm.s32 $0xB60;
	v2 =	vand.u32 $0x3, v2;
	v1 =	vor.u32 v3, v1  }
0x125: {  	v1 =	vor.u32 v2, v1;
	v2 =	vld [tilespmem:s6+$0xFFFFFFF0];
	v3 =	vshll.u32 v0, $0x2  }
0x126: {  	v5 =	vand.u32 $0xFFFF0000, v0;
	v0 =	vshrl.u32 v0, $0xE;
	v3 =	vand.u32 $0xFFFC, v3  }
0x127: {  	[tilespmem:s7+$0xFFFFFFF0] =	vst v1;
	v0 =	vand.u32 $0x3, v0;
	v1 =	vor.u32 v5, v3  }
0x128: {  	v5 =	vld [tilespmem:s21+$0x0];
	v3 =	vshrl.u32 v4, $0xE;
	v0 =	vor.u32 v0, v1;
	v1 =	vshll.u32 v4, $0x2  }
0x129: {  	v4 =	vand.u32 $0xFFFF0000, v4;
	v3 =	vand.u32 $0x3, v3;
	v1 =	vand.u32 $0xFFFC, v1;
	[tilespmem:s21+$0xFFFFFFE0] =	vst v0  }
0x12a: {  	v0 =	vand.u32 $0xFFFF0000, v2;
	v6 =	vshll.u32 v2, $0x2;
	v4 =	vor.u32 v4, v1;
	v1 =	vld [tilespmem:s10+$0xFFFFFFE0]  }
0x12b: {  	v7 =	vshrl.u32 v2, $0xE;
	v6 =	vand.u32 $0xFFFC, v6;
	v3 =	vor.u32 v3, v4  }
0x12c: {  	v4 =	vand.u32 $0x3, v7;
	v2 =	vor.u32 v0, v6;
	[tilespmem:s21+$0x10] =	vst v3  }
0x12d: {  	s11 =	simm.s32 $0xBA0;
	s22 =	simm.s32 $0x14;
	v3 =	vand.u32 $0xFFFF0000, v5;
	v6 =	vshll.u32 v5, $0x2;
	v5 =	vshrl.u32 v5, $0xE;
	v0 =	vld [tilespmem:s10+$0x10]  }
.LBB2_4:
0x12e: {  	s22 =	sadd.s32 $0x4, s22;
	v2 =	vor.u32 v4, v2;
	v4 =	vand.u32 $0xFFFC, v6;
	v5 =	vand.u32 $0x3, v5  }
0x12f: {  	v6 =	vld [tilespmem:s11+$0xFFFFFFF0];
	p0 =	slt.u32 s22, $0x4C;
	[tilespmem:s6+$0xFFFFFFF0] =	vst v2;
	v2 =	vand.u32 $0xFFFF0000, v1;
	v7 =	vshll.u32 v1, $0x2;
	v3 =	vor.u32 v3, v4  }
0x130: {  	v1 =	vshrl.u32 v1, $0xE;
	v4 =	vand.u32 $0xFFFC, v7;
	v3 =	vor.u32 v5, v3  }
0x131: {  	v1 =	vand.u32 $0x3, v1;
	v2 =	vor.u32 v2, v4;
	[tilespmem:s21+$0x0] =	vst v3;
	s21 =	smov.u32 s10;
	s10 =	smov.u32 s9;
	s9 =	smov.u32 s8  }
0x132: {  	s8 =	smov.u32 s7;
	s7 =	smov.u32 s6;
	s6 =	smov.u32 s11;
	v1 =	vor.u32 v1, v2;
	v5 =	vld [tilespmem:s21+$0x0];
	v2 =	vshll.u32 v0, $0x2;
	v3 =	vshrl.u32 v0, $0xE  }
.Ltmp1:
0x133: {  	v0 =	vand.u32 $0xFFFF0000, v0;
	[tilespmem:s21+$0xFFFFFFE0] =	vst v1;
	v2 =	vand.u32 $0xFFFC, v2;
	v3 =	vand.u32 $0x3, v3;
	(pc) =	sbr.rel @p0 .LBB2_4-.Ltmp1, $4  }
0x134: {  	v4 =	vand.u32 $0xFFFF0000, v6;
	v7 =	vshll.u32 v6, $0x2;
	v1 =	vld [tilespmem:s10+$0xFFFFFFE0];
	v0 =	vor.u32 v0, v2  }
0x135: {  	v6 =	vshrl.u32 v6, $0xE;
	v2 =	vand.u32 $0xFFFC, v7;
	v0 =	vor.u32 v3, v0  }
0x136: {  	v2 =	vor.u32 v4, v2;
	v4 =	vand.u32 $0x3, v6;
	[tilespmem:s21+$0x10] =	vst v0  }
0x137: {  	s11 =	sadd.s32 $0x40, s11;
	v0 =	vld [tilespmem:s10+$0x10];
	v3 =	vand.u32 $0xFFFF0000, v5;
	v6 =	vshll.u32 v5, $0x2;
	v5 =	vshrl.u32 v5, $0xE  }
0x138: {  	v6 =	vand.u32 $0xFFFC, v6  }
0x139: {  	v2 =	vor.u32 v4, v2;
	v4 =	vand.u32 $0x3, v5;
	v3 =	vor.u32 v3, v6  }
0x13a: {  	[tilespmem:s6+$0xFFFFFFF0] =	vst v2;
	v2 =	vor.u32 v4, v3  }
0x13b: {  	v3 =	vshll.u32 v1, $0x2;
	[tilespmem:s21+$0x0] =	vst v2  }
0x13c: {  	v2 =	vand.u32 $0xFFFF0000, v1;
	v3 =	vand.u32 $0xFFFC, v3;
	v1 =	vshrl.u32 v1, $0xE;
	v4 =	vld [tilespmem:s10+$0x0]  }
0x13d: {  	v2 =	vor.u32 v2, v3;
	v1 =	vand.u32 $0x3, v1  }
0x13e: {  	v1 =	vor.u32 v1, v2;
	v2 =	vshll.u32 v0, $0x2  }
0x13f: {  	v3 =	vshrl.u32 v0, $0xE;
	v0 =	vand.u32 $0xFFFF0000, v0;
	[tilespmem:s10+$0xFFFFFFE0] =	vst v1;
	v1 =	vand.u32 $0xFFFC, v2  }
0x140: {  	v2 =	vand.u32 $0x3, v3;
	v3 =	vld [tilespmem:s9+$0xFFFFFFE0];
	v0 =	vor.u32 v0, v1  }
0x141: {  	v0 =	vor.u32 v2, v0;
	v1 =	vshll.u32 v4, $0x2  }
0x142: {  	[tilespmem:s10+$0x10] =	vst v0;
	v0 =	vand.u32 $0xFFFF0000, v4;
	v2 =	vshrl.u32 v4, $0xE;
	v1 =	vand.u32 $0xFFFC, v1  }
0x143: {  	v4 =	vld [tilespmem:s9+$0x10];
	v2 =	vand.u32 $0x3, v2;
	v0 =	vor.u32 v0, v1  }
0x144: {  	v0 =	vor.u32 v2, v0  }
0x145: {  	v1 =	vshll.u32 v3, $0x2;
	[tilespmem:s10+$0x0] =	vst v0  }
0x146: {  	v2 =	vshrl.u32 v3, $0xE;
	v0 =	vand.u32 $0xFFFF0000, v3;
	v1 =	vand.u32 $0xFFFC, v1;
	v3 =	vld [tilespmem:s9+$0x0]  }
0x147: {  	v0 =	vor.u32 v0, v1;
	v1 =	vand.u32 $0x3, v2  }
0x148: {  	v0 =	vor.u32 v1, v0;
	v1 =	vshll.u32 v4, $0x2  }
0x149: {  	v2 =	vshrl.u32 v4, $0xE;
	[tilespmem:s9+$0xFFFFFFE0] =	vst v0;
	v0 =	vand.u32 $0xFFFF0000, v4;
	v1 =	vand.u32 $0xFFFC, v1  }
0x14a: {  	v2 =	vand.u32 $0x3, v2;
	v4 =	vld [tilespmem:s8+$0xFFFFFFE0];
	v0 =	vor.u32 v0, v1  }
0x14b: {  	v0 =	vor.u32 v2, v0;
	v1 =	vshll.u32 v3, $0x2  }
0x14c: {  	[tilespmem:s9+$0x10] =	vst v0;
	v0 =	vand.u32 $0xFFFF0000, v3;
	v2 =	vshrl.u32 v3, $0xE;
	v1 =	vand.u32 $0xFFFC, v1  }
0x14d: {  	v3 =	vld [tilespmem:s8+$0x10];
	v2 =	vand.u32 $0x3, v2;
	v0 =	vor.u32 v0, v1  }
0x14e: {  	v0 =	vor.u32 v2, v0  }
0x14f: {  	v1 =	vshll.u32 v4, $0x2;
	[tilespmem:s9+$0x0] =	vst v0  }
0x150: {  	v2 =	vshrl.u32 v4, $0xE;
	v0 =	vand.u32 $0xFFFF0000, v4;
	v1 =	vand.u32 $0xFFFC, v1;
	v4 =	vld [tilespmem:s8+$0x0]  }
0x151: {  	v0 =	vor.u32 v0, v1;
	v1 =	vand.u32 $0x3, v2  }
0x152: {  	v0 =	vor.u32 v1, v0;
	v1 =	vshll.u32 v3, $0x2  }
0x153: {  	v2 =	vshrl.u32 v3, $0xE;
	[tilespmem:s8+$0xFFFFFFE0] =	vst v0;
	v0 =	vand.u32 $0xFFFF0000, v3;
	v1 =	vand.u32 $0xFFFC, v1  }
0x154: {  	v2 =	vand.u32 $0x3, v2;
	v3 =	vld [tilespmem:s7+$0xFFFFFFE0];
	v0 =	vor.u32 v0, v1  }
0x155: {  	v0 =	vor.u32 v2, v0;
	v1 =	vshll.u32 v4, $0x2  }
0x156: {  	[tilespmem:s8+$0x10] =	vst v0;
	v0 =	vand.u32 $0xFFFF0000, v4;
	v2 =	vshrl.u32 v4, $0xE;
	v1 =	vand.u32 $0xFFFC, v1  }
0x157: {  	v4 =	vld [tilespmem:s7+$0x10];
	v2 =	vand.u32 $0x3, v2;
	v0 =	vor.u32 v0, v1  }
0x158: {  	v0 =	vor.u32 v2, v0  }
0x159: {  	v1 =	vshll.u32 v3, $0x2;
	[tilespmem:s8+$0x0] =	vst v0  }
0x15a: {  	v2 =	vshrl.u32 v3, $0xE;
	v0 =	vand.u32 $0xFFFF0000, v3;
	v1 =	vand.u32 $0xFFFC, v1;
	v3 =	vld [tilespmem:s7+$0x0]  }
0x15b: {  	v0 =	vor.u32 v0, v1;
	v1 =	vand.u32 $0x3, v2  }
0x15c: {  	v0 =	vor.u32 v1, v0;
	v1 =	vshll.u32 v4, $0x2  }
0x15d: {  	v2 =	vshrl.u32 v4, $0xE;
	v4 =	vand.u32 $0xFFFF0000, v4;
	v1 =	vand.u32 $0xFFFC, v1  }
0x15e: {  	[tilespmem:s7+$0xFFFFFFE0] =	vst v0;
	v0 =	vand.u32 $0x3, v2;
	v1 =	vor.u32 v4, v1  }
0x15f: {  	v2 =	vld [tilespmem:s6+$0xFFFFFFE0];
	v0 =	vor.u32 v0, v1;
	v1 =	vshll.u32 v3, $0x2  }
0x160: {  	v4 =	vand.u32 $0xFFFF0000, v3;
	v3 =	vshrl.u32 v3, $0xE;
	v1 =	vand.u32 $0xFFFC, v1  }
0x161: {  	[tilespmem:s7+$0x10] =	vst v0;
	v0 =	vand.u32 $0x3, v3;
	v1 =	vor.u32 v4, v1  }
0x162: {  	v3 =	vld [tilespmem:s6+$0x10];
	v0 =	vor.u32 v0, v1  }
0x163: {  	[tilespmem:s7+$0x0] =	vst v0  }
0x164: {  	v0 =	vshll.u32 v2, $0x2;
	v1 =	vld [tilespmem:s6+$0x0]  }
0x165: {  	v4 =	vand.u32 $0xFFFF0000, v2;
	v2 =	vshrl.u32 v2, $0xE;
	v0 =	vand.u32 $0xFFFC, v0  }
0x166: {  	v2 =	vand.u32 $0x3, v2;
	v0 =	vor.u32 v4, v0  }
0x167: {  	v0 =	vor.u32 v2, v0;
	v2 =	vshll.u32 v3, $0x2  }
0x168: {  	v4 =	vshrl.u32 v3, $0xE;
	v3 =	vand.u32 $0xFFFF0000, v3;
	v2 =	vand.u32 $0xFFFC, v2  }
0x169: {  	v4 =	vand.u32 $0x3, v4;
	v2 =	vor.u32 v3, v2;
	v3 =	vshll.u32 v1, $0x2  }
0x16a: {  	v5 =	vand.u32 $0xFFFF0000, v1;
	v1 =	vshrl.u32 v1, $0xE;
	v3 =	vand.u32 $0xFFFC, v3  }
0x16b: {  	[tilespmem:s6+$0xFFFFFFE0] =	vst v0;
	v0 =	vor.u32 v4, v2;
	v1 =	vand.u32 $0x3, v1;
	v2 =	vor.u32 v5, v3  }
0x16c: {  	[tilespmem:s6+$0x10] =	vst v0;
	v0 =	vor.u32 v1, v2  }
0x16d: {  	[tilespmem:s6+$0x0] =	vst v0  }
0x16e: {  	[tilespmem:s26], [sflag:$0x1] =	stream.indirect.gather [hbm4b:s5+s2], $0x10, s0, s2, $0xb8;
	[tilespmem:$0xFF00] =	vst v63  }
0x16f: {  	_ =	swait.ge [sflag:s31], $0x5000  }
0x170: {  	[sflag:s31] =	ssyncset.done $0x0  }
0x171: {  	[sflag:s31] =	ssyncadd.s32 $0xFFFFB000  }
0x172: {  	[hbm4b:s16+s1] =	stream.linear.scatter [tilespmem:s26], [sflag:$0x2], $0x5000, $0x38;
	[tilespmem:$0xFF00] =	vst v63  }
0x173: {  	_ =	swait.ge [sflag:s20], $0x5000  }
0x174: {  	[sflag:s20] =	ssyncset.done $0x0  }
0x175: {  	[sflag:s20] =	ssyncadd.s32 $0xFFFFB000  }
0x176: {  	[tilespmem:s0], [sflag:$0x2] =	stream.linear.gather [hbm4b:s17+s1], $0x500, $0x38;
	[tilespmem:$0xFF00] =	vst v63  }
0x177: {  	_ =	swait.ge [sflag:s20], $0x500  }
0x178: {  	[sflag:s20] =	ssyncset.done $0x0  }
0x179: {  	s21 =	simm.s32 $0xA20;
	[sflag:s20] =	ssyncadd.s32 $0xFFFFFB00  }
0x17a: {  	v0 =	vld [tilespmem:s21+$0xFFFFFFF0];
	_ =	sdelay $0x1  }
0x17b: {  	s10 =	simm.s32 $0xA60  }
0x17c: {  	v1 =	vld [tilespmem:s10+$0xFFFFFFF0];
	_ =	sdelay $0x1  }
0x17d: {  	v2 =	vshll.u32 v0, $0x2  }
0x17e: {  	v3 =	vand.u32 $0xFFFF0000, v0;
	v0 =	vshrl.u32 v0, $0xE;
	v2 =	vand.u32 $0xFFFC, v2  }
0x17f: {  	v0 =	vand.u32 $0x3, v0;
	v2 =	vor.u32 v3, v2  }
0x180: {  	v0 =	vor.u32 v0, v2;
	v2 =	vshll.u32 v1, $0x2  }
0x181: {  	s9 =	simm.s32 $0xAA0;
	[tilespmem:s21+$0xFFFFFFF0] =	vst v0;
	v0 =	vand.u32 $0xFFFF0000, v1;
	v2 =	vand.u32 $0xFFFC, v2;
	v1 =	vshrl.u32 v1, $0xE  }
0x182: {  	v0 =	vor.u32 v0, v2;
	v1 =	vand.u32 $0x3, v1;
	v2 =	vld [tilespmem:s9+$0xFFFFFFF0]  }
0x183: {  	v0 =	vor.u32 v1, v0  }
0x184: {  	s8 =	simm.s32 $0xAE0;
	[tilespmem:s10+$0xFFFFFFF0] =	vst v0  }
0x185: {  	v0 =	vld [tilespmem:s8+$0xFFFFFFF0];
	_ =	sdelay $0x1  }
0x186: {  	v1 =	vshll.u32 v2, $0x2  }
0x187: {  	v3 =	vand.u32 $0xFFFF0000, v2;
	v2 =	vshrl.u32 v2, $0xE;
	v1 =	vand.u32 $0xFFFC, v1  }
0x188: {  	v2 =	vand.u32 $0x3, v2;
	v1 =	vor.u32 v3, v1  }
0x189: {  	v1 =	vor.u32 v2, v1;
	v2 =	vshll.u32 v0, $0x2  }
0x18a: {  	s7 =	simm.s32 $0xB20;
	[tilespmem:s9+$0xFFFFFFF0] =	vst v1;
	v1 =	vand.u32 $0xFFFF0000, v0;
	v2 =	vand.u32 $0xFFFC, v2;
	v0 =	vshrl.u32 v0, $0xE  }
0x18b: {  	v1 =	vor.u32 v1, v2;
	v0 =	vand.u32 $0x3, v0;
	v2 =	vld [tilespmem:s7+$0xFFFFFFF0]  }
0x18c: {  	v0 =	vor.u32 v0, v1  }
0x18d: {  	[tilespmem:s8+$0xFFFFFFF0] =	vst v0  }
0x18e: {  	v0 =	vld [tilespmem:s21+$0xFFFFFFE0];
	_ =	sdelay $0x1  }
0x18f: {  	v1 =	vshll.u32 v2, $0x2  }
0x190: {  	v4 =	vld [tilespmem:s21+$0x10];
	v3 =	vand.u32 $0xFFFF0000, v2;
	v2 =	vshrl.u32 v2, $0xE;
	v1 =	vand.u32 $0xFFFC, v1  }
0x191: {  	s6 =	simm.s32 $0xB60;
	v2 =	vand.u32 $0x3, v2;
	v1 =	vor.u32 v3, v1  }
0x192: {  	v1 =	vor.u32 v2, v1;
	v2 =	vld [tilespmem:s6+$0xFFFFFFF0];
	v3 =	vshll.u32 v0, $0x2  }
0x193: {  	v5 =	vand.u32 $0xFFFF0000, v0;
	v0 =	vshrl.u32 v0, $0xE;
	v3 =	vand.u32 $0xFFFC, v3  }
0x194: {  	[tilespmem:s7+$0xFFFFFFF0] =	vst v1;
	v0 =	vand.u32 $0x3, v0;
	v1 =	vor.u32 v5, v3  }
0x195: {  	v5 =	vld [tilespmem:s21+$0x0];
	v3 =	vshrl.u32 v4, $0xE;
	v0 =	vor.u32 v0, v1;
	v1 =	vshll.u32 v4, $0x2  }
0x196: {  	v4 =	vand.u32 $0xFFFF0000, v4;
	v3 =	vand.u32 $0x3, v3;
	v1 =	vand.u32 $0xFFFC, v1;
	[tilespmem:s21+$0xFFFFFFE0] =	vst v0  }
0x197: {  	v0 =	vand.u32 $0xFFFF0000, v2;
	v6 =	vshll.u32 v2, $0x2;
	v4 =	vor.u32 v4, v1;
	v1 =	vld [tilespmem:s10+$0xFFFFFFE0]  }
0x198: {  	v7 =	vshrl.u32 v2, $0xE;
	v6 =	vand.u32 $0xFFFC, v6;
	v3 =	vor.u32 v3, v4  }
0x199: {  	v4 =	vand.u32 $0x3, v7;
	v2 =	vor.u32 v0, v6;
	[tilespmem:s21+$0x10] =	vst v3  }
0x19a: {  	s22 =	simm.s32 $0x14;
	s11 =	simm.s32 $0xBA0;
	v3 =	vand.u32 $0xFFFF0000, v5;
	v6 =	vshll.u32 v5, $0x2;
	v5 =	vshrl.u32 v5, $0xE;
	v0 =	vld [tilespmem:s10+$0x10]  }
.LBB2_6:
0x19b: {  	s22 =	sadd.s32 $0x4, s22;
	v2 =	vor.u32 v4, v2;
	v4 =	vand.u32 $0xFFFC, v6;
	v5 =	vand.u32 $0x3, v5  }
0x19c: {  	v6 =	vld [tilespmem:s11+$0xFFFFFFF0];
	p0 =	slt.u32 s22, $0x4C;
	[tilespmem:s6+$0xFFFFFFF0] =	vst v2;
	v2 =	vand.u32 $0xFFFF0000, v1;
	v7 =	vshll.u32 v1, $0x2;
	v3 =	vor.u32 v3, v4  }
0x19d: {  	v1 =	vshrl.u32 v1, $0xE;
	v4 =	vand.u32 $0xFFFC, v7;
	v3 =	vor.u32 v5, v3  }
0x19e: {  	v1 =	vand.u32 $0x3, v1;
	v2 =	vor.u32 v2, v4;
	[tilespmem:s21+$0x0] =	vst v3;
	s21 =	smov.u32 s10;
	s10 =	smov.u32 s9;
	s9 =	smov.u32 s8  }
0x19f: {  	s8 =	smov.u32 s7;
	s7 =	smov.u32 s6;
	s6 =	smov.u32 s11;
	v1 =	vor.u32 v1, v2;
	v5 =	vld [tilespmem:s21+$0x0];
	v2 =	vshll.u32 v0, $0x2;
	v3 =	vshrl.u32 v0, $0xE  }
.Ltmp2:
0x1a0: {  	v0 =	vand.u32 $0xFFFF0000, v0;
	[tilespmem:s21+$0xFFFFFFE0] =	vst v1;
	v2 =	vand.u32 $0xFFFC, v2;
	v3 =	vand.u32 $0x3, v3;
	(pc) =	sbr.rel @p0 .LBB2_6-.Ltmp2, $4  }
0x1a1: {  	v4 =	vand.u32 $0xFFFF0000, v6;
	v7 =	vshll.u32 v6, $0x2;
	v1 =	vld [tilespmem:s10+$0xFFFFFFE0];
	v0 =	vor.u32 v0, v2  }
0x1a2: {  	v6 =	vshrl.u32 v6, $0xE;
	v2 =	vand.u32 $0xFFFC, v7;
	v0 =	vor.u32 v3, v0  }
0x1a3: {  	v2 =	vor.u32 v4, v2;
	v4 =	vand.u32 $0x3, v6;
	[tilespmem:s21+$0x10] =	vst v0  }
0x1a4: {  	s11 =	sadd.s32 $0x40, s11;
	v0 =	vld [tilespmem:s10+$0x10];
	v3 =	vand.u32 $0xFFFF0000, v5;
	v6 =	vshll.u32 v5, $0x2;
	v5 =	vshrl.u32 v5, $0xE  }
0x1a5: {  	v6 =	vand.u32 $0xFFFC, v6  }
0x1a6: {  	v2 =	vor.u32 v4, v2;
	v57 =	vand.u32 $0x3, v5;
	v3 =	vor.u32 v3, v6  }
0x1a7: {  	[tilespmem:s6+$0xFFFFFFF0] =	vst v2;
	v58 =	vor.u32 v57, v3  }
0x1a8: {  	v59 =	vshll.u32 v1, $0x2;
	[tilespmem:s21+$0x0] =	vst v58  }
0x1a9: {  	v60 =	vand.u32 $0xFFFF0000, v1;
	v61 =	vshrl.u32 v1, $0xE;
	v3 =	vand.u32 $0xFFFC, v59;
	v62 =	vld [tilespmem:s10+$0x0]  }
0x1aa: {  	v1 =	vand.u32 $0x3, v61;
	v2 =	vor.u32 v60, v3  }
0x1ab: {  	v1 =	vor.u32 v1, v2;
	v63 =	vshll.u32 v0, $0x2  }
0x1ac: {  	v6 =	vshrl.u32 v0, $0xE;
	v7 =	vand.u32 $0xFFFF0000, v0;
	[tilespmem:s10+$0xFFFFFFE0] =	vst v1;
	v8 =	vand.u32 $0xFFFC, v63  }
0x1ad: {  	v9 =	vand.u32 $0x3, v6;
	v10 =	vld [tilespmem:s9+$0xFFFFFFE0];
	v0 =	vor.u32 v7, v8  }
0x1ae: {  	v0 =	vor.u32 v9, v0;
	v11 =	vshll.u32 v62, $0x2  }
0x1af: {  	[tilespmem:s10+$0x10] =	vst v0;
	v12 =	vand.u32 $0xFFFF0000, v62;
	v13 =	vshrl.u32 v62, $0xE;
	v1 =	vand.u32 $0xFFFC, v11  }
0x1b0: {  	v14 =	vld [tilespmem:s9+$0x10];
	v2 =	vand.u32 $0x3, v13;
	v0 =	vor.u32 v12, v1  }
0x1b1: {  	v0 =	vor.u32 v2, v0  }
0x1b2: {  	v15 =	vshll.u32 v10, $0x2;
	[tilespmem:s10+$0x0] =	vst v0  }
0x1b3: {  	v16 =	vand.u32 $0xFFFF0000, v10;
	v17 =	vshrl.u32 v10, $0xE;
	v1 =	vand.u32 $0xFFFC, v15;
	v18 =	vld [tilespmem:s9+$0x0]  }
0x1b4: {  	v19 =	vand.u32 $0x3, v17;
	v0 =	vor.u32 v16, v1  }
0x1b5: {  	v0 =	vor.u32 v19, v0;
	v20 =	vshll.u32 v14, $0x2  }
0x1b6: {  	v21 =	vshrl.u32 v14, $0xE;
	v22 =	vand.u32 $0xFFFF0000, v14;
	[tilespmem:s9+$0xFFFFFFE0] =	vst v0;
	v1 =	vand.u32 $0xFFFC, v20  }
0x1b7: {  	v2 =	vand.u32 $0x3, v21;
	v23 =	vld [tilespmem:s8+$0xFFFFFFE0];
	v0 =	vor.u32 v22, v1  }
0x1b8: {  	v0 =	vor.u32 v2, v0;
	v24 =	vshll.u32 v18, $0x2  }
0x1b9: {  	[tilespmem:s9+$0x10] =	vst v0;
	v25 =	vand.u32 $0xFFFF0000, v18;
	v26 =	vshrl.u32 v18, $0xE;
	v1 =	vand.u32 $0xFFFC, v24  }
0x1ba: {  	v27 =	vld [tilespmem:s8+$0x10];
	v2 =	vand.u32 $0x3, v26;
	v0 =	vor.u32 v25, v1  }
0x1bb: {  	v0 =	vor.u32 v2, v0  }
0x1bc: {  	v28 =	vshll.u32 v23, $0x2;
	[tilespmem:s9+$0x0] =	vst v0  }
0x1bd: {  	v29 =	vand.u32 $0xFFFF0000, v23;
	v30 =	vshrl.u32 v23, $0xE;
	v1 =	vand.u32 $0xFFFC, v28;
	v31 =	vld [tilespmem:s8+$0x0]  }
0x1be: {  	v32 =	vand.u32 $0x3, v30;
	v0 =	vor.u32 v29, v1  }
0x1bf: {  	v0 =	vor.u32 v32, v0;
	v33 =	vshll.u32 v27, $0x2  }
0x1c0: {  	v34 =	vshrl.u32 v27, $0xE;
	v35 =	vand.u32 $0xFFFF0000, v27;
	v1 =	vand.u32 $0xFFFC, v33  }
0x1c1: {  	[tilespmem:s8+$0xFFFFFFE0] =	vst v0;
	v2 =	vand.u32 $0x3, v34;
	v0 =	vor.u32 v35, v1  }
0x1c2: {  	v36 =	vld [tilespmem:s7+$0xFFFFFFE0];
	v0 =	vor.u32 v2, v0;
	v37 =	vshll.u32 v31, $0x2  }
0x1c3: {  	[tilespmem:s8+$0x10] =	vst v0;
	v38 =	vand.u32 $0xFFFF0000, v31;
	v39 =	vshrl.u32 v31, $0xE;
	v1 =	vand.u32 $0xFFFC, v37  }
0x1c4: {  	v40 =	vld [tilespmem:s7+$0x10];
	v2 =	vand.u32 $0x3, v39;
	v0 =	vor.u32 v38, v1  }
0x1c5: {  	v0 =	vor.u32 v2, v0  }
0x1c6: {  	[tilespmem:s8+$0x0] =	vst v0  }
0x1c7: {  	v41 =	vshll.u32 v36, $0x2;
	v44 =	vld [tilespmem:s7+$0x0]  }
0x1c8: {  	v42 =	vand.u32 $0xFFFF0000, v36;
	v43 =	vshrl.u32 v36, $0xE;
	v1 =	vand.u32 $0xFFFC, v41  }
0x1c9: {  	v45 =	vand.u32 $0x3, v43;
	v0 =	vor.u32 v42, v1;
	v46 =	vshll.u32 v40, $0x2  }
0x1ca: {  	v47 =	vshrl.u32 v40, $0xE;
	v4 =	vand.u32 $0xFFFF0000, v40;
	v1 =	vand.u32 $0xFFFC, v46  }
0x1cb: {  	v0 =	vor.u32 v45, v0;
	v48 =	vand.u32 $0x3, v47;
	v1 =	vor.u32 v4, v1  }
0x1cc: {  	[tilespmem:s7+$0xFFFFFFE0] =	vst v0;
	v0 =	vor.u32 v48, v1;
	v50 =	vshll.u32 v44, $0x2  }
0x1cd: {  	v49 =	vld [tilespmem:s6+$0xFFFFFFE0];
	v51 =	vand.u32 $0xFFFF0000, v44;
	v3 =	vshrl.u32 v44, $0xE;
	v1 =	vand.u32 $0xFFFC, v50  }
0x1ce: {  	[tilespmem:s7+$0x10] =	vst v0;
	v52 =	vand.u32 $0x3, v3;
	v1 =	vor.u32 v51, v1  }
0x1cf: {  	v53 =	vld [tilespmem:s6+$0x10];
	v0 =	vor.u32 v52, v1  }
0x1d0: {  	[tilespmem:s7+$0x0] =	vst v0  }
0x1d1: {  	v55 =	vld [tilespmem:s6+$0x0]  }
0x1d2: {  	v54 =	vshll.u32 v49, $0x2;
	v2 =	vshrl.u32 v49, $0xE  }
0x1d3: {  	v56 =	vand.u32 $0xFFFF0000, v49;
	v2 =	vand.u32 $0x3, v2;
	v0 =	vand.u32 $0xFFFC, v54  }
0x1d4: {  	v0 =	vor.u32 v56, v0;
	v57 =	vshll.u32 v53, $0x2;
	v58 =	vshrl.u32 v53, $0xE  }
0x1d5: {  	v3 =	vand.u32 $0xFFFF0000, v53;
	v0 =	vor.u32 v2, v0;
	v2 =	vand.u32 $0xFFFC, v57  }
0x1d6: {  	v4 =	vand.u32 $0x3, v58;
	v2 =	vor.u32 v3, v2;
	v59 =	vshll.u32 v55, $0x2  }
0x1d7: {  	v60 =	vand.u32 $0xFFFF0000, v55;
	v1 =	vshrl.u32 v55, $0xE;
	v3 =	vand.u32 $0xFFFC, v59  }
0x1d8: {  	[tilespmem:s6+$0xFFFFFFE0] =	vst v0;
	v61 =	vor.u32 v4, v2;
	v1 =	vand.u32 $0x3, v1;
	v62 =	vor.u32 v60, v3  }
0x1d9: {  	[tilespmem:s6+$0x10] =	vst v61;
	v63 =	vor.u32 v1, v62  }
0x1da: {  	[tilespmem:s6+$0x0] =	vst v63  }
0x1db: {  	[tilespmem:s26], [sflag:$0x1] =	stream.indirect.gather [hbm4b:s5+s2], $0x10, s0, s2, $0xb8;
	[tilespmem:$0xFF00] =	vst v63  }
0x1dc: {  	s3 =	sadd.s32 $0x1, s3;
	_ =	swait.ge [sflag:s31], $0x5000  }
0x1dd: {  	p0 =	sne.s32 s3, s19;
	[sflag:s31] =	ssyncset.done $0x0  }
.Ltmp3:
0x1de: {  	[sflag:s31] =	ssyncadd.s32 $0xFFFFB000;
	(pc) =	sbr.rel @p0 .LBB2_1-.Ltmp3, $4  }
0x1df: {  	[hbm4b:s18+s1] =	stream.linear.scatter [tilespmem:s26], [sflag:$0x2], $0x5000, $0x38;
	[tilespmem:$0xFF00] =	vst v63  }
0x1e0: {  	_ =	swait.ge [sflag:s20], $0x5000  }
0x1e1: {  	[sflag:s20] =	ssyncset.done $0x0  }
0x1e2: {  	s11 =	simm.s32 $0x600;
	[sflag:s20] =	ssyncadd.s32 $0xFFFFB000  }
0x1e3: {  	_ =	sfence.sel $0x180000  }
0x1e4: {  	[bflag:$0x0] =	sbarrier.arrive $0xFFFF  }
0x1e5: {  	_ =	strace $0x9000004A  }
0x1e6: {  	s0 =	stileid.u32;
	[bflag:$0x2] =	sbarrier.arrive $0xFFFF  }
0x1e7: {  	p0 =	sne.s32 s0, $0x0;
	s0 =	rddreg [dreg:$0x4]  }
0x1e8: {  	s0 =	sadd.s32 @!p0 $0x100000, s0  }
0x1e9: {  	[sflag:s0] =	ssyncadd.tile.s32 @!p0 $0x1;
	_ =	shalt  }
.Lfunc_end2:
_tile_overlayer_lowered:
.L_overlay_start_2:
0x1ea: {  	(tag) =	ssettag $0x2  }
0x1eb: {  	s0 =	rddreg [dreg:$0x0];
	s2 =	stileid.u32  }
0x1ec: {  	s1 =	rddreg [dreg:$0x1];
	p0 =	sne.s32 s2, $0x0  }
0x1ed: {  	s3 =	rddreg [dreg:$0x2];
	[bflag:$0x3] =	sbarrier.arrive $0xFFFF;
	s2 =	simm.s32 @!p0 $0x1C02  }
0x1ee: {  	[timem:s3], [sflag:s2] =	dma.local @!p0 [hbm:s0], s1  }
0x1ef: {  	s0 =	simm.s32 @!p0 $0x2  }
0x1f0: {  	_ =	swait.ge @!p0 [sflag:s0], s1  }
0x1f1: {  	s1 =	ssub.s32 @!p0 $0x0, s1;
	[sflag:s0] =	ssyncset.done @!p0 $0x0  }
0x1f2: {  	[sflag:s0] =	ssyncadd.s32 @!p0 s1  }
0x1f3: {  	[bflag:$0x3] =	sbarrier.arrive $0xFFFF  }
0x1f4: {  	_ =	shalt  }

// kernel: sparse-core-data-format-call.cloned.1.call-start
scs
called_computation_lowered:
.L_overlay_start_0:
0x0: {  	s1 =	sld [smem:$0x3FD9]  }
0x1: {  	s2 =	sld [smem:$0x3FFE];
	_ =	sdelay $0x1  }
0x2: {  	s3 =	srdreg.scid  }
0x3: {  	s0 =	sand.u32 $0x1, s3  }
0x4: {  	s17 =	sshll.u32 s0, $0xA;
	s1 =	sadd.s32 s2, s1  }
0x5: {  	s1 =	sadd.s32 s1, s17  }
0x6: {  	[smem:$0x3FBE] =	sst s1  }
0x7: {  	_ = 	snop  }
0x8: {  	(tm) =	ssettm $0x1  }
0x9: {  	s18 =	sld [smem:$0x3FFB];
	_ =	sdelay $0x3  }
0xa: {  	_ =	strace s18  }
0xb: {  	s1 =	sld [smem:$0x3FFC];
	_ =	sdelay $0x3  }
0xc: {  	_ =	strace s1  }
0xd: {  	s1 =	sld [smem:$0x3FFD];
	_ =	sdelay $0x3  }
0xe: {  	_ =	strace s1  }
0xf: {  	_ =	strace $0x8FFFFFFF  }
0x10: {  	s19 =	sld [smem:$0x3FDB];
	_ =	sdelay $0x1  }
0x11: {  	s20 =	simm.s32 $_scs_section_size  }
0x12: {  	s4 =	simm.s32 $_size__tile_overlayer_lowered;
	s5 =	simm.s32 $_tile_overlayer_lowered  }
0x13: {  	s23 =	simm.s32 $0x1BFF;
	s22 =	sshll.u32 s5, $0x1;
	s1 =	sadd.s32 s20, s19  }
0x14: {  	s6 =	simm.s32 $0x0;
	s21 =	sshll.u32 s4, $0x1;
	s4 =	sadd.s32 s22, s1  }
0x15: {  	[timem:s6], [sflag:s23] =	dma.local [hbm:s4], s21  }
0x16: {  	_ =	swait.ge [sflag:s23], s21  }
0x17: {  	s2 =	ssub.s32 $0x0, s21;
	[sflag:s23] =	ssyncset.done $0x0  }
0x18: {  	[sflag:s23] =	ssyncadd.s32 s2;
	_ =	sdelay $0x1  }
0x19: {  	s24 =	simm.s32 $0x1B8B  }
0x1a: {  	_ =	swait.ge [sflag:s24], $0x1  }
0x1b: {  	[sflag:s24] =	ssyncset.done $0x0  }
0x1c: {  	s26 =	simm.s32 $0x1B8E;
	s25 =	sld [smem:$0x3FFE];
	[sflag:s24] =	ssyncadd.s32 $0xFFFFFFFF  }
0x1d: {  	s27 =	simm.s32 $execute0_lowered;
	[smem:$0x3FD2] =	sst s26  }
0x1e: {  	s4 =	sshll.u32 s27, $0x1;
	_ =	strace $0x80000046;
	[dreg:$0x1] =	wrdreg $0xFFFFFFFF  }
0x1f: {  	s28 =	simm.s32 $_size_execute0_lowered;
	s1 =	sadd.s32 s1, s4;
	[dreg:$0x0] =	wrdreg $0x0  }
0x20: {  	s4 =	sshll.u32 s28, $0x1;
	[dreg:$0x2] =	wrdreg s1  }
0x21: {  	[dreg:$0x3] =	wrdreg s4  }
0x22: {  	[dreg:$0x4] =	wrdreg $0xC0  }
0x23: {  	_ =	task [dreg:s6], $0x5FFFF  }
0x24: {  	[dreg:$0x1] =	wrdreg $0xFFFFFFFF  }
0x25: {  	[dreg:$0x0] =	wrdreg $0x60  }
0x26: {  	[dreg:$0x2] =	wrdreg s25  }
0x27: {  	[dreg:$0x3] =	wrdreg $0x9  }
0x28: {  	_ =	task.clear_ibuf [dreg:s6], $0x4FFFF;
	_ =	strace $0x90000046  }
0x29: {  	s29 =	simm.s32 $0x9;
	_ =	strace $0x80000048  }
0x2a: {  	_ =	swait.ge [sflag:s29], $0x1  }
0x2b: {  	[sflag:s29] =	ssyncadd.s32 $0xFFFFFFFF  }
0x2c: {  	_ =	strace $0x90000048  }
0x2d: {  	_ =	sfence  }
0x2e: {  	s30 =	sld [smem:$0x0];
	_ =	sdelay $0x2  }
0x2f: {  	s31 =	sshll.u32 s3, $0xD;
	s3 =	sshrl.u32 s3, $0x2  }
0x30: {  	s2 =	sand.u32 $0x4000, s31;
	s1 =	sadd.s32 s3, s30  }
0x31: {  	s0 =	sor.u32 s2, s0;
	s1 =	sshll.u32 s1, $0x11  }
0x32: {  	s0 =	sor.u32 s1, s0  }
0x33: {  	s0 =	sadd.s32 $0x8F2B, s0  }
0x34: {  	[sflag:s0] =	ssyncadd.remote.s32 $0x1  }
0x35: {  	_ =	sfence.sel $0xFFFF  }
0x36: {  	[dreg:$0x0] =	wrdreg $0xFFFFFFFF;
	(pc) =	sbr.abs _section_cstart, $3  }
0x37: {  	[dreg:$0x1] =	wrdreg $0xFFFFFFFF  }
0x38: {  	_ =	task.clear_ibuf [dreg:s6], $0x2FFFF;
	_ =	strace $0x9FFFFFFF  }
0x39: {  	(tm) =	ssettm $0x7FFFFFFF  }
tec
execute0_lowered:
.L_overlay_start_1:
0x0: {  	(tag) =	ssettag $0x1  }
0x1: {  	s0 =	srdreg.scid  }
0x2: {  	s1 =	sshll.u32 s0, $0x4  }
0x3: {  	s4 =	rddreg [dreg:$0x0];
	s0 =	stileid.u32;
	s1 =	sand.u32 $0x10, s1  }
0x4: {  	s7 =	simm.s32 $0x1;
	s8 =	simm.s32 $0x2;
	s1 =	sor.u32 s0, s1  }
0x5: {  	s9 =	simm.s32 $0x0;
	s12 =	simm.s32 $0x0;
	s2 =	sshll.u32 s1, $0x4  }
0x6: {  	s11 =	simm.s32 $0x0;
	s3 =	sadd.s32 $0x2A00, s4;
	s6 =	ssub.s32 $0x4000, s2  }
.Ltmp0:
0x7: {  	s4 =	sadd.s32 $0x202A00, s4;
	s5 =	sand.u32 $0x1F0, s6;
	(pc) =	sbr.rel .LBB1_1-.Ltmp0, $4  }
0x8: {  	s1 =	rddreg [dreg:$0x1];
	_ =	strace $0x80000047;
	p0 =	sne.s32 s5, $0x0  }
0x9: {  	s6 =	sshrl.u32 s6, $0x9;
	s5 =	simm.s32 $0x1;
	s7 =	simm.s32 @!p0 $0x0  }
0xa: {  	s10 =	smov.u32 s2;
	[sflag:s5] =	ssyncpa.u1 $0x0;
	s6 =	sadd.s32 s7, s6  }
0xb: {  	[sflag:s8] =	ssyncpa.u1 $0x0;
	s8 =	simm.s32 $0x0;
	s7 =	sadd.s32 $0x1, s6  }
.LBB1_7:
0xc: {  	s14 =	sadd.s32 $0x200, s10  }
0xd: {  	p1 =	sgt.s32 s14, $0x3FFF  }
0xe: {  	s14 =	smov.u32 @p1 s2;
	p1 =	sne.s32 s11, s7  }
.Ltmp1:
0xf: {  	p0 =	slt.u32 s11, $0x2;
	(pc) =	sbr.rel @!p1 .LBB1_8-.Ltmp1, $4  }
0x10: {  	s13 =	simm.s32 @!p0 $0x2  }
0x11: {  	s15 =	sadd.s32 $0x1, s11;
	_ =	swait.ge @!p0 [sflag:s13], $0x4000  }
0x12: {  	s12 =	smov.u32 s10;
	s9 =	sadd.s32 $0x8000, s9;
	[sflag:s13] =	ssyncset.done @!p0 $0x0  }
0x13: {  	s11 =	smov.u32 s15;
	s10 =	smov.u32 s14;
	[sflag:s13] =	ssyncadd.s32 @!p0 $0xFFFFC000  }
.LBB1_1:
0x14: {  	p0 =	sge.u32 s11, s6  }
0x15: {  	s13 =	sxor.u32 @!p0 $0xFFFFFFFF, s11  }
0x16: {  	s31 =	sadd.s32 $0xFFFFFFFF, s11;
	s14 =	sshll.u32 @!p0 s10, $0x7;
	s13 =	sshll.u32 @!p0 s13, $0xE  }
0x17: {  	s15 =	simm.s32 @!p0 $0x0;
	s14 =	sadd.s32 @!p0 s3, s14;
	s13 =	sand.u32 @!p0 $0x4000, s13  }
0x18: {  	[tilespmem:s13], [sflag:$0x1] =	stream.linear.gather @!p0 [hbm4b:s14+s15], $0x4000, $0x38;
	[tilespmem:$0x10000] =	vst v63  }
0x19: {  	p0 =	sge.u32 s31, s6  }
.Ltmp2:
0x1a: {  	_ = 	snop;
	(pc) =	sbr.rel @p0 .LBB1_7-.Ltmp2, $1  }
0x1b: {  	_ =	sdelay $0x3  }
0x1c: {  	s13 =	sshrl.u32 s9, $0x1;
	_ =	swait.ge [sflag:s5], $0x4000  }
0x1d: {  	s15 =	sshll.u32 s11, $0xE;
	s16 =	simm.s32 $0x0;
	s14 =	sand.u32 $0x4000, s13  }
0x1e: {  	[sflag:s5] =	ssyncset.done $0x0;
	s15 =	sand.u32 $0x4000, s15;
	s13 =	sor.u32 $0x200, s14  }
0x1f: {  	s14 =	sor.u32 $0x8080, s14;
	[sflag:s5] =	ssyncadd.s32 $0xFFFFC000;
	s15 =	sor.u32 $0x8000, s15  }
.LBB1_3:
0x20: {  	v0 =	vld [tilespmem:s13+$0xFFFFFE70]  }
0x21: {  	v1 =	vld [tilespmem:s13+$0x70]  }
0x22: {  	v2 =	vld [tilespmem:s13+$0x0]  }
0x23: {  	v3 =	vld [tilespmem:s13+$0xFFFFFE10]  }
0x24: {  	v4 =	vld [tilespmem:s13+$0x10]  }
0x25: {  	v5 =	vld [tilespmem:s13+$0xFFFFFE20]  }
0x26: {  	v7 =	vld [tilespmem:s13+$0x20]  }
0x27: {  	v11 =	vld [tilespmem:s13+$0x30];
	v6 =	vunpack.i.l.s16.s32 v0;
	v8 =	vunpack.i.u.s16.s32 v0;
	v9 =	vunpack.i.u.s16.s32 v1  }
0x28: {  	v10 =	vunpack.i.l.s16.s32 v1;
	v0 =	vunpack.i.u.s16.s32 v2;
	v1 =	vunpack.i.l.s16.s32 v2;
	v2 =	vld [tilespmem:s13+$0xFFFFFE30]  }
0x29: {  	v8 =	vpack.i.b32.b16 v9, v8;
	v9 =	vunpack.i.u.s16.s32 v3;
	v3 =	vunpack.i.l.s16.s32 v3  }
0x2a: {  	v12 =	vld [tilespmem:s13+$0xFFFFFE40];
	v6 =	vpack.i.b32.b16 v10, v6;
	[tilespmem:s14+$0x70] =	vst v8;
	v8 =	vunpack.i.u.s16.s32 v4;
	v4 =	vunpack.i.l.s16.s32 v4  }
0x2b: {  	v13 =	vld [tilespmem:s13+$0x40];
	v10 =	vunpack.i.u.s16.s32 v5;
	v5 =	vunpack.i.l.s16.s32 v5;
	[tilespmem:s14+$0xFFFFFFF0] =	vst v6;
	v3 =	vpack.i.b32.b16 v4, v3  }
0x2c: {  	v6 =	vunpack.i.l.s16.s32 v7;
	v4 =	vld [tilespmem:s13+$0xFFFFFE50];
	[tilespmem:s14+$0xFFFFFF90] =	vst v3;
	v3 =	vpack.i.b32.b16 v8, v9;
	v8 =	vunpack.i.u.s16.s32 v7  }
0x2d: {  	v7 =	vunpack.i.l.s16.s32 v11;
	[tilespmem:s14+$0x10] =	vst v3;
	v3 =	vpack.i.b32.b16 v6, v5;
	v9 =	vunpack.i.u.s16.s32 v2;
	v6 =	vld [tilespmem:s13+$0x50]  }
0x2e: {  	v5 =	vunpack.i.l.s16.s32 v2;
	v2 =	vld [tilespmem:s13+$0xFFFFFE60];
	[tilespmem:s14+$0xFFFFFFA0] =	vst v3;
	v3 =	vpack.i.b32.b16 v8, v10;
	v10 =	vunpack.i.u.s16.s32 v11  }
0x2f: {  	s19 =	simm.s32 $0x0;
	v11 =	vpack.i.b32.b16 v7, v5;
	v7 =	vunpack.i.u.s16.s32 v12;
	v8 =	vunpack.i.l.s16.s32 v12;
	[tilespmem:s14+$0x20] =	vst v3;
	v3 =	vld [tilespmem:s13+$0x60]  }
0x30: {  	s20 =	sadd.s32 $0x80, s13;
	s18 =	smov.u32 s14;
	s17 =	smov.u32 s14;
	v5 =	vld [tilespmem:s13+$0xFFFFFE00];
	[tilespmem:s14+$0xFFFFFFB0] =	vst v11;
	v10 =	vpack.i.b32.b16 v10, v9;
	v9 =	vunpack.i.u.s16.s32 v13;
	v11 =	vunpack.i.l.s16.s32 v13  }
.LBB1_4:
0x31: {  	v12 =	vld [tilespmem:s20+$0xFFFFFE70];
	[tilespmem:s18+$0x30] =	vst v10;
	v8 =	vpack.i.b32.b16 v11, v8;
	v10 =	vunpack.i.u.s16.s32 v4;
	v4 =	vunpack.i.l.s16.s32 v4  }
0x32: {  	s19 =	sadd.s32 $0x2, s19;
	v7 =	vpack.i.b32.b16 v9, v7;
	v11 =	vld [tilespmem:s20+$0x70];
	[tilespmem:s18+$0xFFFFFFC0] =	vst v8;
	v8 =	vunpack.i.u.s16.s32 v6;
	v6 =	vunpack.i.l.s16.s32 v6  }
0x33: {  	p0 =	slt.u32 s19, $0x6;
	v9 =	vld [tilespmem:s20+$0x0];
	[tilespmem:s18+$0x40] =	vst v7;
	v4 =	vpack.i.b32.b16 v6, v4;
	v6 =	vunpack.i.u.s16.s32 v2;
	v2 =	vunpack.i.l.s16.s32 v2  }
0x34: {  	v7 =	vld [tilespmem:s20+$0xFFFFFE10];
	[tilespmem:s18+$0xFFFFFFD0] =	vst v4;
	v4 =	vpack.i.b32.b16 v8, v10;
	v8 =	vunpack.i.u.s16.s32 v3;
	v3 =	vunpack.i.l.s16.s32 v3  }
0x35: {  	v10 =	vld [tilespmem:s20+$0x10];
	v13 =	vunpack.i.u.s16.s32 v5;
	v5 =	vunpack.i.l.s16.s32 v5;
	[tilespmem:s18+$0x50] =	vst v4;
	v2 =	vpack.i.b32.b16 v3, v2  }
0x36: {  	v3 =	vld [tilespmem:s20+$0xFFFFFE20];
	v4 =	vunpack.i.l.s16.s32 v12;
	v1 =	vpack.i.b32.b16 v1, v5;
	v5 =	vpack.i.b32.b16 v0, v13;
	[tilespmem:s18+$0xFFFFFFE0] =	vst v2  }
0x37: {  	v12 =	vunpack.i.u.s16.s32 v12;
	v2 =	vld [tilespmem:s20+$0x20];
	v13 =	vunpack.i.u.s16.s32 v11;
	v11 =	vunpack.i.l.s16.s32 v11;
	[tilespmem:s18+$0xFFFFFF80] =	vst v1  }
0x38: {  	s18 =	sadd.s32 $0x100, s18;
	v0 =	vunpack.i.u.s16.s32 v9;
	v1 =	vunpack.i.l.s16.s32 v9;
	v9 =	vld [tilespmem:s20+$0xFFFFFE30];
	v12 =	vpack.i.b32.b16 v13, v12;
	[tilespmem:s17+$0x0] =	vst v5  }
0x39: {  	v6 =	vpack.i.b32.b16 v8, v6;
	v5 =	vunpack.i.u.s16.s32 v7;
	v7 =	vunpack.i.l.s16.s32 v7;
	v13 =	vld [tilespmem:s20+$0x30];
	[tilespmem:s18+$0x70] =	vst v12  }
0x3a: {  	v4 =	vpack.i.b32.b16 v11, v4;
	v8 =	vunpack.i.u.s16.s32 v10;
	v10 =	vunpack.i.l.s16.s32 v10;
	v12 =	vld [tilespmem:s20+$0xFFFFFE40];
	[tilespmem:s17+$0x60] =	vst v6;
	s17 =	smov.u32 s18  }
0x3b: {  	v6 =	vpack.i.b32.b16 v10, v7;
	v7 =	vunpack.i.u.s16.s32 v3;
	v3 =	vunpack.i.l.s16.s32 v3;
	v11 =	vld [tilespmem:s20+$0x40];
	[tilespmem:s18+$0xFFFFFFF0] =	vst v4  }
.Ltmp3:
0x3c: {  	v5 =	vpack.i.b32.b16 v8, v5;
	[tilespmem:s18+$0xFFFFFF90] =	vst v6;
	v8 =	vunpack.i.u.s16.s32 v2;
	v2 =	vunpack.i.l.s16.s32 v2;
	v4 =	vld [tilespmem:s20+$0xFFFFFE50];
	(pc) =	sbr.rel @p0 .LBB1_4-.Ltmp3, $4  }
0x3d: {  	[tilespmem:s18+$0x10] =	vst v5;
	v2 =	vpack.i.b32.b16 v2, v3;
	v10 =	vunpack.i.u.s16.s32 v9;
	v3 =	vunpack.i.l.s16.s32 v9;
	v6 =	vld [tilespmem:s20+$0x50]  }
0x3e: {  	v5 =	vpack.i.b32.b16 v8, v7;
	[tilespmem:s18+$0xFFFFFFA0] =	vst v2;
	v9 =	vunpack.i.u.s16.s32 v13;
	v7 =	vunpack.i.l.s16.s32 v13;
	v2 =	vld [tilespmem:s20+$0xFFFFFE60]  }
0x3f: {  	[tilespmem:s18+$0x20] =	vst v5;
	v13 =	vpack.i.b32.b16 v7, v3;
	v7 =	vunpack.i.u.s16.s32 v12;
	v8 =	vunpack.i.l.s16.s32 v12;
	v3 =	vld [tilespmem:s20+$0x60]  }
0x40: {  	v10 =	vpack.i.b32.b16 v9, v10;
	v5 =	vld [tilespmem:s20+$0xFFFFFE00];
	[tilespmem:s18+$0xFFFFFFB0] =	vst v13;
	v9 =	vunpack.i.u.s16.s32 v11;
	v11 =	vunpack.i.l.s16.s32 v11;
	s20 =	sadd.s32 $0x80, s20  }
0x41: {  	[tilespmem:s18+$0x30] =	vst v10;
	v8 =	vpack.i.b32.b16 v11, v8  }
0x42: {  	v51 =	vunpack.i.l.s16.s32 v4;
	v7 =	vpack.i.b32.b16 v9, v7;
	[tilespmem:s18+$0xFFFFFFC0] =	vst v8;
	v52 =	vunpack.i.l.s16.s32 v6  }
0x43: {  	v53 =	vunpack.i.u.s16.s32 v4;
	s16 =	sadd.s32 $0x1, s16;
	v54 =	vunpack.i.u.s16.s32 v6;
	[tilespmem:s18+$0x40] =	vst v7;
	v55 =	vpack.i.b32.b16 v52, v51  }
0x44: {  	p0 =	sne.s32 s16, $0x10;
	v56 =	vunpack.i.l.s16.s32 v2;
	v4 =	vpack.i.b32.b16 v54, v53;
	[tilespmem:s18+$0xFFFFFFD0] =	vst v55;
	v57 =	vunpack.i.l.s16.s32 v3  }
.Ltmp4:
0x45: {  	[tilespmem:s18+$0x50] =	vst v4;
	v58 =	vunpack.i.l.s16.s32 v5;
	v59 =	vpack.i.b32.b16 v57, v56;
	(pc) =	sbr.rel @p0 .LBB1_3-.Ltmp4, $4  }
0x46: {  	v61 =	vunpack.i.u.s16.s32 v2;
	v62 =	vunpack.i.u.s16.s32 v3;
	v1 =	vpack.i.b32.b16 v1, v58;
	[tilespmem:s18+$0xFFFFFFE0] =	vst v59  }
0x47: {  	v60 =	vunpack.i.u.s16.s32 v5;
	v63 =	vpack.i.b32.b16 v62, v61;
	[tilespmem:s18+$0xFFFFFF80] =	vst v1  }
0x48: {  	v0 =	vpack.i.b32.b16 v0, v60;
	[tilespmem:s17+$0x60] =	vst v63  }
0x49: {  	s13 =	sadd.s32 $0x400, s13;
	s14 =	sadd.s32 $0x400, s14;
	[tilespmem:s17+$0x0] =	vst v0  }
.Ltmp5:
0x4a: {  	(pc) =	sbr.rel .LBB1_7-.Ltmp5, $4  }
0x4b: {  	_ = 	snop  }
0x4c: {  	s12 =	sshll.u32 s12, $0x7  }
0x4d: {  	s12 =	sadd.s32 s4, s12  }
0x4e: {  	[hbm4b:s12+s8] =	stream.linear.scatter [tilespmem:s15], [sflag:$0x2], $0x4000, $0x38;
	[tilespmem:$0x10000] =	vst v63  }
.LBB1_8:
0x4f: {  	_ =	sfence.sel $0x180000  }
0x50: {  	s2 =	simm.s32 $0x1;
	[bflag:$0x0] =	sbarrier.arrive $0xFFFF  }
0x51: {  	s31 =	simm.s32 $0x2;
	[sflag:s2] =	ssyncpa.u1 $0x1  }
0x52: {  	[sflag:s31] =	ssyncpa.u1 $0x1  }
0x53: {  	p0 =	sne.s32 s0, $0x0;
	_ =	strace $0x90000047  }
0x54: {  	s0 =	sadd.s32 @!p0 $0x100000, s1;
	[bflag:$0x2] =	sbarrier.arrive $0xFFFF  }
0x55: {  	[sflag:s0] =	ssyncadd.tile.s32 @!p0 $0x1;
	_ =	shalt  }
.Lfunc_end1:
_tile_overlayer_lowered:
.L_overlay_start_2:
0x56: {  	(tag) =	ssettag $0x2  }
0x57: {  	s0 =	rddreg [dreg:$0x0];
	s2 =	stileid.u32  }
0x58: {  	s1 =	rddreg [dreg:$0x1];
	p0 =	sne.s32 s2, $0x0  }
0x59: {  	s3 =	rddreg [dreg:$0x2];
	[bflag:$0x3] =	sbarrier.arrive $0xFFFF;
	s2 =	simm.s32 @!p0 $0x1C01  }
0x5a: {  	[timem:s3], [sflag:s2] =	dma.local @!p0 [hbm:s0], s1  }
0x5b: {  	s0 =	simm.s32 @!p0 $0x1  }
0x5c: {  	_ =	swait.ge @!p0 [sflag:s0], s1  }
0x5d: {  	s1 =	ssub.s32 @!p0 $0x0, s1;
	[sflag:s0] =	ssyncset.done @!p0 $0x0  }
0x5e: {  	[sflag:s0] =	ssyncadd.s32 @!p0 s1  }
0x5f: {  	[bflag:$0x3] =	sbarrier.arrive $0xFFFF  }
0x60: {  	_ =	shalt  }

</sc_bundles>
